<compile_context>
chip_gen: v7x
topology: tpu7x:2x2x1
jax: 0.10.2.dev20260603
libtpu: 0.0.44.dev20260713+nightly
codegen_flags: <defaults>
</compile_context>

<pallas_src>
import functools

import jax
import jax.numpy as jnp
from jax import lax
from jax.experimental import pallas as pl
from jax.experimental.pallas import tpu as pltpu
from jax.experimental.pallas import tpu_sc as plsc

E = 8
TOPK = 2
INTER = 1536
T = 2048
D = 768
NSLOTS = T * TOPK
TILE = 256
TSHIFT = 8
PADT = NSLOTS + E * TILE
NT = PADT // TILE
NWORK = 32
NTMETA = 32


def _lane_cumsum(a):
    n = a.shape[1]
    sh = 1
    while sh < n:
        z = jnp.zeros((1, sh), a.dtype)
        a = a + jnp.concatenate([z, a[:, : n - sh]], axis=1)
        sh *= 2
    return a


RTILE = 256


def _router_body(x_ref, wr_ref, pos_ref, wsl_ref, tmeta_ref, xlin_ref,
                 route_sc):
    i = pl.program_id(0)
    x = x_ref[...][:, 0, :]
    xlin_ref[...] = x
    route_sc[:, pl.ds(i * RTILE, RTILE)] = lax.dot_general(
        wr_ref[...], x, (((1,), (1,)), ((), ())),
        preferred_element_type=jnp.float32)

    @pl.when(i == T // RTILE - 1)
    def _():
        _router_finish(route_sc, pos_ref, wsl_ref, tmeta_ref)


def _router_finish(route_sc, pos_ref, wsl_ref, tmeta_ref):
    route = route_sc[...]
    m0 = jnp.max(route, axis=0, keepdims=True)
    idx = lax.broadcasted_iota(jnp.int32, route.shape, 0)
    e0 = jnp.min(jnp.where(route == m0, idx, E), axis=0, keepdims=True)
    route1 = jnp.where(idx == e0, -jnp.inf, route)
    m1 = jnp.max(route1, axis=0, keepdims=True)
    e1 = jnp.min(jnp.where(route1 == m1, idx, E), axis=0, keepdims=True)
    ez = jnp.exp(m1 - m0)
    denom = 1.0 + ez
    w0 = 1.0 / denom
    w1 = ez / denom

    eslots = jnp.concatenate([e0, e1], axis=1)
    wsl_ref[...] = jnp.concatenate([w0, w1], axis=1)

    tlane = lax.broadcasted_iota(jnp.int32, (1, NTMETA), 1) * TILE
    off = jnp.zeros((1, 1), jnp.int32)
    rankpos = jnp.zeros((1, NSLOTS), jnp.int32)
    texp = jnp.zeros((1, NTMETA), jnp.int32)
    lastexp = jnp.zeros((1, 1), jnp.int32)
    for e in range(E):
        m = eslots == e
        mi = m.astype(jnp.int32)
        csum = _lane_cumsum(mi)
        cnt = csum[:, -1:]
        rankpos = jnp.where(m, csum - mi + off, rankpos)
        pc = ((cnt + (TILE - 1)) >> TSHIFT) << TSHIFT
        texp = jnp.where((tlane >= off) & (tlane < off + pc), e, texp)
        lastexp = jnp.where(cnt > 0, e, lastexp)
        off = off + pc
    tvalid = (tlane < off).astype(jnp.int32)
    texp = jnp.where(tvalid > 0, texp, lastexp)
    pos_ref[...] = rankpos
    tmeta_ref[...] = jnp.concatenate([texp, tvalid], axis=0)


def _dispatch_body(x_hbm, pos_hbm, xs_hbm, idx_v, rows_v, sem1):
    wid = lax.axis_index("s") * 2 + lax.axis_index("c")
    base = wid * (NSLOTS // NWORK)
    tok = lax.rem(base, T)
    pltpu.sync_copy(pos_hbm.at[wid], idx_v)
    pltpu.sync_copy(x_hbm.at[pl.ds(tok, NSLOTS // NWORK)], rows_v)
    pltpu.async_copy(rows_v, xs_hbm.at[idx_v], sem1).wait()


def _ffn_body(te_ref, tv_ref, xs_ref, w1_ref, b1_ref, w2_ref, b2_ref,
              ys_ref, w1bf, w2bf, prev):
    i = pl.program_id(0)

    @pl.when((i == 0) | (prev[0] != te_ref[i]))
    def _():
        w1bf[...] = w1_ref[0].astype(jnp.bfloat16)
        w2bf[...] = w2_ref[0].astype(jnp.bfloat16)
        prev[0] = te_ref[i]

    @pl.when(tv_ref[i] != 0)
    def _():
        xb = xs_ref[...].astype(jnp.bfloat16)
        h = lax.dot_general(
            xb, w1bf[...], (((1,), (1,)), ((), ())),
            preferred_element_type=jnp.float32)
        h = h + b1_ref[0]
        x0 = h[:, :INTER]
        x1 = h[:, INTER:]
        act = (x0 * (x1 * lax.logistic(x1))).astype(jnp.bfloat16)
        o = lax.dot_general(
            act, w2bf[...], (((1,), (1,)), ((), ())),
            preferred_element_type=jnp.float32)
        ys_ref[...] = o + b2_ref[0]


def _combine_body(ys_hbm, pos_hbm, wbc_hbm, out_hbm, idx0_v, idx1_v,
                  w0_v, w1_v, r0_v, r1_v, sem0, sem1):
    wid = lax.axis_index("s") * 2 + lax.axis_index("c")
    tpw = T // NWORK
    tb = wid * tpw
    pltpu.sync_copy(pos_hbm.at[pl.ds(tb, tpw)], idx0_v)
    pltpu.sync_copy(pos_hbm.at[pl.ds(T + tb, tpw)], idx1_v)
    pltpu.sync_copy(wbc_hbm.at[pl.ds(tb, tpw)], w0_v)
    pltpu.sync_copy(wbc_hbm.at[pl.ds(T + tb, tpw)], w1_v)
    c0 = pltpu.async_copy(ys_hbm.at[idx0_v], r0_v, sem0)
    c1 = pltpu.async_copy(ys_hbm.at[idx1_v], r1_v, sem1)
    c0.wait()
    c1.wait()

    def body(i, carry):
        w0 = w0_v[i, :]
        w1 = w1_v[i, :]
        for j in range(D // 16):
            sl = pl.ds(j * 16, 16)
            r0_v[i, sl] = r0_v[i, sl] * w0 + r1_v[i, sl] * w1
        return carry

    lax.fori_loop(0, tpw, body, 0)
    pltpu.sync_copy(r0_v, out_hbm.at[pl.ds(tb, tpw)])


def _copy_body(src_ref, dst_ref):
    dst_ref[...] = src_ref[...][:, None, :]


def _make_sc_kernels():
    mesh = plsc.VectorSubcoreMesh(core_axis_name="c", subcore_axis_name="s")
    params = pltpu.CompilerParams(use_tc_tiling_on_sc=True)
    dispatch = functools.partial(
        pl.kernel,
        out_type=jax.ShapeDtypeStruct((PADT, D), jnp.float32),
        mesh=mesh,
        compiler_params=params,
        scratch_types=[
            pltpu.VMEM((NSLOTS // NWORK,), jnp.int32),
            pltpu.VMEM((NSLOTS // NWORK, D), jnp.float32),
            pltpu.SemaphoreType.DMA,
        ],
    )(_dispatch_body)
    combine = functools.partial(
        pl.kernel,
        out_type=jax.ShapeDtypeStruct((T, D), jnp.float32),
        mesh=mesh,
        compiler_params=params,
        scratch_types=[
            pltpu.VMEM((T // NWORK,), jnp.int32),
            pltpu.VMEM((T // NWORK,), jnp.int32),
            pltpu.VMEM((T // NWORK, 16), jnp.float32),
            pltpu.VMEM((T // NWORK, 16), jnp.float32),
            pltpu.VMEM((T // NWORK, D), jnp.float32),
            pltpu.VMEM((T // NWORK, D), jnp.float32),
            pltpu.SemaphoreType.DMA,
            pltpu.SemaphoreType.DMA,
        ],
    )(_combine_body)
    return dispatch, combine


def kernel(hidden_states, Wr, W1, b1, W2, b2):
    s, b, d = hidden_states.shape

    pos1r, wsl1r, tmeta, xlin = pl.pallas_call(
        _router_body,
        grid=(T // RTILE,),
        in_specs=[
            pl.BlockSpec((RTILE, 1, D), lambda i: (i, 0, 0)),
            pl.BlockSpec((E, D), lambda i: (0, 0)),
        ],
        out_specs=[
            pl.BlockSpec((1, NSLOTS), lambda i: (0, 0)),
            pl.BlockSpec((1, NSLOTS), lambda i: (0, 0)),
            pl.BlockSpec((2, NTMETA), lambda i: (0, 0)),
            pl.BlockSpec((RTILE, D), lambda i: (i, 0)),
        ],
        out_shape=[
            jax.ShapeDtypeStruct((1, NSLOTS), jnp.int32),
            jax.ShapeDtypeStruct((1, NSLOTS), jnp.float32),
            jax.ShapeDtypeStruct((2, NTMETA), jnp.int32),
            jax.ShapeDtypeStruct((T, D), jnp.float32),
        ],
        scratch_shapes=[pltpu.VMEM((E, T), jnp.float32)],
    )(hidden_states, Wr)

    pos32 = pos1r.reshape(NWORK, NSLOTS // NWORK)
    pos1d = pos1r.reshape(NSLOTS)
    wbc = jnp.broadcast_to(wsl1r.reshape(NSLOTS, 1), (NSLOTS, 16))
    texp = tmeta[0, :NT]
    tvalid = tmeta[1, :NT]

    dispatch, combine = _make_sc_kernels()
    xs = dispatch(xlin, pos32)

    ys = pl.pallas_call(
        _ffn_body,
        grid_spec=pltpu.PrefetchScalarGridSpec(
            num_scalar_prefetch=2,
            grid=(NT,),
            in_specs=[
                pl.BlockSpec((TILE, D), lambda i, te, tv: (i, 0)),
                pl.BlockSpec((1, 2 * INTER, D), lambda i, te, tv: (te[i], 0, 0)),
                pl.BlockSpec((1, 1, 2 * INTER), lambda i, te, tv: (te[i], 0, 0)),
                pl.BlockSpec((1, D, INTER), lambda i, te, tv: (te[i], 0, 0)),
                pl.BlockSpec((1, 1, D), lambda i, te, tv: (te[i], 0, 0)),
            ],
            out_specs=pl.BlockSpec((TILE, D), lambda i, te, tv: (i, 0)),
            scratch_shapes=[
                pltpu.VMEM((2 * INTER, D), jnp.bfloat16),
                pltpu.VMEM((D, INTER), jnp.bfloat16),
                pltpu.SMEM((1,), jnp.int32),
            ],
        ),
        out_shape=jax.ShapeDtypeStruct((PADT, D), jnp.float32),
        compiler_params=pltpu.CompilerParams(
            vmem_limit_bytes=100 * 1024 * 1024),
    )(texp, tvalid, xs, W1, b1.reshape(E, 1, 2 * INTER), W2,
      b2.reshape(E, 1, D))

    out_lin = combine(ys, pos1d, wbc)
    CT = 256
    out = pl.pallas_call(
        _copy_body,
        grid=(T // CT,),
        in_specs=[pl.BlockSpec((CT, D), lambda i: (i, 0))],
        out_specs=pl.BlockSpec((CT, 1, D), lambda i: (i, 0, 0)),
        out_shape=jax.ShapeDtypeStruct((T, 1, D), jnp.float32),
    )(out_lin)
    return out

# --- scband reference (transcript-rebuilt; emitter-appended) ---
"""Pipeline reference for scband-fm4-bio-mlp-833223656395 (READ-ONLY COPY).

The authoritative reference and input builder live on the scoring server;
editing this copy changes nothing except your own understanding.
"""

import jax, jax.numpy as jnp
import numpy as np

S, B, D = 2048, 1, 768
E = 8
TOPK = 2
INTER = 1536  # config.intermediate_size; h_to_4h outputs 2*INTER for swiglu


def setup_inputs(seed: int = 0) -> dict:
    key = jax.random.key(seed)
    ks = jax.random.split(key, 6)
    hidden_states = jax.random.normal(ks[0], (S, B, D), dtype=jnp.float32)
    # router: nn.Linear(hidden_size, num_experts, bias=False), weight [E, D]
    Wr = jax.random.normal(ks[1], (E, D), dtype=jnp.float32) * 0.02
    # dense_h_to_4h_i: nn.Linear(D, 2*INTER), stacked over experts
    W1 = jax.random.normal(ks[2], (E, 2 * INTER, D), dtype=jnp.float32) * 0.02
    b1 = jnp.zeros((E, 2 * INTER), dtype=jnp.float32)
    # dense_4h_to_h_i: nn.Linear(INTER, D), stacked over experts
    W2 = jax.random.normal(ks[3], (E, D, INTER), dtype=jnp.float32) * 0.02
    b2 = jnp.zeros((E, D), dtype=jnp.float32)
    return {"hidden_states": hidden_states, "Wr": Wr, "W1": W1, "b1": b1, "W2": W2, "b2": b2}


def reference(hidden_states, Wr, W1, b1, W2, b2):
    s, b, n = hidden_states.shape
    x = hidden_states.reshape(-1, n)  # [T, D]
    # router in float32
    route = jnp.dot(x.astype(jnp.float32), Wr.T)  # [T, E]
    weights, selected_experts = jax.lax.top_k(route, TOPK)  # [T, K]
    weights = jax.nn.softmax(weights.astype(jnp.float32), axis=1).astype(x.dtype)
    # per-expert combine weight (0 if expert not selected) -- equivalent to the
    # torch.where scatter loop: output[t] += w[t,k] * expert_e(x[t]) for selected e
    oh = jax.nn.one_hot(selected_experts, E, dtype=weights.dtype)  # [T, K, E]
    w_e = jnp.einsum('tk,tke->te', weights, oh)  # [T, E]
    # expert FFNs (computed for all tokens, masked by w_e which is 0 for non-routed)
    h = jnp.einsum('td,eod->teo', x, W1) + b1[None, :, :]  # [T, E, 2*INTER]
    x0, x1 = jnp.split(h, 2, axis=-1)
    act = x0 * jax.nn.silu(x1)  # swiglu, [T, E, INTER]
    out_e = jnp.einsum('tei,edi->ted', act, W2) + b2[None, :, :]  # [T, E, D]
    output = jnp.einsum('te,ted->td', w_e, out_e)  # [T, D]
    return output.reshape(s, b, n)

if __name__ == "__main__":
    import jax
    _d = setup_inputs()
    print(jax.jit(kernel)(*tuple(_d.values())))

</pallas_src>

<mosaic_0001>
#map = affine_map<(d0, d1) -> (0, 0)>
module attributes {stable_mosaic.version = 14 : i64} {
  func.func @_dispatch_body(%arg0: i32, %arg1: i32, %arg2: memref<2048x768xf32, #tpu.memory_space<hbm>>, %arg3: memref<32x128xi32, #tpu.memory_space<hbm>>, %arg4: memref<6144x768xf32, #tpu.memory_space<hbm>>, %arg5: memref<128xi32, #tpu.memory_space<vmem>>, %arg6: memref<128x768xf32, #tpu.memory_space<vmem>>, %arg7: memref<!tpu.dma_semaphore, #tpu.memory_space<semaphore_mem>>) attributes {dimension_semantics = [#tpu.dimension_semantics<core_parallel>, #tpu.dimension_semantics<subcore_parallel>], iteration_bounds = array<i64: 2, 16>, scalar_prefetch = 0 : i64, scratch_operands = 3 : i64, tpu.core_type = #tpu.core_type<sc_vector_subcore>, window_params = [{transform_indices = #map}, {transform_indices = #map}, {transform_indices = #map}]} {
    %mul3A = arith.constant 2 : i32
    %mul3A_0 = arith.muli %arg1, %mul3A : i32
    %add3A = arith.addi %mul3A_0, %arg0 : i32
    %mul3A_1 = arith.constant 128 : i32
    %mul3A_2 = arith.muli %add3A, %mul3A_1 : i32
    %rem3A = arith.constant 2048 : i32
    %rem3A_3 = arith.remsi %mul3A_2, %rem3A : i32
    "tpu.region"() ({
      %run_scoped3A = tpu.sem_alloc : memref<!tpu.dma_semaphore, #tpu.memory_space<semaphore_mem>>
      %dma_start3A_8 = arith.constant 0 : i32
      %dma_start3A_9 = tpu.memref_slice %arg3[%add3A, %dma_start3A_8] : memref<32x128xi32, #tpu.memory_space<hbm>> -> memref<1x128xi32, #tpu.memory_space<hbm>>
      %dma_start3A_10 = tpu.memref_squeeze %dma_start3A_9 : memref<1x128xi32, #tpu.memory_space<hbm>> -> memref<128xi32, #tpu.memory_space<hbm>>
      %dma_start3A_11 = arith.constant 0 : i32
      %dma_start3A_12 = tpu.memref_slice %arg3[%add3A, %dma_start3A_11] : memref<32x128xi32, #tpu.memory_space<hbm>> -> memref<1x128xi32, #tpu.memory_space<hbm>>
      %dma_start3A_13 = tpu.memref_squeeze %dma_start3A_12 : memref<1x128xi32, #tpu.memory_space<hbm>> -> memref<128xi32, #tpu.memory_space<hbm>>
      tpu.enqueue_dma source(%dma_start3A_13 : memref<128xi32, #tpu.memory_space<hbm>>) target(%arg5 : memref<128xi32, #tpu.memory_space<vmem>>) target_semaphore(%run_scoped3A : memref<!tpu.dma_semaphore, #tpu.memory_space<semaphore_mem>>)
      %dma_wait3A_14 = arith.constant 0 : i32
      %dma_wait3A_15 = tpu.memref_slice %arg3[%add3A, %dma_wait3A_14] : memref<32x128xi32, #tpu.memory_space<hbm>> -> memref<1x128xi32, #tpu.memory_space<hbm>>
      %dma_wait3A_16 = tpu.memref_squeeze %dma_wait3A_15 : memref<1x128xi32, #tpu.memory_space<hbm>> -> memref<128xi32, #tpu.memory_space<hbm>>
      %dma_wait3A_17 = arith.constant 0 : i32
      %dma_wait3A_18 = tpu.memref_slice %arg3[%add3A, %dma_wait3A_17] : memref<32x128xi32, #tpu.memory_space<hbm>> -> memref<1x128xi32, #tpu.memory_space<hbm>>
      %dma_wait3A_19 = tpu.memref_squeeze %dma_wait3A_18 : memref<1x128xi32, #tpu.memory_space<hbm>> -> memref<128xi32, #tpu.memory_space<hbm>>
      tpu.wait_dma2 semaphore(%run_scoped3A : memref<!tpu.dma_semaphore, #tpu.memory_space<semaphore_mem>>) src(%dma_wait3A_19 : memref<128xi32, #tpu.memory_space<hbm>>) dst(%arg5 : memref<128xi32, #tpu.memory_space<vmem>>)
      tpu.yield
    }) : () -> ()
    "tpu.region"() ({
      %run_scoped3A = tpu.sem_alloc : memref<!tpu.dma_semaphore, #tpu.memory_space<semaphore_mem>>
      %dma_start3A_8 = arith.constant 0 : i32
      %dma_start3A_9 = tpu.memref_slice %arg2[%rem3A_3, %dma_start3A_8] : memref<2048x768xf32, #tpu.memory_space<hbm>> -> memref<128x768xf32, #tpu.memory_space<hbm>>
      %dma_start3A_10 = arith.constant 0 : i32
      %dma_start3A_11 = tpu.memref_slice %arg2[%rem3A_3, %dma_start3A_10] : memref<2048x768xf32, #tpu.memory_space<hbm>> -> memref<128x768xf32, #tpu.memory_space<hbm>>
      tpu.enqueue_dma source(%dma_start3A_11 : memref<128x768xf32, #tpu.memory_space<hbm>>) target(%arg6 : memref<128x768xf32, #tpu.memory_space<vmem>>) target_semaphore(%run_scoped3A : memref<!tpu.dma_semaphore, #tpu.memory_space<semaphore_mem>>)
      %dma_wait3A_12 = arith.constant 0 : i32
      %dma_wait3A_13 = tpu.memref_slice %arg2[%rem3A_3, %dma_wait3A_12] : memref<2048x768xf32, #tpu.memory_space<hbm>> -> memref<128x768xf32, #tpu.memory_space<hbm>>
      %dma_wait3A_14 = arith.constant 0 : i32
      %dma_wait3A_15 = tpu.memref_slice %arg2[%rem3A_3, %dma_wait3A_14] : memref<2048x768xf32, #tpu.memory_space<hbm>> -> memref<128x768xf32, #tpu.memory_space<hbm>>
      tpu.wait_dma2 semaphore(%run_scoped3A : memref<!tpu.dma_semaphore, #tpu.memory_space<semaphore_mem>>) src(%dma_wait3A_15 : memref<128x768xf32, #tpu.memory_space<hbm>>) dst(%arg6 : memref<128x768xf32, #tpu.memory_space<vmem>>)
      tpu.yield
    }) : () -> ()
    %dma_start3A = arith.constant 0 : i32
    %dma_start3A_4 = arith.constant 0 : i32
    %dma_start3A_5 = tpu.memref_slice %arg4[%dma_start3A, %dma_start3A_4] : memref<6144x768xf32, #tpu.memory_space<hbm>> -> memref<6144x768xf32, #tpu.memory_space<hbm>>
    tpu.enqueue_indirect_dma source(%arg6 : memref<128x768xf32, #tpu.memory_space<vmem>>) target(%dma_start3A_5 : memref<6144x768xf32, #tpu.memory_space<hbm>>) offsets(%arg5 : memref<128xi32, #tpu.memory_space<vmem>>) semaphore(%arg7 : memref<!tpu.dma_semaphore, #tpu.memory_space<semaphore_mem>>)
    %dma_wait3A = arith.constant 0 : i32
    %dma_wait3A_6 = arith.constant 0 : i32
    %dma_wait3A_7 = tpu.memref_slice %arg4[%dma_wait3A, %dma_wait3A_6] : memref<6144x768xf32, #tpu.memory_space<hbm>> -> memref<6144x768xf32, #tpu.memory_space<hbm>>
    tpu.wait_indirect_dma semaphore(%arg7 : memref<!tpu.dma_semaphore, #tpu.memory_space<semaphore_mem>>) src(%arg6 : memref<128x768xf32, #tpu.memory_space<vmem>>) dst(%dma_wait3A_7 : memref<6144x768xf32, #tpu.memory_space<hbm>>)
    return
  }
}

#map = affine_map<(d0, d1) -> (0, 0)>
#map1 = affine_map<(d0, d1) -> (0)>
module attributes {stable_mosaic.version = 14 : i64} {
  func.func @_combine_body(%arg0: i32, %arg1: i32, %arg2: memref<6144x768xf32, #tpu.memory_space<hbm>>, %arg3: memref<4096xi32, #tpu.memory_space<hbm>>, %arg4: memref<4096x16xf32, #tpu.memory_space<hbm>>, %arg5: memref<2048x768xf32, #tpu.memory_space<hbm>>, %arg6: memref<64xi32, #tpu.memory_space<vmem>>, %arg7: memref<64xi32, #tpu.memory_space<vmem>>, %arg8: memref<64x16xf32, #tpu.memory_space<vmem>>, %arg9: memref<64x16xf32, #tpu.memory_space<vmem>>, %arg10: memref<64x768xf32, #tpu.memory_space<vmem>>, %arg11: memref<64x768xf32, #tpu.memory_space<vmem>>, %arg12: memref<!tpu.dma_semaphore, #tpu.memory_space<semaphore_mem>>, %arg13: memref<!tpu.dma_semaphore, #tpu.memory_space<semaphore_mem>>) attributes {dimension_semantics = [#tpu.dimension_semantics<core_parallel>, #tpu.dimension_semantics<subcore_parallel>], iteration_bounds = array<i64: 2, 16>, scalar_prefetch = 0 : i64, scratch_operands = 8 : i64, tpu.core_type = #tpu.core_type<sc_vector_subcore>, window_params = [{transform_indices = #map}, {transform_indices = #map1}, {transform_indices = #map}, {transform_indices = #map}]} {
    %mul3A = arith.constant 2 : i32
    %mul3A_0 = arith.muli %arg1, %mul3A : i32
    %add3A = arith.addi %mul3A_0, %arg0 : i32
    %mul3A_1 = arith.constant 64 : i32
    %mul3A_2 = arith.muli %add3A, %mul3A_1 : i32
    "tpu.region"() ({
      %run_scoped3A = tpu.sem_alloc : memref<!tpu.dma_semaphore, #tpu.memory_space<semaphore_mem>>
      %dma_start3A_22 = tpu.memref_slice %arg3[%mul3A_2] : memref<4096xi32, #tpu.memory_space<hbm>> -> memref<64xi32, #tpu.memory_space<hbm>>
      %dma_start3A_23 = tpu.memref_slice %arg3[%mul3A_2] : memref<4096xi32, #tpu.memory_space<hbm>> -> memref<64xi32, #tpu.memory_space<hbm>>
      tpu.enqueue_dma source(%dma_start3A_23 : memref<64xi32, #tpu.memory_space<hbm>>) target(%arg6 : memref<64xi32, #tpu.memory_space<vmem>>) target_semaphore(%run_scoped3A : memref<!tpu.dma_semaphore, #tpu.memory_space<semaphore_mem>>)
      %dma_wait3A_24 = tpu.memref_slice %arg3[%mul3A_2] : memref<4096xi32, #tpu.memory_space<hbm>> -> memref<64xi32, #tpu.memory_space<hbm>>
      %dma_wait3A_25 = tpu.memref_slice %arg3[%mul3A_2] : memref<4096xi32, #tpu.memory_space<hbm>> -> memref<64xi32, #tpu.memory_space<hbm>>
      tpu.wait_dma2 semaphore(%run_scoped3A : memref<!tpu.dma_semaphore, #tpu.memory_space<semaphore_mem>>) src(%dma_wait3A_25 : memref<64xi32, #tpu.memory_space<hbm>>) dst(%arg6 : memref<64xi32, #tpu.memory_space<vmem>>)
      tpu.yield
    }) : () -> ()
    %add3A_3 = arith.constant 2048 : i32
    %add3A_4 = arith.addi %add3A_3, %mul3A_2 : i32
    "tpu.region"() ({
      %run_scoped3A = tpu.sem_alloc : memref<!tpu.dma_semaphore, #tpu.memory_space<semaphore_mem>>
      %dma_start3A_22 = tpu.memref_slice %arg3[%add3A_4] : memref<4096xi32, #tpu.memory_space<hbm>> -> memref<64xi32, #tpu.memory_space<hbm>>
      %dma_start3A_23 = tpu.memref_slice %arg3[%add3A_4] : memref<4096xi32, #tpu.memory_space<hbm>> -> memref<64xi32, #tpu.memory_space<hbm>>
      tpu.enqueue_dma source(%dma_start3A_23 : memref<64xi32, #tpu.memory_space<hbm>>) target(%arg7 : memref<64xi32, #tpu.memory_space<vmem>>) target_semaphore(%run_scoped3A : memref<!tpu.dma_semaphore, #tpu.memory_space<semaphore_mem>>)
      %dma_wait3A_24 = tpu.memref_slice %arg3[%add3A_4] : memref<4096xi32, #tpu.memory_space<hbm>> -> memref<64xi32, #tpu.memory_space<hbm>>
      %dma_wait3A_25 = tpu.memref_slice %arg3[%add3A_4] : memref<4096xi32, #tpu.memory_space<hbm>> -> memref<64xi32, #tpu.memory_space<hbm>>
      tpu.wait_dma2 semaphore(%run_scoped3A : memref<!tpu.dma_semaphore, #tpu.memory_space<semaphore_mem>>) src(%dma_wait3A_25 : memref<64xi32, #tpu.memory_space<hbm>>) dst(%arg7 : memref<64xi32, #tpu.memory_space<vmem>>)
      tpu.yield
    }) : () -> ()
    "tpu.region"() ({
      %run_scoped3A = tpu.sem_alloc : memref<!tpu.dma_semaphore, #tpu.memory_space<semaphore_mem>>
      %dma_start3A_22 = arith.constant 0 : i32
      %dma_start3A_23 = tpu.memref_slice %arg4[%mul3A_2, %dma_start3A_22] : memref<4096x16xf32, #tpu.memory_space<hbm>> -> memref<64x16xf32, #tpu.memory_space<hbm>>
      %dma_start3A_24 = arith.constant 0 : i32
      %dma_start3A_25 = tpu.memref_slice %arg4[%mul3A_2, %dma_start3A_24] : memref<4096x16xf32, #tpu.memory_space<hbm>> -> memref<64x16xf32, #tpu.memory_space<hbm>>
      tpu.enqueue_dma source(%dma_start3A_25 : memref<64x16xf32, #tpu.memory_space<hbm>>) target(%arg8 : memref<64x16xf32, #tpu.memory_space<vmem>>) target_semaphore(%run_scoped3A : memref<!tpu.dma_semaphore, #tpu.memory_space<semaphore_mem>>)
      %dma_wait3A_26 = arith.constant 0 : i32
      %dma_wait3A_27 = tpu.memref_slice %arg4[%mul3A_2, %dma_wait3A_26] : memref<4096x16xf32, #tpu.memory_space<hbm>> -> memref<64x16xf32, #tpu.memory_space<hbm>>
      %dma_wait3A_28 = arith.constant 0 : i32
      %dma_wait3A_29 = tpu.memref_slice %arg4[%mul3A_2, %dma_wait3A_28] : memref<4096x16xf32, #tpu.memory_space<hbm>> -> memref<64x16xf32, #tpu.memory_space<hbm>>
      tpu.wait_dma2 semaphore(%run_scoped3A : memref<!tpu.dma_semaphore, #tpu.memory_space<semaphore_mem>>) src(%dma_wait3A_29 : memref<64x16xf32, #tpu.memory_space<hbm>>) dst(%arg8 : memref<64x16xf32, #tpu.memory_space<vmem>>)
      tpu.yield
    }) : () -> ()
    %add3A_5 = arith.constant 2048 : i32
    %add3A_6 = arith.addi %add3A_5, %mul3A_2 : i32
    "tpu.region"() ({
      %run_scoped3A = tpu.sem_alloc : memref<!tpu.dma_semaphore, #tpu.memory_space<semaphore_mem>>
      %dma_start3A_22 = arith.constant 0 : i32
      %dma_start3A_23 = tpu.memref_slice %arg4[%add3A_6, %dma_start3A_22] : memref<4096x16xf32, #tpu.memory_space<hbm>> -> memref<64x16xf32, #tpu.memory_space<hbm>>
      %dma_start3A_24 = arith.constant 0 : i32
      %dma_start3A_25 = tpu.memref_slice %arg4[%add3A_6, %dma_start3A_24] : memref<4096x16xf32, #tpu.memory_space<hbm>> -> memref<64x16xf32, #tpu.memory_space<hbm>>
      tpu.enqueue_dma source(%dma_start3A_25 : memref<64x16xf32, #tpu.memory_space<hbm>>) target(%arg9 : memref<64x16xf32, #tpu.memory_space<vmem>>) target_semaphore(%run_scoped3A : memref<!tpu.dma_semaphore, #tpu.memory_space<semaphore_mem>>)
      %dma_wait3A_26 = arith.constant 0 : i32
      %dma_wait3A_27 = tpu.memref_slice %arg4[%add3A_6, %dma_wait3A_26] : memref<4096x16xf32, #tpu.memory_space<hbm>> -> memref<64x16xf32, #tpu.memory_space<hbm>>
      %dma_wait3A_28 = arith.constant 0 : i32
      %dma_wait3A_29 = tpu.memref_slice %arg4[%add3A_6, %dma_wait3A_28] : memref<4096x16xf32, #tpu.memory_space<hbm>> -> memref<64x16xf32, #tpu.memory_space<hbm>>
      tpu.wait_dma2 semaphore(%run_scoped3A : memref<!tpu.dma_semaphore, #tpu.memory_space<semaphore_mem>>) src(%dma_wait3A_29 : memref<64x16xf32, #tpu.memory_space<hbm>>) dst(%arg9 : memref<64x16xf32, #tpu.memory_space<vmem>>)
      tpu.yield
    }) : () -> ()
    %dma_start3A = arith.constant 0 : i32
    %dma_start3A_7 = arith.constant 0 : i32
    %dma_start3A_8 = tpu.memref_slice %arg2[%dma_start3A, %dma_start3A_7] : memref<6144x768xf32, #tpu.memory_space<hbm>> -> memref<6144x768xf32, #tpu.memory_space<hbm>>
    tpu.enqueue_indirect_dma source(%dma_start3A_8 : memref<6144x768xf32, #tpu.memory_space<hbm>>) target(%arg10 : memref<64x768xf32, #tpu.memory_space<vmem>>) offsets(%arg6 : memref<64xi32, #tpu.memory_space<vmem>>) semaphore(%arg12 : memref<!tpu.dma_semaphore, #tpu.memory_space<semaphore_mem>>)
    %dma_start3A_9 = arith.constant 0 : i32
    %dma_start3A_10 = arith.constant 0 : i32
    %dma_start3A_11 = tpu.memref_slice %arg2[%dma_start3A_9, %dma_start3A_10] : memref<6144x768xf32, #tpu.memory_space<hbm>> -> memref<6144x768xf32, #tpu.memory_space<hbm>>
    tpu.enqueue_indirect_dma source(%dma_start3A_11 : memref<6144x768xf32, #tpu.memory_space<hbm>>) target(%arg11 : memref<64x768xf32, #tpu.memory_space<vmem>>) offsets(%arg7 : memref<64xi32, #tpu.memory_space<vmem>>) semaphore(%arg13 : memref<!tpu.dma_semaphore, #tpu.memory_space<semaphore_mem>>)
    %dma_wait3A = arith.constant 0 : i32
    %dma_wait3A_12 = arith.constant 0 : i32
    %dma_wait3A_13 = tpu.memref_slice %arg2[%dma_wait3A, %dma_wait3A_12] : memref<6144x768xf32, #tpu.memory_space<hbm>> -> memref<6144x768xf32, #tpu.memory_space<hbm>>
    tpu.wait_indirect_dma semaphore(%arg12 : memref<!tpu.dma_semaphore, #tpu.memory_space<semaphore_mem>>) src(%dma_wait3A_13 : memref<6144x768xf32, #tpu.memory_space<hbm>>) dst(%arg10 : memref<64x768xf32, #tpu.memory_space<vmem>>)
    %dma_wait3A_14 = arith.constant 0 : i32
    %dma_wait3A_15 = arith.constant 0 : i32
    %dma_wait3A_16 = tpu.memref_slice %arg2[%dma_wait3A_14, %dma_wait3A_15] : memref<6144x768xf32, #tpu.memory_space<hbm>> -> memref<6144x768xf32, #tpu.memory_space<hbm>>
    tpu.wait_indirect_dma semaphore(%arg13 : memref<!tpu.dma_semaphore, #tpu.memory_space<semaphore_mem>>) src(%dma_wait3A_16 : memref<6144x768xf32, #tpu.memory_space<hbm>>) dst(%arg11 : memref<64x768xf32, #tpu.memory_space<vmem>>)
    %scan3A = arith.constant 0 : i32
    %scan3A_17 = arith.constant 0 : i32
    %scan3A_18 = arith.constant 64 : i32
    %scan3A_19 = arith.addi %scan3A_17, %scan3A_18 : i32
    %scan3A_20 = arith.constant 1 : i32
    scf.for %scan3A_22 = %scan3A_17 to %scan3A_19 step %scan3A_20  : i32 {
      %get3A = arith.index_cast %scan3A_22 : i32 to index
      %get3A_23 = arith.constant 0 : index
      %get3A_24 = tpu.vector_load %arg8[%get3A, %get3A_23] {strides = array<i32>} : memref<64x16xf32, #tpu.memory_space<vmem>>, vector<1x16xf32>,
      %get3A_25 = vector.shape_cast %get3A_24 : vector<1x16xf32> to vector<16xf32>
      %get3A_26 = arith.index_cast %scan3A_22 : i32 to index
      %get3A_27 = arith.constant 0 : index
      %get3A_28 = tpu.vector_load %arg9[%get3A_26, %get3A_27] {strides = array<i32>} : memref<64x16xf32, #tpu.memory_space<vmem>>, vector<1x16xf32>,
      %get3A_29 = vector.shape_cast %get3A_28 : vector<1x16xf32> to vector<16xf32>
      %get3A_30 = arith.index_cast %scan3A_22 : i32 to index
      %get3A_31 = arith.constant 0 : index
      %get3A_32 = tpu.vector_load %arg10[%get3A_30, %get3A_31] {strides = array<i32>} : memref<64x768xf32, #tpu.memory_space<vmem>>, vector<1x16xf32>,
      %get3A_33 = vector.shape_cast %get3A_32 : vector<1x16xf32> to vector<16xf32>
      %mul3A_34 = arith.mulf %get3A_33, %get3A_25 : vector<16xf32>
      %get3A_35 = arith.index_cast %scan3A_22 : i32 to index
      %get3A_36 = arith.constant 0 : index
      %get3A_37 = tpu.vector_load %arg11[%get3A_35, %get3A_36] {strides = array<i32>} : memref<64x768xf32, #tpu.memory_space<vmem>>, vector<1x16xf32>,
      %get3A_38 = vector.shape_cast %get3A_37 : vector<1x16xf32> to vector<16xf32>
      %mul3A_39 = arith.mulf %get3A_38, %get3A_29 : vector<16xf32>
      %add3A_40 = arith.addf %mul3A_34, %mul3A_39 : vector<16xf32>
      %swap3A = arith.index_cast %scan3A_22 : i32 to index
      %swap3A_41 = arith.constant 0 : index
      %swap3A_42 = tpu.vector_load %arg10[%swap3A, %swap3A_41] {strides = array<i32>} : memref<64x768xf32, #tpu.memory_space<vmem>>, vector<1x16xf32>,
      %swap3A_43 = vector.shape_cast %swap3A_42 : vector<1x16xf32> to vector<16xf32>
      %swap3A_44 = vector.shape_cast %add3A_40 : vector<16xf32> to vector<1x16xf32>
      tpu.vector_store %arg10[%swap3A, %swap3A_41], %swap3A_44 {strides = array<i32>} : memref<64x768xf32, #tpu.memory_space<vmem>>, vector<1x16xf32>,
      %get3A_45 = arith.index_cast %scan3A_22 : i32 to index
      %get3A_46 = arith.constant 16 : index
      %get3A_47 = tpu.vector_load %arg10[%get3A_45, %get3A_46] {strides = array<i32>} : memref<64x768xf32, #tpu.memory_space<vmem>>, vector<1x16xf32>,
      %get3A_48 = vector.shape_cast %get3A_47 : vector<1x16xf32> to vector<16xf32>
      %mul3A_49 = arith.mulf %get3A_48, %get3A_25 : vector<16xf32>
      %get3A_50 = arith.index_cast %scan3A_22 : i32 to index
      %get3A_51 = arith.constant 16 : index
      %get3A_52 = tpu.vector_load %arg11[%get3A_50, %get3A_51] {strides = array<i32>} : memref<64x768xf32, #tpu.memory_space<vmem>>, vector<1x16xf32>,
      %get3A_53 = vector.shape_cast %get3A_52 : vector<1x16xf32> to vector<16xf32>
      %mul3A_54 = arith.mulf %get3A_53, %get3A_29 : vector<16xf32>
      %add3A_55 = arith.addf %mul3A_49, %mul3A_54 : vector<16xf32>
      %swap3A_56 = arith.index_cast %scan3A_22 : i32 to index
      %swap3A_57 = arith.constant 16 : index
      %swap3A_58 = tpu.vector_load %arg10[%swap3A_56, %swap3A_57] {strides = array<i32>} : memref<64x768xf32, #tpu.memory_space<vmem>>, vector<1x16xf32>,
      %swap3A_59 = vector.shape_cast %swap3A_58 : vector<1x16xf32> to vector<16xf32>
      %swap3A_60 = vector.shape_cast %add3A_55 : vector<16xf32> to vector<1x16xf32>
      tpu.vector_store %arg10[%swap3A_56, %swap3A_57], %swap3A_60 {strides = array<i32>} : memref<64x768xf32, #tpu.memory_space<vmem>>, vector<1x16xf32>,
      %get3A_61 = arith.index_cast %scan3A_22 : i32 to index
      %get3A_62 = arith.constant 32 : index
      %get3A_63 = tpu.vector_load %arg10[%get3A_61, %get3A_62] {strides = array<i32>} : memref<64x768xf32, #tpu.memory_space<vmem>>, vector<1x16xf32>,
      %get3A_64 = vector.shape_cast %get3A_63 : vector<1x16xf32> to vector<16xf32>
      %mul3A_65 = arith.mulf %get3A_64, %get3A_25 : vector<16xf32>
      %get3A_66 = arith.index_cast %scan3A_22 : i32 to index
      %get3A_67 = arith.constant 32 : index
      %get3A_68 = tpu.vector_load %arg11[%get3A_66, %get3A_67] {strides = array<i32>} : memref<64x768xf32, #tpu.memory_space<vmem>>, vector<1x16xf32>,
      %get3A_69 = vector.shape_cast %get3A_68 : vector<1x16xf32> to vector<16xf32>
      %mul3A_70 = arith.mulf %get3A_69, %get3A_29 : vector<16xf32>
      %add3A_71 = arith.addf %mul3A_65, %mul3A_70 : vector<16xf32>
      %swap3A_72 = arith.index_cast %scan3A_22 : i32 to index
      %swap3A_73 = arith.constant 32 : index
      %swap3A_74 = tpu.vector_load %arg10[%swap3A_72, %swap3A_73] {strides = array<i32>} : memref<64x768xf32, #tpu.memory_space<vmem>>, vector<1x16xf32>,
      %swap3A_75 = vector.shape_cast %swap3A_74 : vector<1x16xf32> to vector<16xf32>
      %swap3A_76 = vector.shape_cast %add3A_71 : vector<16xf32> to vector<1x16xf32>
      tpu.vector_store %arg10[%swap3A_72, %swap3A_73], %swap3A_76 {strides = array<i32>} : memref<64x768xf32, #tpu.memory_space<vmem>>, vector<1x16xf32>,
      %get3A_77 = arith.index_cast %scan3A_22 : i32 to index
      %get3A_78 = arith.constant 48 : index
      %get3A_79 = tpu.vector_load %arg10[%get3A_77, %get3A_78] {strides = array<i32>} : memref<64x768xf32, #tpu.memory_space<vmem>>, vector<1x16xf32>,
      %get3A_80 = vector.shape_cast %get3A_79 : vector<1x16xf32> to vector<16xf32>
      %mul3A_81 = arith.mulf %get3A_80, %get3A_25 : vector<16xf32>
      %get3A_82 = arith.index_cast %scan3A_22 : i32 to index
      %get3A_83 = arith.constant 48 : index
      %get3A_84 = tpu.vector_load %arg11[%get3A_82, %get3A_83] {strides = array<i32>} : memref<64x768xf32, #tpu.memory_space<vmem>>, vector<1x16xf32>,
      %get3A_85 = vector.shape_cast %get3A_84 : vector<1x16xf32> to vector<16xf32>
      %mul3A_86 = arith.mulf %get3A_85, %get3A_29 : vector<16xf32>
      %add3A_87 = arith.addf %mul3A_81, %mul3A_86 : vector<16xf32>
      %swap3A_88 = arith.index_cast %scan3A_22 : i32 to index
      %swap3A_89 = arith.constant 48 : index
      %swap3A_90 = tpu.vector_load %arg10[%swap3A_88, %swap3A_89] {strides = array<i32>} : memref<64x768xf32, #tpu.memory_space<vmem>>, vector<1x16xf32>,
      %swap3A_91 = vector.shape_cast %swap3A_90 : vector<1x16xf32> to vector<16xf32>
      %swap3A_92 = vector.shape_cast %add3A_87 : vector<16xf32> to vector<1x16xf32>
      tpu.vector_store %arg10[%swap3A_88, %swap3A_89], %swap3A_92 {strides = array<i32>} : memref<64x768xf32, #tpu.memory_space<vmem>>, vector<1x16xf32>,
      %get3A_93 = arith.index_cast %scan3A_22 : i32 to index
      %get3A_94 = arith.constant 64 : index
      %get3A_95 = tpu.vector_load %arg10[%get3A_93, %get3A_94] {strides = array<i32>} : memref<64x768xf32, #tpu.memory_space<vmem>>, vector<1x16xf32>,
      %get3A_96 = vector.shape_cast %get3A_95 : vector<1x16xf32> to vector<16xf32>
      %mul3A_97 = arith.mulf %get3A_96, %get3A_25 : vector<16xf32>
      %get3A_98 = arith.index_cast %scan3A_22 : i32 to index
      %get3A_99 = arith.constant 64 : index
      %get3A_100 = tpu.vector_load %arg11[%get3A_98, %get3A_99] {strides = array<i32>} : memref<64x768xf32, #tpu.memory_space<vmem>>, vector<1x16xf32>,
      %get3A_101 = vector.shape_cast %get3A_100 : vector<1x16xf32> to vector<16xf32>
      %mul3A_102 = arith.mulf %get3A_101, %get3A_29 : vector<16xf32>
      %add3A_103 = arith.addf %mul3A_97, %mul3A_102 : vector<16xf32>
      %swap3A_104 = arith.index_cast %scan3A_22 : i32 to index
      %swap3A_105 = arith.constant 64 : index
      %swap3A_106 = tpu.vector_load %arg10[%swap3A_104, %swap3A_105] {strides = array<i32>} : memref<64x768xf32, #tpu.memory_space<vmem>>, vector<1x16xf32>,
      %swap3A_107 = vector.shape_cast %swap3A_106 : vector<1x16xf32> to vector<16xf32>
      %swap3A_108 = vector.shape_cast %add3A_103 : vector<16xf32> to vector<1x16xf32>
      tpu.vector_store %arg10[%swap3A_104, %swap3A_105], %swap3A_108 {strides = array<i32>} : memref<64x768xf32, #tpu.memory_space<vmem>>, vector<1x16xf32>,
      %get3A_109 = arith.index_cast %scan3A_22 : i32 to index
      %get3A_110 = arith.constant 80 : index
      %get3A_111 = tpu.vector_load %arg10[%get3A_109, %get3A_110] {strides = array<i32>} : memref<64x768xf32, #tpu.memory_space<vmem>>, vector<1x16xf32>,
      %get3A_112 = vector.shape_cast %get3A_111 : vector<1x16xf32> to vector<16xf32>
      %mul3A_113 = arith.mulf %get3A_112, %get3A_25 : vector<16xf32>
      %get3A_114 = arith.index_cast %scan3A_22 : i32 to index
      %get3A_115 = arith.constant 80 : index
      %get3A_116 = tpu.vector_load %arg11[%get3A_114, %get3A_115] {strides = array<i32>} : memref<64x768xf32, #tpu.memory_space<vmem>>, vector<1x16xf32>,
      %get3A_117 = vector.shape_cast %get3A_116 : vector<1x16xf32> to vector<16xf32>
      %mul3A_118 = arith.mulf %get3A_117, %get3A_29 : vector<16xf32>
      %add3A_119 = arith.addf %mul3A_113, %mul3A_118 : vector<16xf32>
      %swap3A_120 = arith.index_cast %scan3A_22 : i32 to index
      %swap3A_121 = arith.constant 80 : index
      %swap3A_122 = tpu.vector_load %arg10[%swap3A_120, %swap3A_121] {strides = array<i32>} : memref<64x768xf32, #tpu.memory_space<vmem>>, vector<1x16xf32>,
      %swap3A_123 = vector.shape_cast %swap3A_122 : vector<1x16xf32> to vector<16xf32>
      %swap3A_124 = vector.shape_cast %add3A_119 : vector<16xf32> to vector<1x16xf32>
      tpu.vector_store %arg10[%swap3A_120, %swap3A_121], %swap3A_124 {strides = array<i32>} : memref<64x768xf32, #tpu.memory_space<vmem>>, vector<1x16xf32>,
      %get3A_125 = arith.index_cast %scan3A_22 : i32 to index
      %get3A_126 = arith.constant 96 : index
      %get3A_127 = tpu.vector_load %arg10[%get3A_125, %get3A_126] {strides = array<i32>} : memref<64x768xf32, #tpu.memory_space<vmem>>, vector<1x16xf32>,
      %get3A_128 = vector.shape_cast %get3A_127 : vector<1x16xf32> to vector<16xf32>
      %mul3A_129 = arith.mulf %get3A_128, %get3A_25 : vector<16xf32>
      %get3A_130 = arith.index_cast %scan3A_22 : i32 to index
      %get3A_131 = arith.constant 96 : index
      %get3A_132 = tpu.vector_load %arg11[%get3A_130, %get3A_131] {strides = array<i32>} : memref<64x768xf32, #tpu.memory_space<vmem>>, vector<1x16xf32>,
      %get3A_133 = vector.shape_cast %get3A_132 : vector<1x16xf32> to vector<16xf32>
      %mul3A_134 = arith.mulf %get3A_133, %get3A_29 : vector<16xf32>
      %add3A_135 = arith.addf %mul3A_129, %mul3A_134 : vector<16xf32>
      %swap3A_136 = arith.index_cast %scan3A_22 : i32 to index
      %swap3A_137 = arith.constant 96 : index
      %swap3A_138 = tpu.vector_load %arg10[%swap3A_136, %swap3A_137] {strides = array<i32>} : memref<64x768xf32, #tpu.memory_space<vmem>>, vector<1x16xf32>,
      %swap3A_139 = vector.shape_cast %swap3A_138 : vector<1x16xf32> to vector<16xf32>
      %swap3A_140 = vector.shape_cast %add3A_135 : vector<16xf32> to vector<1x16xf32>
      tpu.vector_store %arg10[%swap3A_136, %swap3A_137], %swap3A_140 {strides = array<i32>} : memref<64x768xf32, #tpu.memory_space<vmem>>, vector<1x16xf32>,
      %get3A_141 = arith.index_cast %scan3A_22 : i32 to index
      %get3A_142 = arith.constant 112 : index
      %get3A_143 = tpu.vector_load %arg10[%get3A_141, %get3A_142] {strides = array<i32>} : memref<64x768xf32, #tpu.memory_space<vmem>>, vector<1x16xf32>,
      %get3A_144 = vector.shape_cast %get3A_143 : vector<1x16xf32> to vector<16xf32>
      %mul3A_145 = arith.mulf %get3A_144, %get3A_25 : vector<16xf32>
      %get3A_146 = arith.index_cast %scan3A_22 : i32 to index
      %get3A_147 = arith.constant 112 : index
      %get3A_148 = tpu.vector_load %arg11[%get3A_146, %get3A_147] {strides = array<i32>} : memref<64x768xf32, #tpu.memory_space<vmem>>, vector<1x16xf32>,
      %get3A_149 = vector.shape_cast %get3A_148 : vector<1x16xf32> to vector<16xf32>
      %mul3A_150 = arith.mulf %get3A_149, %get3A_29 : vector<16xf32>
      %add3A_151 = arith.addf %mul3A_145, %mul3A_150 : vector<16xf32>
      %swap3A_152 = arith.index_cast %scan3A_22 : i32 to index
      %swap3A_153 = arith.constant 112 : index
      %swap3A_154 = tpu.vector_load %arg10[%swap3A_152, %swap3A_153] {strides = array<i32>} : memref<64x768xf32, #tpu.memory_space<vmem>>, vector<1x16xf32>,
      %swap3A_155 = vector.shape_cast %swap3A_154 : vector<1x16xf32> to vector<16xf32>
      %swap3A_156 = vector.shape_cast %add3A_151 : vector<16xf32> to vector<1x16xf32>
      tpu.vector_store %arg10[%swap3A_152, %swap3A_153], %swap3A_156 {strides = array<i32>} : memref<64x768xf32, #tpu.memory_space<vmem>>, vector<1x16xf32>,
      %get3A_157 = arith.index_cast %scan3A_22 : i32 to index
      %get3A_158 = arith.constant 128 : index
      %get3A_159 = tpu.vector_load %arg10[%get3A_157, %get3A_158] {strides = array<i32>} : memref<64x768xf32, #tpu.memory_space<vmem>>, vector<1x16xf32>,
      %get3A_160 = vector.shape_cast %get3A_159 : vector<1x16xf32> to vector<16xf32>
      %mul3A_161 = arith.mulf %get3A_160, %get3A_25 : vector<16xf32>
      %get3A_162 = arith.index_cast %scan3A_22 : i32 to index
      %get3A_163 = arith.constant 128 : index
      %get3A_164 = tpu.vector_load %arg11[%get3A_162, %get3A_163] {strides = array<i32>} : memref<64x768xf32, #tpu.memory_space<vmem>>, vector<1x16xf32>,
      %get3A_165 = vector.shape_cast %get3A_164 : vector<1x16xf32> to vector<16xf32>
      %mul3A_166 = arith.mulf %get3A_165, %get3A_29 : vector<16xf32>
      %add3A_167 = arith.addf %mul3A_161, %mul3A_166 : vector<16xf32>
      %swap3A_168 = arith.index_cast %scan3A_22 : i32 to index
      %swap3A_169 = arith.constant 128 : index
      %swap3A_170 = tpu.vector_load %arg10[%swap3A_168, %swap3A_169] {strides = array<i32>} : memref<64x768xf32, #tpu.memory_space<vmem>>, vector<1x16xf32>,
      %swap3A_171 = vector.shape_cast %swap3A_170 : vector<1x16xf32> to vector<16xf32>
      %swap3A_172 = vector.shape_cast %add3A_167 : vector<16xf32> to vector<1x16xf32>
      tpu.vector_store %arg10[%swap3A_168, %swap3A_169], %swap3A_172 {strides = array<i32>} : memref<64x768xf32, #tpu.memory_space<vmem>>, vector<1x16xf32>,
      %get3A_173 = arith.index_cast %scan3A_22 : i32 to index
      %get3A_174 = arith.constant 144 : index
      %get3A_175 = tpu.vector_load %arg10[%get3A_173, %get3A_174] {strides = array<i32>} : memref<64x768xf32, #tpu.memory_space<vmem>>, vector<1x16xf32>,
      %get3A_176 = vector.shape_cast %get3A_175 : vector<1x16xf32> to vector<16xf32>
      %mul3A_177 = arith.mulf %get3A_176, %get3A_25 : vector<16xf32>
      %get3A_178 = arith.index_cast %scan3A_22 : i32 to index
      %get3A_179 = arith.constant 144 : index
      %get3A_180 = tpu.vector_load %arg11[%get3A_178, %get3A_179] {strides = array<i32>} : memref<64x768xf32, #tpu.memory_space<vmem>>, vector<1x16xf32>,
      %get3A_181 = vector.shape_cast %get3A_180 : vector<1x16xf32> to vector<16xf32>
      %mul3A_182 = arith.mulf %get3A_181, %get3A_29 : vector<16xf32>
      %add3A_183 = arith.addf %mul3A_177, %mul3A_182 : vector<16xf32>
      %swap3A_184 = arith.index_cast %scan3A_22 : i32 to index
      %swap3A_185 = arith.constant 144 : index
      %swap3A_186 = tpu.vector_load %arg10[%swap3A_184, %swap3A_185] {strides = array<i32>} : memref<64x768xf32, #tpu.memory_space<vmem>>, vector<1x16xf32>,
      %swap3A_187 = vector.shape_cast %swap3A_186 : vector<1x16xf32> to vector<16xf32>
      %swap3A_188 = vector.shape_cast %add3A_183 : vector<16xf32> to vector<1x16xf32>
      tpu.vector_store %arg10[%swap3A_184, %swap3A_185], %swap3A_188 {strides = array<i32>} : memref<64x768xf32, #tpu.memory_space<vmem>>, vector<1x16xf32>,
      %get3A_189 = arith.index_cast %scan3A_22 : i32 to index
      %get3A_190 = arith.constant 160 : index
      %get3A_191 = tpu.vector_load %arg10[%get3A_189, %get3A_190] {strides = array<i32>} : memref<64x768xf32, #tpu.memory_space<vmem>>, vector<1x16xf32>,
      %get3A_192 = vector.shape_cast %get3A_191 : vector<1x16xf32> to vector<16xf32>
      %mul3A_193 = arith.mulf %get3A_192, %get3A_25 : vector<16xf32>
      %get3A_194 = arith.index_cast %scan3A_22 : i32 to index
      %get3A_195 = arith.constant 160 : index
      %get3A_196 = tpu.vector_load %arg11[%get3A_194, %get3A_195] {strides = array<i32>} : memref<64x768xf32, #tpu.memory_space<vmem>>, vector<1x16xf32>,
      %get3A_197 = vector.shape_cast %get3A_196 : vector<1x16xf32> to vector<16xf32>
      %mul3A_198 = arith.mulf %get3A_197, %get3A_29 : vector<16xf32>
      %add3A_199 = arith.addf %mul3A_193, %mul3A_198 : vector<16xf32>
      %swap3A_200 = arith.index_cast %scan3A_22 : i32 to index
      %swap3A_201 = arith.constant 160 : index
      %swap3A_202 = tpu.vector_load %arg10[%swap3A_200, %swap3A_201] {strides = array<i32>} : memref<64x768xf32, #tpu.memory_space<vmem>>, vector<1x16xf32>,
      %swap3A_203 = vector.shape_cast %swap3A_202 : vector<1x16xf32> to vector<16xf32>
      %swap3A_204 = vector.shape_cast %add3A_199 : vector<16xf32> to vector<1x16xf32>
      tpu.vector_store %arg10[%swap3A_200, %swap3A_201], %swap3A_204 {strides = array<i32>} : memref<64x768xf32, #tpu.memory_space<vmem>>, vector<1x16xf32>,
      %get3A_205 = arith.index_cast %scan3A_22 : i32 to index
      %get3A_206 = arith.constant 176 : index
      %get3A_207 = tpu.vector_load %arg10[%get3A_205, %get3A_206] {strides = array<i32>} : memref<64x768xf32, #tpu.memory_space<vmem>>, vector<1x16xf32>,
      %get3A_208 = vector.shape_cast %get3A_207 : vector<1x16xf32> to vector<16xf32>
      %mul3A_209 = arith.mulf %get3A_208, %get3A_25 : vector<16xf32>
      %get3A_210 = arith.index_cast %scan3A_22 : i32 to index
      %get3A_211 = arith.constant 176 : index
      %get3A_212 = tpu.vector_load %arg11[%get3A_210, %get3A_211] {strides = array<i32>} : memref<64x768xf32, #tpu.memory_space<vmem>>, vector<1x16xf32>,
      %get3A_213 = vector.shape_cast %get3A_212 : vector<1x16xf32> to vector<16xf32>
      %mul3A_214 = arith.mulf %get3A_213, %get3A_29 : vector<16xf32>
      %add3A_215 = arith.addf %mul3A_209, %mul3A_214 : vector<16xf32>
      %swap3A_216 = arith.index_cast %scan3A_22 : i32 to index
      %swap3A_217 = arith.constant 176 : index
      %swap3A_218 = tpu.vector_load %arg10[%swap3A_216, %swap3A_217] {strides = array<i32>} : memref<64x768xf32, #tpu.memory_space<vmem>>, vector<1x16xf32>,
      %swap3A_219 = vector.shape_cast %swap3A_218 : vector<1x16xf32> to vector<16xf32>
      %swap3A_220 = vector.shape_cast %add3A_215 : vector<16xf32> to vector<1x16xf32>
      tpu.vector_store %arg10[%swap3A_216, %swap3A_217], %swap3A_220 {strides = array<i32>} : memref<64x768xf32, #tpu.memory_space<vmem>>, vector<1x16xf32>,
      %get3A_221 = arith.index_cast %scan3A_22 : i32 to index
      %get3A_222 = arith.constant 192 : index
      %get3A_223 = tpu.vector_load %arg10[%get3A_221, %get3A_222] {strides = array<i32>} : memref<64x768xf32, #tpu.memory_space<vmem>>, vector<1x16xf32>,
      %get3A_224 = vector.shape_cast %get3A_223 : vector<1x16xf32> to vector<16xf32>
      %mul3A_225 = arith.mulf %get3A_224, %get3A_25 : vector<16xf32>
      %get3A_226 = arith.index_cast %scan3A_22 : i32 to index
      %get3A_227 = arith.constant 192 : index
      %get3A_228 = tpu.vector_load %arg11[%get3A_226, %get3A_227] {strides = array<i32>} : memref<64x768xf32, #tpu.memory_space<vmem>>, vector<1x16xf32>,
      %get3A_229 = vector.shape_cast %get3A_228 : vector<1x16xf32> to vector<16xf32>
      %mul3A_230 = arith.mulf %get3A_229, %get3A_29 : vector<16xf32>
      %add3A_231 = arith.addf %mul3A_225, %mul3A_230 : vector<16xf32>
      %swap3A_232 = arith.index_cast %scan3A_22 : i32 to index
      %swap3A_233 = arith.constant 192 : index
      %swap3A_234 = tpu.vector_load %arg10[%swap3A_232, %swap3A_233] {strides = array<i32>} : memref<64x768xf32, #tpu.memory_space<vmem>>, vector<1x16xf32>,
      %swap3A_235 = vector.shape_cast %swap3A_234 : vector<1x16xf32> to vector<16xf32>
      %swap3A_236 = vector.shape_cast %add3A_231 : vector<16xf32> to vector<1x16xf32>
      tpu.vector_store %arg10[%swap3A_232, %swap3A_233], %swap3A_236 {strides = array<i32>} : memref<64x768xf32, #tpu.memory_space<vmem>>, vector<1x16xf32>,
      %get3A_237 = arith.index_cast %scan3A_22 : i32 to index
      %get3A_238 = arith.constant 208 : index
      %get3A_239 = tpu.vector_load %arg10[%get3A_237, %get3A_238] {strides = array<i32>} : memref<64x768xf32, #tpu.memory_space<vmem>>, vector<1x16xf32>,
      %get3A_240 = vector.shape_cast %get3A_239 : vector<1x16xf32> to vector<16xf32>
      %mul3A_241 = arith.mulf %get3A_240, %get3A_25 : vector<16xf32>
      %get3A_242 = arith.index_cast %scan3A_22 : i32 to index
      %get3A_243 = arith.constant 208 : index
      %get3A_244 = tpu.vector_load %arg11[%get3A_242, %get3A_243] {strides = array<i32>} : memref<64x768xf32, #tpu.memory_space<vmem>>, vector<1x16xf32>,
      %get3A_245 = vector.shape_cast %get3A_244 : vector<1x16xf32> to vector<16xf32>
      %mul3A_246 = arith.mulf %get3A_245, %get3A_29 : vector<16xf32>
      %add3A_247 = arith.addf %mul3A_241, %mul3A_246 : vector<16xf32>
      %swap3A_248 = arith.index_cast %scan3A_22 : i32 to index
      %swap3A_249 = arith.constant 208 : index
      %swap3A_250 = tpu.vector_load %arg10[%swap3A_248, %swap3A_249] {strides = array<i32>} : memref<64x768xf32, #tpu.memory_space<vmem>>, vector<1x16xf32>,
      %swap3A_251 = vector.shape_cast %swap3A_250 : vector<1x16xf32> to vector<16xf32>
      %swap3A_252 = vector.shape_cast %add3A_247 : vector<16xf32> to vector<1x16xf32>
      tpu.vector_store %arg10[%swap3A_248, %swap3A_249], %swap3A_252 {strides = array<i32>} : memref<64x768xf32, #tpu.memory_space<vmem>>, vector<1x16xf32>,
      %get3A_253 = arith.index_cast %scan3A_22 : i32 to index
      %get3A_254 = arith.constant 224 : index
      %get3A_255 = tpu.vector_load %arg10[%get3A_253, %get3A_254] {strides = array<i32>} : memref<64x768xf32, #tpu.memory_space<vmem>>, vector<1x16xf32>,
      %get3A_256 = vector.shape_cast %get3A_255 : vector<1x16xf32> to vector<16xf32>
      %mul3A_257 = arith.mulf %get3A_256, %get3A_25 : vector<16xf32>
      %get3A_258 = arith.index_cast %scan3A_22 : i32 to index
      %get3A_259 = arith.constant 224 : index
      %get3A_260 = tpu.vector_load %arg11[%get3A_258, %get3A_259] {strides = array<i32>} : memref<64x768xf32, #tpu.memory_space<vmem>>, vector<1x16xf32>,
      %get3A_261 = vector.shape_cast %get3A_260 : vector<1x16xf32> to vector<16xf32>
      %mul3A_262 = arith.mulf %get3A_261, %get3A_29 : vector<16xf32>
      %add3A_263 = arith.addf %mul3A_257, %mul3A_262 : vector<16xf32>
      %swap3A_264 = arith.index_cast %scan3A_22 : i32 to index
      %swap3A_265 = arith.constant 224 : index
      %swap3A_266 = tpu.vector_load %arg10[%swap3A_264, %swap3A_265] {strides = array<i32>} : memref<64x768xf32, #tpu.memory_space<vmem>>, vector<1x16xf32>,
      %swap3A_267 = vector.shape_cast %swap3A_266 : vector<1x16xf32> to vector<16xf32>
      %swap3A_268 = vector.shape_cast %add3A_263 : vector<16xf32> to vector<1x16xf32>
      tpu.vector_store %arg10[%swap3A_264, %swap3A_265], %swap3A_268 {strides = array<i32>} : memref<64x768xf32, #tpu.memory_space<vmem>>, vector<1x16xf32>,
      %get3A_269 = arith.index_cast %scan3A_22 : i32 to index
      %get3A_270 = arith.constant 240 : index
      %get3A_271 = tpu.vector_load %arg10[%get3A_269, %get3A_270] {strides = array<i32>} : memref<64x768xf32, #tpu.memory_space<vmem>>, vector<1x16xf32>,
      %get3A_272 = vector.shape_cast %get3A_271 : vector<1x16xf32> to vector<16xf32>
      %mul3A_273 = arith.mulf %get3A_272, %get3A_25 : vector<16xf32>
      %get3A_274 = arith.index_cast %scan3A_22 : i32 to index
      %get3A_275 = arith.constant 240 : index
      %get3A_276 = tpu.vector_load %arg11[%get3A_274, %get3A_275] {strides = array<i32>} : memref<64x768xf32, #tpu.memory_space<vmem>>, vector<1x16xf32>,
      %get3A_277 = vector.shape_cast %get3A_276 : vector<1x16xf32> to vector<16xf32>
      %mul3A_278 = arith.mulf %get3A_277, %get3A_29 : vector<16xf32>
      %add3A_279 = arith.addf %mul3A_273, %mul3A_278 : vector<16xf32>
      %swap3A_280 = arith.index_cast %scan3A_22 : i32 to index
      %swap3A_281 = arith.constant 240 : index
      %swap3A_282 = tpu.vector_load %arg10[%swap3A_280, %swap3A_281] {strides = array<i32>} : memref<64x768xf32, #tpu.memory_space<vmem>>, vector<1x16xf32>,
      %swap3A_283 = vector.shape_cast %swap3A_282 : vector<1x16xf32> to vector<16xf32>
      %swap3A_284 = vector.shape_cast %add3A_279 : vector<16xf32> to vector<1x16xf32>
      tpu.vector_store %arg10[%swap3A_280, %swap3A_281], %swap3A_284 {strides = array<i32>} : memref<64x768xf32, #tpu.memory_space<vmem>>, vector<1x16xf32>,
      %get3A_285 = arith.index_cast %scan3A_22 : i32 to index
      %get3A_286 = arith.constant 256 : index
      %get3A_287 = tpu.vector_load %arg10[%get3A_285, %get3A_286] {strides = array<i32>} : memref<64x768xf32, #tpu.memory_space<vmem>>, vector<1x16xf32>,
      %get3A_288 = vector.shape_cast %get3A_287 : vector<1x16xf32> to vector<16xf32>
      %mul3A_289 = arith.mulf %get3A_288, %get3A_25 : vector<16xf32>
      %get3A_290 = arith.index_cast %scan3A_22 : i32 to index
      %get3A_291 = arith.constant 256 : index
      %get3A_292 = tpu.vector_load %arg11[%get3A_290, %get3A_291] {strides = array<i32>} : memref<64x768xf32, #tpu.memory_space<vmem>>, vector<1x16xf32>,
      %get3A_293 = vector.shape_cast %get3A_292 : vector<1x16xf32> to vector<16xf32>
      %mul3A_294 = arith.mulf %get3A_293, %get3A_29 : vector<16xf32>
      %add3A_295 = arith.addf %mul3A_289, %mul3A_294 : vector<16xf32>
      %swap3A_296 = arith.index_cast %scan3A_22 : i32 to index
      %swap3A_297 = arith.constant 256 : index
      %swap3A_298 = tpu.vector_load %arg10[%swap3A_296, %swap3A_297] {strides = array<i32>} : memref<64x768xf32, #tpu.memory_space<vmem>>, vector<1x16xf32>,
      %swap3A_299 = vector.shape_cast %swap3A_298 : vector<1x16xf32> to vector<16xf32>
      %swap3A_300 = vector.shape_cast %add3A_295 : vector<16xf32> to vector<1x16xf32>
      tpu.vector_store %arg10[%swap3A_296, %swap3A_297], %swap3A_300 {strides = array<i32>} : memref<64x768xf32, #tpu.memory_space<vmem>>, vector<1x16xf32>,
      %get3A_301 = arith.index_cast %scan3A_22 : i32 to index
      %get3A_302 = arith.constant 272 : index
      %get3A_303 = tpu.vector_load %arg10[%get3A_301, %get3A_302] {strides = array<i32>} : memref<64x768xf32, #tpu.memory_space<vmem>>, vector<1x16xf32>,
      %get3A_304 = vector.shape_cast %get3A_303 : vector<1x16xf32> to vector<16xf32>
      %mul3A_305 = arith.mulf %get3A_304, %get3A_25 : vector<16xf32>
      %get3A_306 = arith.index_cast %scan3A_22 : i32 to index
      %get3A_307 = arith.constant 272 : index
      %get3A_308 = tpu.vector_load %arg11[%get3A_306, %get3A_307] {strides = array<i32>} : memref<64x768xf32, #tpu.memory_space<vmem>>, vector<1x16xf32>,
      %get3A_309 = vector.shape_cast %get3A_308 : vector<1x16xf32> to vector<16xf32>
      %mul3A_310 = arith.mulf %get3A_309, %get3A_29 : vector<16xf32>
      %add3A_311 = arith.addf %mul3A_305, %mul3A_310 : vector<16xf32>
      %swap3A_312 = arith.index_cast %scan3A_22 : i32 to index
      %swap3A_313 = arith.constant 272 : index
      %swap3A_314 = tpu.vector_load %arg10[%swap3A_312, %swap3A_313] {strides = array<i32>} : memref<64x768xf32, #tpu.memory_space<vmem>>, vector<1x16xf32>,
      %swap3A_315 = vector.shape_cast %swap3A_314 : vector<1x16xf32> to vector<16xf32>
      %swap3A_316 = vector.shape_cast %add3A_311 : vector<16xf32> to vector<1x16xf32>
      tpu.vector_store %arg10[%swap3A_312, %swap3A_313], %swap3A_316 {strides = array<i32>} : memref<64x768xf32, #tpu.memory_space<vmem>>, vector<1x16xf32>,
      %get3A_317 = arith.index_cast %scan3A_22 : i32 to index
      %get3A_318 = arith.constant 288 : index
      %get3A_319 = tpu.vector_load %arg10[%get3A_317, %get3A_318] {strides = array<i32>} : memref<64x768xf32, #tpu.memory_space<vmem>>, vector<1x16xf32>,
      %get3A_320 = vector.shape_cast %get3A_319 : vector<1x16xf32> to vector<16xf32>
      %mul3A_321 = arith.mulf %get3A_320, %get3A_25 : vector<16xf32>
      %get3A_322 = arith.index_cast %scan3A_22 : i32 to index
      %get3A_323 = arith.constant 288 : index
      %get3A_324 = tpu.vector_load %arg11[%get3A_322, %get3A_323] {strides = array<i32>} : memref<64x768xf32, #tpu.memory_space<vmem>>, vector<1x16xf32>,
      %get3A_325 = vector.shape_cast %get3A_324 : vector<1x16xf32> to vector<16xf32>
      %mul3A_326 = arith.mulf %get3A_325, %get3A_29 : vector<16xf32>
      %add3A_327 = arith.addf %mul3A_321, %mul3A_326 : vector<16xf32>
      %swap3A_328 = arith.index_cast %scan3A_22 : i32 to index
      %swap3A_329 = arith.constant 288 : index
      %swap3A_330 = tpu.vector_load %arg10[%swap3A_328, %swap3A_329] {strides = array<i32>} : memref<64x768xf32, #tpu.memory_space<vmem>>, vector<1x16xf32>,
      %swap3A_331 = vector.shape_cast %swap3A_330 : vector<1x16xf32> to vector<16xf32>
      %swap3A_332 = vector.shape_cast %add3A_327 : vector<16xf32> to vector<1x16xf32>
      tpu.vector_store %arg10[%swap3A_328, %swap3A_329], %swap3A_332 {strides = array<i32>} : memref<64x768xf32, #tpu.memory_space<vmem>>, vector<1x16xf32>,
      %get3A_333 = arith.index_cast %scan3A_22 : i32 to index
      %get3A_334 = arith.constant 304 : index
      %get3A_335 = tpu.vector_load %arg10[%get3A_333, %get3A_334] {strides = array<i32>} : memref<64x768xf32, #tpu.memory_space<vmem>>, vector<1x16xf32>,
      %get3A_336 = vector.shape_cast %get3A_335 : vector<1x16xf32> to vector<16xf32>
      %mul3A_337 = arith.mulf %get3A_336, %get3A_25 : vector<16xf32>
      %get3A_338 = arith.index_cast %scan3A_22 : i32 to index
      %get3A_339 = arith.constant 304 : index
      %get3A_340 = tpu.vector_load %arg11[%get3A_338, %get3A_339] {strides = array<i32>} : memref<64x768xf32, #tpu.memory_space<vmem>>, vector<1x16xf32>,
      %get3A_341 = vector.shape_cast %get3A_340 : vector<1x16xf32> to vector<16xf32>
      %mul3A_342 = arith.mulf %get3A_341, %get3A_29 : vector<16xf32>
      %add3A_343 = arith.addf %mul3A_337, %mul3A_342 : vector<16xf32>
      %swap3A_344 = arith.index_cast %scan3A_22 : i32 to index
      %swap3A_345 = arith.constant 304 : index
      %swap3A_346 = tpu.vector_load %arg10[%swap3A_344, %swap3A_345] {strides = array<i32>} : memref<64x768xf32, #tpu.memory_space<vmem>>, vector<1x16xf32>,
      %swap3A_347 = vector.shape_cast %swap3A_346 : vector<1x16xf32> to vector<16xf32>
      %swap3A_348 = vector.shape_cast %add3A_343 : vector<16xf32> to vector<1x16xf32>
      tpu.vector_store %arg10[%swap3A_344, %swap3A_345], %swap3A_348 {strides = array<i32>} : memref<64x768xf32, #tpu.memory_space<vmem>>, vector<1x16xf32>,
      %get3A_349 = arith.index_cast %scan3A_22 : i32 to index
      %get3A_350 = arith.constant 320 : index
      %get3A_351 = tpu.vector_load %arg10[%get3A_349, %get3A_350] {strides = array<i32>} : memref<64x768xf32, #tpu.memory_space<vmem>>, vector<1x16xf32>,
      %get3A_352 = vector.shape_cast %get3A_351 : vector<1x16xf32> to vector<16xf32>
      %mul3A_353 = arith.mulf %get3A_352, %get3A_25 : vector<16xf32>
      %get3A_354 = arith.index_cast %scan3A_22 : i32 to index
      %get3A_355 = arith.constant 320 : index
      %get3A_356 = tpu.vector_load %arg11[%get3A_354, %get3A_355] {strides = array<i32>} : memref<64x768xf32, #tpu.memory_space<vmem>>, vector<1x16xf32>,
      %get3A_357 = vector.shape_cast %get3A_356 : vector<1x16xf32> to vector<16xf32>
      %mul3A_358 = arith.mulf %get3A_357, %get3A_29 : vector<16xf32>
      %add3A_359 = arith.addf %mul3A_353, %mul3A_358 : vector<16xf32>
      %swap3A_360 = arith.index_cast %scan3A_22 : i32 to index
      %swap3A_361 = arith.constant 320 : index
      %swap3A_362 = tpu.vector_load %arg10[%swap3A_360, %swap3A_361] {strides = array<i32>} : memref<64x768xf32, #tpu.memory_space<vmem>>, vector<1x16xf32>,
      %swap3A_363 = vector.shape_cast %swap3A_362 : vector<1x16xf32> to vector<16xf32>
      %swap3A_364 = vector.shape_cast %add3A_359 : vector<16xf32> to vector<1x16xf32>
      tpu.vector_store %arg10[%swap3A_360, %swap3A_361], %swap3A_364 {strides = array<i32>} : memref<64x768xf32, #tpu.memory_space<vmem>>, vector<1x16xf32>,
      %get3A_365 = arith.index_cast %scan3A_22 : i32 to index
      %get3A_366 = arith.constant 336 : index
      %get3A_367 = tpu.vector_load %arg10[%get3A_365, %get3A_366] {strides = array<i32>} : memref<64x768xf32, #tpu.memory_space<vmem>>, vector<1x16xf32>,
      %get3A_368 = vector.shape_cast %get3A_367 : vector<1x16xf32> to vector<16xf32>
      %mul3A_369 = arith.mulf %get3A_368, %get3A_25 : vector<16xf32>
      %get3A_370 = arith.index_cast %scan3A_22 : i32 to index
      %get3A_371 = arith.constant 336 : index
      %get3A_372 = tpu.vector_load %arg11[%get3A_370, %get3A_371] {strides = array<i32>} : memref<64x768xf32, #tpu.memory_space<vmem>>, vector<1x16xf32>,
      %get3A_373 = vector.shape_cast %get3A_372 : vector<1x16xf32> to vector<16xf32>
      %mul3A_374 = arith.mulf %get3A_373, %get3A_29 : vector<16xf32>
      %add3A_375 = arith.addf %mul3A_369, %mul3A_374 : vector<16xf32>
      %swap3A_376 = arith.index_cast %scan3A_22 : i32 to index
      %swap3A_377 = arith.constant 336 : index
      %swap3A_378 = tpu.vector_load %arg10[%swap3A_376, %swap3A_377] {strides = array<i32>} : memref<64x768xf32, #tpu.memory_space<vmem>>, vector<1x16xf32>,
      %swap3A_379 = vector.shape_cast %swap3A_378 : vector<1x16xf32> to vector<16xf32>
      %swap3A_380 = vector.shape_cast %add3A_375 : vector<16xf32> to vector<1x16xf32>
      tpu.vector_store %arg10[%swap3A_376, %swap3A_377], %swap3A_380 {strides = array<i32>} : memref<64x768xf32, #tpu.memory_space<vmem>>, vector<1x16xf32>,
      %get3A_381 = arith.index_cast %scan3A_22 : i32 to index
      %get3A_382 = arith.constant 352 : index
      %get3A_383 = tpu.vector_load %arg10[%get3A_381, %get3A_382] {strides = array<i32>} : memref<64x768xf32, #tpu.memory_space<vmem>>, vector<1x16xf32>,
      %get3A_384 = vector.shape_cast %get3A_383 : vector<1x16xf32> to vector<16xf32>
      %mul3A_385 = arith.mulf %get3A_384, %get3A_25 : vector<16xf32>
      %get3A_386 = arith.index_cast %scan3A_22 : i32 to index
      %get3A_387 = arith.constant 352 : index
      %get3A_388 = tpu.vector_load %arg11[%get3A_386, %get3A_387] {strides = array<i32>} : memref<64x768xf32, #tpu.memory_space<vmem>>, vector<1x16xf32>,
      %get3A_389 = vector.shape_cast %get3A_388 : vector<1x16xf32> to vector<16xf32>
      %mul3A_390 = arith.mulf %get3A_389, %get3A_29 : vector<16xf32>
      %add3A_391 = arith.addf %mul3A_385, %mul3A_390 : vector<16xf32>
      %swap3A_392 = arith.index_cast %scan3A_22 : i32 to index
      %swap3A_393 = arith.constant 352 : index
      %swap3A_394 = tpu.vector_load %arg10[%swap3A_392, %swap3A_393] {strides = array<i32>} : memref<64x768xf32, #tpu.memory_space<vmem>>, vector<1x16xf32>,
      %swap3A_395 = vector.shape_cast %swap3A_394 : vector<1x16xf32> to vector<16xf32>
      %swap3A_396 = vector.shape_cast %add3A_391 : vector<16xf32> to vector<1x16xf32>
      tpu.vector_store %arg10[%swap3A_392, %swap3A_393], %swap3A_396 {strides = array<i32>} : memref<64x768xf32, #tpu.memory_space<vmem>>, vector<1x16xf32>,
      %get3A_397 = arith.index_cast %scan3A_22 : i32 to index
      %get3A_398 = arith.constant 368 : index
      %get3A_399 = tpu.vector_load %arg10[%get3A_397, %get3A_398] {strides = array<i32>} : memref<64x768xf32, #tpu.memory_space<vmem>>, vector<1x16xf32>,
      %get3A_400 = vector.shape_cast %get3A_399 : vector<1x16xf32> to vector<16xf32>
      %mul3A_401 = arith.mulf %get3A_400, %get3A_25 : vector<16xf32>
      %get3A_402 = arith.index_cast %scan3A_22 : i32 to index
      %get3A_403 = arith.constant 368 : index
      %get3A_404 = tpu.vector_load %arg11[%get3A_402, %get3A_403] {strides = array<i32>} : memref<64x768xf32, #tpu.memory_space<vmem>>, vector<1x16xf32>,
      %get3A_405 = vector.shape_cast %get3A_404 : vector<1x16xf32> to vector<16xf32>
      %mul3A_406 = arith.mulf %get3A_405, %get3A_29 : vector<16xf32>
      %add3A_407 = arith.addf %mul3A_401, %mul3A_406 : vector<16xf32>
      %swap3A_408 = arith.index_cast %scan3A_22 : i32 to index
      %swap3A_409 = arith.constant 368 : index
      %swap3A_410 = tpu.vector_load %arg10[%swap3A_408, %swap3A_409] {strides = array<i32>} : memref<64x768xf32, #tpu.memory_space<vmem>>, vector<1x16xf32>,
      %swap3A_411 = vector.shape_cast %swap3A_410 : vector<1x16xf32> to vector<16xf32>
      %swap3A_412 = vector.shape_cast %add3A_407 : vector<16xf32> to vector<1x16xf32>
      tpu.vector_store %arg10[%swap3A_408, %swap3A_409], %swap3A_412 {strides = array<i32>} : memref<64x768xf32, #tpu.memory_space<vmem>>, vector<1x16xf32>,
      %get3A_413 = arith.index_cast %scan3A_22 : i32 to index
      %get3A_414 = arith.constant 384 : index
      %get3A_415 = tpu.vector_load %arg10[%get3A_413, %get3A_414] {strides = array<i32>} : memref<64x768xf32, #tpu.memory_space<vmem>>, vector<1x16xf32>,
      %get3A_416 = vector.shape_cast %get3A_415 : vector<1x16xf32> to vector<16xf32>
      %mul3A_417 = arith.mulf %get3A_416, %get3A_25 : vector<16xf32>
      %get3A_418 = arith.index_cast %scan3A_22 : i32 to index
      %get3A_419 = arith.constant 384 : index
      %get3A_420 = tpu.vector_load %arg11[%get3A_418, %get3A_419] {strides = array<i32>} : memref<64x768xf32, #tpu.memory_space<vmem>>, vector<1x16xf32>,
      %get3A_421 = vector.shape_cast %get3A_420 : vector<1x16xf32> to vector<16xf32>
      %mul3A_422 = arith.mulf %get3A_421, %get3A_29 : vector<16xf32>
      %add3A_423 = arith.addf %mul3A_417, %mul3A_422 : vector<16xf32>
      %swap3A_424 = arith.index_cast %scan3A_22 : i32 to index
      %swap3A_425 = arith.constant 384 : index
      %swap3A_426 = tpu.vector_load %arg10[%swap3A_424, %swap3A_425] {strides = array<i32>} : memref<64x768xf32, #tpu.memory_space<vmem>>, vector<1x16xf32>,
      %swap3A_427 = vector.shape_cast %swap3A_426 : vector<1x16xf32> to vector<16xf32>
      %swap3A_428 = vector.shape_cast %add3A_423 : vector<16xf32> to vector<1x16xf32>
      tpu.vector_store %arg10[%swap3A_424, %swap3A_425], %swap3A_428 {strides = array<i32>} : memref<64x768xf32, #tpu.memory_space<vmem>>, vector<1x16xf32>,
      %get3A_429 = arith.index_cast %scan3A_22 : i32 to index
      %get3A_430 = arith.constant 400 : index
      %get3A_431 = tpu.vector_load %arg10[%get3A_429, %get3A_430] {strides = array<i32>} : memref<64x768xf32, #tpu.memory_space<vmem>>, vector<1x16xf32>,
      %get3A_432 = vector.shape_cast %get3A_431 : vector<1x16xf32> to vector<16xf32>
      %mul3A_433 = arith.mulf %get3A_432, %get3A_25 : vector<16xf32>
      %get3A_434 = arith.index_cast %scan3A_22 : i32 to index
      %get3A_435 = arith.constant 400 : index
      %get3A_436 = tpu.vector_load %arg11[%get3A_434, %get3A_435] {strides = array<i32>} : memref<64x768xf32, #tpu.memory_space<vmem>>, vector<1x16xf32>,
      %get3A_437 = vector.shape_cast %get3A_436 : vector<1x16xf32> to vector<16xf32>
      %mul3A_438 = arith.mulf %get3A_437, %get3A_29 : vector<16xf32>
      %add3A_439 = arith.addf %mul3A_433, %mul3A_438 : vector<16xf32>
      %swap3A_440 = arith.index_cast %scan3A_22 : i32 to index
      %swap3A_441 = arith.constant 400 : index
      %swap3A_442 = tpu.vector_load %arg10[%swap3A_440, %swap3A_441] {strides = array<i32>} : memref<64x768xf32, #tpu.memory_space<vmem>>, vector<1x16xf32>,
      %swap3A_443 = vector.shape_cast %swap3A_442 : vector<1x16xf32> to vector<16xf32>
      %swap3A_444 = vector.shape_cast %add3A_439 : vector<16xf32> to vector<1x16xf32>
      tpu.vector_store %arg10[%swap3A_440, %swap3A_441], %swap3A_444 {strides = array<i32>} : memref<64x768xf32, #tpu.memory_space<vmem>>, vector<1x16xf32>,
      %get3A_445 = arith.index_cast %scan3A_22 : i32 to index
      %get3A_446 = arith.constant 416 : index
      %get3A_447 = tpu.vector_load %arg10[%get3A_445, %get3A_446] {strides = array<i32>} : memref<64x768xf32, #tpu.memory_space<vmem>>, vector<1x16xf32>,
      %get3A_448 = vector.shape_cast %get3A_447 : vector<1x16xf32> to vector<16xf32>
      %mul3A_449 = arith.mulf %get3A_448, %get3A_25 : vector<16xf32>
      %get3A_450 = arith.index_cast %scan3A_22 : i32 to index
      %get3A_451 = arith.constant 416 : index
      %get3A_452 = tpu.vector_load %arg11[%get3A_450, %get3A_451] {strides = array<i32>} : memref<64x768xf32, #tpu.memory_space<vmem>>, vector<1x16xf32>,
      %get3A_453 = vector.shape_cast %get3A_452 : vector<1x16xf32> to vector<16xf32>
      %mul3A_454 = arith.mulf %get3A_453, %get3A_29 : vector<16xf32>
      %add3A_455 = arith.addf %mul3A_449, %mul3A_454 : vector<16xf32>
      %swap3A_456 = arith.index_cast %scan3A_22 : i32 to index
      %swap3A_457 = arith.constant 416 : index
      %swap3A_458 = tpu.vector_load %arg10[%swap3A_456, %swap3A_457] {strides = array<i32>} : memref<64x768xf32, #tpu.memory_space<vmem>>, vector<1x16xf32>,
      %swap3A_459 = vector.shape_cast %swap3A_458 : vector<1x16xf32> to vector<16xf32>
      %swap3A_460 = vector.shape_cast %add3A_455 : vector<16xf32> to vector<1x16xf32>
      tpu.vector_store %arg10[%swap3A_456, %swap3A_457], %swap3A_460 {strides = array<i32>} : memref<64x768xf32, #tpu.memory_space<vmem>>, vector<1x16xf32>,
      %get3A_461 = arith.index_cast %scan3A_22 : i32 to index
      %get3A_462 = arith.constant 432 : index
      %get3A_463 = tpu.vector_load %arg10[%get3A_461, %get3A_462] {strides = array<i32>} : memref<64x768xf32, #tpu.memory_space<vmem>>, vector<1x16xf32>,
      %get3A_464 = vector.shape_cast %get3A_463 : vector<1x16xf32> to vector<16xf32>
      %mul3A_465 = arith.mulf %get3A_464, %get3A_25 : vector<16xf32>
      %get3A_466 = arith.index_cast %scan3A_22 : i32 to index
      %get3A_467 = arith.constant 432 : index
      %get3A_468 = tpu.vector_load %arg11[%get3A_466, %get3A_467] {strides = array<i32>} : memref<64x768xf32, #tpu.memory_space<vmem>>, vector<1x16xf32>,
      %get3A_469 = vector.shape_cast %get3A_468 : vector<1x16xf32> to vector<16xf32>
      %mul3A_470 = arith.mulf %get3A_469, %get3A_29 : vector<16xf32>
      %add3A_471 = arith.addf %mul3A_465, %mul3A_470 : vector<16xf32>
      %swap3A_472 = arith.index_cast %scan3A_22 : i32 to index
      %swap3A_473 = arith.constant 432 : index
      %swap3A_474 = tpu.vector_load %arg10[%swap3A_472, %swap3A_473] {strides = array<i32>} : memref<64x768xf32, #tpu.memory_space<vmem>>, vector<1x16xf32>,
      %swap3A_475 = vector.shape_cast %swap3A_474 : vector<1x16xf32> to vector<16xf32>
      %swap3A_476 = vector.shape_cast %add3A_471 : vector<16xf32> to vector<1x16xf32>
      tpu.vector_store %arg10[%swap3A_472, %swap3A_473], %swap3A_476 {strides = array<i32>} : memref<64x768xf32, #tpu.memory_space<vmem>>, vector<1x16xf32>,
      %get3A_477 = arith.index_cast %scan3A_22 : i32 to index
      %get3A_478 = arith.constant 448 : index
      %get3A_479 = tpu.vector_load %arg10[%get3A_477, %get3A_478] {strides = array<i32>} : memref<64x768xf32, #tpu.memory_space<vmem>>, vector<1x16xf32>,
      %get3A_480 = vector.shape_cast %get3A_479 : vector<1x16xf32> to vector<16xf32>
      %mul3A_481 = arith.mulf %get3A_480, %get3A_25 : vector<16xf32>
      %get3A_482 = arith.index_cast %scan3A_22 : i32 to index
      %get3A_483 = arith.constant 448 : index
      %get3A_484 = tpu.vector_load %arg11[%get3A_482, %get3A_483] {strides = array<i32>} : memref<64x768xf32, #tpu.memory_space<vmem>>, vector<1x16xf32>,
      %get3A_485 = vector.shape_cast %get3A_484 : vector<1x16xf32> to vector<16xf32>
      %mul3A_486 = arith.mulf %get3A_485, %get3A_29 : vector<16xf32>
      %add3A_487 = arith.addf %mul3A_481, %mul3A_486 : vector<16xf32>
      %swap3A_488 = arith.index_cast %scan3A_22 : i32 to index
      %swap3A_489 = arith.constant 448 : index
      %swap3A_490 = tpu.vector_load %arg10[%swap3A_488, %swap3A_489] {strides = array<i32>} : memref<64x768xf32, #tpu.memory_space<vmem>>, vector<1x16xf32>,
      %swap3A_491 = vector.shape_cast %swap3A_490 : vector<1x16xf32> to vector<16xf32>
      %swap3A_492 = vector.shape_cast %add3A_487 : vector<16xf32> to vector<1x16xf32>
      tpu.vector_store %arg10[%swap3A_488, %swap3A_489], %swap3A_492 {strides = array<i32>} : memref<64x768xf32, #tpu.memory_space<vmem>>, vector<1x16xf32>,
      %get3A_493 = arith.index_cast %scan3A_22 : i32 to index
      %get3A_494 = arith.constant 464 : index
      %get3A_495 = tpu.vector_load %arg10[%get3A_493, %get3A_494] {strides = array<i32>} : memref<64x768xf32, #tpu.memory_space<vmem>>, vector<1x16xf32>,
      %get3A_496 = vector.shape_cast %get3A_495 : vector<1x16xf32> to vector<16xf32>
      %mul3A_497 = arith.mulf %get3A_496, %get3A_25 : vector<16xf32>
      %get3A_498 = arith.index_cast %scan3A_22 : i32 to index
      %get3A_499 = arith.constant 464 : index
      %get3A_500 = tpu.vector_load %arg11[%get3A_498, %get3A_499] {strides = array<i32>} : memref<64x768xf32, #tpu.memory_space<vmem>>, vector<1x16xf32>,
      %get3A_501 = vector.shape_cast %get3A_500 : vector<1x16xf32> to vector<16xf32>
      %mul3A_502 = arith.mulf %get3A_501, %get3A_29 : vector<16xf32>
      %add3A_503 = arith.addf %mul3A_497, %mul3A_502 : vector<16xf32>
      %swap3A_504 = arith.index_cast %scan3A_22 : i32 to index
      %swap3A_505 = arith.constant 464 : index
      %swap3A_506 = tpu.vector_load %arg10[%swap3A_504, %swap3A_505] {strides = array<i32>} : memref<64x768xf32, #tpu.memory_space<vmem>>, vector<1x16xf32>,
      %swap3A_507 = vector.shape_cast %swap3A_506 : vector<1x16xf32> to vector<16xf32>
      %swap3A_508 = vector.shape_cast %add3A_503 : vector<16xf32> to vector<1x16xf32>
      tpu.vector_store %arg10[%swap3A_504, %swap3A_505], %swap3A_508 {strides = array<i32>} : memref<64x768xf32, #tpu.memory_space<vmem>>, vector<1x16xf32>,
      %get3A_509 = arith.index_cast %scan3A_22 : i32 to index
      %get3A_510 = arith.constant 480 : index
      %get3A_511 = tpu.vector_load %arg10[%get3A_509, %get3A_510] {strides = array<i32>} : memref<64x768xf32, #tpu.memory_space<vmem>>, vector<1x16xf32>,
      %get3A_512 = vector.shape_cast %get3A_511 : vector<1x16xf32> to vector<16xf32>
      %mul3A_513 = arith.mulf %get3A_512, %get3A_25 : vector<16xf32>
      %get3A_514 = arith.index_cast %scan3A_22 : i32 to index
      %get3A_515 = arith.constant 480 : index
      %get3A_516 = tpu.vector_load %arg11[%get3A_514, %get3A_515] {strides = array<i32>} : memref<64x768xf32, #tpu.memory_space<vmem>>, vector<1x16xf32>,
      %get3A_517 = vector.shape_cast %get3A_516 : vector<1x16xf32> to vector<16xf32>
      %mul3A_518 = arith.mulf %get3A_517, %get3A_29 : vector<16xf32>
      %add3A_519 = arith.addf %mul3A_513, %mul3A_518 : vector<16xf32>
      %swap3A_520 = arith.index_cast %scan3A_22 : i32 to index
      %swap3A_521 = arith.constant 480 : index
      %swap3A_522 = tpu.vector_load %arg10[%swap3A_520, %swap3A_521] {strides = array<i32>} : memref<64x768xf32, #tpu.memory_space<vmem>>, vector<1x16xf32>,
      %swap3A_523 = vector.shape_cast %swap3A_522 : vector<1x16xf32> to vector<16xf32>
      %swap3A_524 = vector.shape_cast %add3A_519 : vector<16xf32> to vector<1x16xf32>
      tpu.vector_store %arg10[%swap3A_520, %swap3A_521], %swap3A_524 {strides = array<i32>} : memref<64x768xf32, #tpu.memory_space<vmem>>, vector<1x16xf32>,
      %get3A_525 = arith.index_cast %scan3A_22 : i32 to index
      %get3A_526 = arith.constant 496 : index
      %get3A_527 = tpu.vector_load %arg10[%get3A_525, %get3A_526] {strides = array<i32>} : memref<64x768xf32, #tpu.memory_space<vmem>>, vector<1x16xf32>,
      %get3A_528 = vector.shape_cast %get3A_527 : vector<1x16xf32> to vector<16xf32>
      %mul3A_529 = arith.mulf %get3A_528, %get3A_25 : vector<16xf32>
      %get3A_530 = arith.index_cast %scan3A_22 : i32 to index
      %get3A_531 = arith.constant 496 : index
      %get3A_532 = tpu.vector_load %arg11[%get3A_530, %get3A_531] {strides = array<i32>} : memref<64x768xf32, #tpu.memory_space<vmem>>, vector<1x16xf32>,
      %get3A_533 = vector.shape_cast %get3A_532 : vector<1x16xf32> to vector<16xf32>
      %mul3A_534 = arith.mulf %get3A_533, %get3A_29 : vector<16xf32>
      %add3A_535 = arith.addf %mul3A_529, %mul3A_534 : vector<16xf32>
      %swap3A_536 = arith.index_cast %scan3A_22 : i32 to index
      %swap3A_537 = arith.constant 496 : index
      %swap3A_538 = tpu.vector_load %arg10[%swap3A_536, %swap3A_537] {strides = array<i32>} : memref<64x768xf32, #tpu.memory_space<vmem>>, vector<1x16xf32>,
      %swap3A_539 = vector.shape_cast %swap3A_538 : vector<1x16xf32> to vector<16xf32>
      %swap3A_540 = vector.shape_cast %add3A_535 : vector<16xf32> to vector<1x16xf32>
      tpu.vector_store %arg10[%swap3A_536, %swap3A_537], %swap3A_540 {strides = array<i32>} : memref<64x768xf32, #tpu.memory_space<vmem>>, vector<1x16xf32>,
      %get3A_541 = arith.index_cast %scan3A_22 : i32 to index
      %get3A_542 = arith.constant 512 : index
      %get3A_543 = tpu.vector_load %arg10[%get3A_541, %get3A_542] {strides = array<i32>} : memref<64x768xf32, #tpu.memory_space<vmem>>, vector<1x16xf32>,
      %get3A_544 = vector.shape_cast %get3A_543 : vector<1x16xf32> to vector<16xf32>
      %mul3A_545 = arith.mulf %get3A_544, %get3A_25 : vector<16xf32>
      %get3A_546 = arith.index_cast %scan3A_22 : i32 to index
      %get3A_547 = arith.constant 512 : index
      %get3A_548 = tpu.vector_load %arg11[%get3A_546, %get3A_547] {strides = array<i32>} : memref<64x768xf32, #tpu.memory_space<vmem>>, vector<1x16xf32>,
      %get3A_549 = vector.shape_cast %get3A_548 : vector<1x16xf32> to vector<16xf32>
      %mul3A_550 = arith.mulf %get3A_549, %get3A_29 : vector<16xf32>
      %add3A_551 = arith.addf %mul3A_545, %mul3A_550 : vector<16xf32>
      %swap3A_552 = arith.index_cast %scan3A_22 : i32 to index
      %swap3A_553 = arith.constant 512 : index
      %swap3A_554 = tpu.vector_load %arg10[%swap3A_552, %swap3A_553] {strides = array<i32>} : memref<64x768xf32, #tpu.memory_space<vmem>>, vector<1x16xf32>,
      %swap3A_555 = vector.shape_cast %swap3A_554 : vector<1x16xf32> to vector<16xf32>
      %swap3A_556 = vector.shape_cast %add3A_551 : vector<16xf32> to vector<1x16xf32>
      tpu.vector_store %arg10[%swap3A_552, %swap3A_553], %swap3A_556 {strides = array<i32>} : memref<64x768xf32, #tpu.memory_space<vmem>>, vector<1x16xf32>,
      %get3A_557 = arith.index_cast %scan3A_22 : i32 to index
      %get3A_558 = arith.constant 528 : index
      %get3A_559 = tpu.vector_load %arg10[%get3A_557, %get3A_558] {strides = array<i32>} : memref<64x768xf32, #tpu.memory_space<vmem>>, vector<1x16xf32>,
      %get3A_560 = vector.shape_cast %get3A_559 : vector<1x16xf32> to vector<16xf32>
      %mul3A_561 = arith.mulf %get3A_560, %get3A_25 : vector<16xf32>
      %get3A_562 = arith.index_cast %scan3A_22 : i32 to index
      %get3A_563 = arith.constant 528 : index
      %get3A_564 = tpu.vector_load %arg11[%get3A_562, %get3A_563] {strides = array<i32>} : memref<64x768xf32, #tpu.memory_space<vmem>>, vector<1x16xf32>,
      %get3A_565 = vector.shape_cast %get3A_564 : vector<1x16xf32> to vector<16xf32>
      %mul3A_566 = arith.mulf %get3A_565, %get3A_29 : vector<16xf32>
      %add3A_567 = arith.addf %mul3A_561, %mul3A_566 : vector<16xf32>
      %swap3A_568 = arith.index_cast %scan3A_22 : i32 to index
      %swap3A_569 = arith.constant 528 : index
      %swap3A_570 = tpu.vector_load %arg10[%swap3A_568, %swap3A_569] {strides = array<i32>} : memref<64x768xf32, #tpu.memory_space<vmem>>, vector<1x16xf32>,
      %swap3A_571 = vector.shape_cast %swap3A_570 : vector<1x16xf32> to vector<16xf32>
      %swap3A_572 = vector.shape_cast %add3A_567 : vector<16xf32> to vector<1x16xf32>
      tpu.vector_store %arg10[%swap3A_568, %swap3A_569], %swap3A_572 {strides = array<i32>} : memref<64x768xf32, #tpu.memory_space<vmem>>, vector<1x16xf32>,
      %get3A_573 = arith.index_cast %scan3A_22 : i32 to index
      %get3A_574 = arith.constant 544 : index
      %get3A_575 = tpu.vector_load %arg10[%get3A_573, %get3A_574] {strides = array<i32>} : memref<64x768xf32, #tpu.memory_space<vmem>>, vector<1x16xf32>,
      %get3A_576 = vector.shape_cast %get3A_575 : vector<1x16xf32> to vector<16xf32>
      %mul3A_577 = arith.mulf %get3A_576, %get3A_25 : vector<16xf32>
      %get3A_578 = arith.index_cast %scan3A_22 : i32 to index
      %get3A_579 = arith.constant 544 : index
      %get3A_580 = tpu.vector_load %arg11[%get3A_578, %get3A_579] {strides = array<i32>} : memref<64x768xf32, #tpu.memory_space<vmem>>, vector<1x16xf32>,
      %get3A_581 = vector.shape_cast %get3A_580 : vector<1x16xf32> to vector<16xf32>
      %mul3A_582 = arith.mulf %get3A_581, %get3A_29 : vector<16xf32>
      %add3A_583 = arith.addf %mul3A_577, %mul3A_582 : vector<16xf32>
      %swap3A_584 = arith.index_cast %scan3A_22 : i32 to index
      %swap3A_585 = arith.constant 544 : index
      %swap3A_586 = tpu.vector_load %arg10[%swap3A_584, %swap3A_585] {strides = array<i32>} : memref<64x768xf32, #tpu.memory_space<vmem>>, vector<1x16xf32>,
      %swap3A_587 = vector.shape_cast %swap3A_586 : vector<1x16xf32> to vector<16xf32>
      %swap3A_588 = vector.shape_cast %add3A_583 : vector<16xf32> to vector<1x16xf32>
      tpu.vector_store %arg10[%swap3A_584, %swap3A_585], %swap3A_588 {strides = array<i32>} : memref<64x768xf32, #tpu.memory_space<vmem>>, vector<1x16xf32>,
      %get3A_589 = arith.index_cast %scan3A_22 : i32 to index
      %get3A_590 = arith.constant 560 : index
      %get3A_591 = tpu.vector_load %arg10[%get3A_589, %get3A_590] {strides = array<i32>} : memref<64x768xf32, #tpu.memory_space<vmem>>, vector<1x16xf32>,
      %get3A_592 = vector.shape_cast %get3A_591 : vector<1x16xf32> to vector<16xf32>
      %mul3A_593 = arith.mulf %get3A_592, %get3A_25 : vector<16xf32>
      %get3A_594 = arith.index_cast %scan3A_22 : i32 to index
      %get3A_595 = arith.constant 560 : index
      %get3A_596 = tpu.vector_load %arg11[%get3A_594, %get3A_595] {strides = array<i32>} : memref<64x768xf32, #tpu.memory_space<vmem>>, vector<1x16xf32>,
      %get3A_597 = vector.shape_cast %get3A_596 : vector<1x16xf32> to vector<16xf32>
      %mul3A_598 = arith.mulf %get3A_597, %get3A_29 : vector<16xf32>
      %add3A_599 = arith.addf %mul3A_593, %mul3A_598 : vector<16xf32>
      %swap3A_600 = arith.index_cast %scan3A_22 : i32 to index
      %swap3A_601 = arith.constant 560 : index
      %swap3A_602 = tpu.vector_load %arg10[%swap3A_600, %swap3A_601] {strides = array<i32>} : memref<64x768xf32, #tpu.memory_space<vmem>>, vector<1x16xf32>,
      %swap3A_603 = vector.shape_cast %swap3A_602 : vector<1x16xf32> to vector<16xf32>
      %swap3A_604 = vector.shape_cast %add3A_599 : vector<16xf32> to vector<1x16xf32>
      tpu.vector_store %arg10[%swap3A_600, %swap3A_601], %swap3A_604 {strides = array<i32>} : memref<64x768xf32, #tpu.memory_space<vmem>>, vector<1x16xf32>,
      %get3A_605 = arith.index_cast %scan3A_22 : i32 to index
      %get3A_606 = arith.constant 576 : index
      %get3A_607 = tpu.vector_load %arg10[%get3A_605, %get3A_606] {strides = array<i32>} : memref<64x768xf32, #tpu.memory_space<vmem>>, vector<1x16xf32>,
      %get3A_608 = vector.shape_cast %get3A_607 : vector<1x16xf32> to vector<16xf32>
      %mul3A_609 = arith.mulf %get3A_608, %get3A_25 : vector<16xf32>
      %get3A_610 = arith.index_cast %scan3A_22 : i32 to index
      %get3A_611 = arith.constant 576 : index
      %get3A_612 = tpu.vector_load %arg11[%get3A_610, %get3A_611] {strides = array<i32>} : memref<64x768xf32, #tpu.memory_space<vmem>>, vector<1x16xf32>,
      %get3A_613 = vector.shape_cast %get3A_612 : vector<1x16xf32> to vector<16xf32>
      %mul3A_614 = arith.mulf %get3A_613, %get3A_29 : vector<16xf32>
      %add3A_615 = arith.addf %mul3A_609, %mul3A_614 : vector<16xf32>
      %swap3A_616 = arith.index_cast %scan3A_22 : i32 to index
      %swap3A_617 = arith.constant 576 : index
      %swap3A_618 = tpu.vector_load %arg10[%swap3A_616, %swap3A_617] {strides = array<i32>} : memref<64x768xf32, #tpu.memory_space<vmem>>, vector<1x16xf32>,
      %swap3A_619 = vector.shape_cast %swap3A_618 : vector<1x16xf32> to vector<16xf32>
      %swap3A_620 = vector.shape_cast %add3A_615 : vector<16xf32> to vector<1x16xf32>
      tpu.vector_store %arg10[%swap3A_616, %swap3A_617], %swap3A_620 {strides = array<i32>} : memref<64x768xf32, #tpu.memory_space<vmem>>, vector<1x16xf32>,
      %get3A_621 = arith.index_cast %scan3A_22 : i32 to index
      %get3A_622 = arith.constant 592 : index
      %get3A_623 = tpu.vector_load %arg10[%get3A_621, %get3A_622] {strides = array<i32>} : memref<64x768xf32, #tpu.memory_space<vmem>>, vector<1x16xf32>,
      %get3A_624 = vector.shape_cast %get3A_623 : vector<1x16xf32> to vector<16xf32>
      %mul3A_625 = arith.mulf %get3A_624, %get3A_25 : vector<16xf32>
      %get3A_626 = arith.index_cast %scan3A_22 : i32 to index
      %get3A_627 = arith.constant 592 : index
      %get3A_628 = tpu.vector_load %arg11[%get3A_626, %get3A_627] {strides = array<i32>} : memref<64x768xf32, #tpu.memory_space<vmem>>, vector<1x16xf32>,
      %get3A_629 = vector.shape_cast %get3A_628 : vector<1x16xf32> to vector<16xf32>
      %mul3A_630 = arith.mulf %get3A_629, %get3A_29 : vector<16xf32>
      %add3A_631 = arith.addf %mul3A_625, %mul3A_630 : vector<16xf32>
      %swap3A_632 = arith.index_cast %scan3A_22 : i32 to index
      %swap3A_633 = arith.constant 592 : index
      %swap3A_634 = tpu.vector_load %arg10[%swap3A_632, %swap3A_633] {strides = array<i32>} : memref<64x768xf32, #tpu.memory_space<vmem>>, vector<1x16xf32>,
      %swap3A_635 = vector.shape_cast %swap3A_634 : vector<1x16xf32> to vector<16xf32>
      %swap3A_636 = vector.shape_cast %add3A_631 : vector<16xf32> to vector<1x16xf32>
      tpu.vector_store %arg10[%swap3A_632, %swap3A_633], %swap3A_636 {strides = array<i32>} : memref<64x768xf32, #tpu.memory_space<vmem>>, vector<1x16xf32>,
      %get3A_637 = arith.index_cast %scan3A_22 : i32 to index
      %get3A_638 = arith.constant 608 : index
      %get3A_639 = tpu.vector_load %arg10[%get3A_637, %get3A_638] {strides = array<i32>} : memref<64x768xf32, #tpu.memory_space<vmem>>, vector<1x16xf32>,
      %get3A_640 = vector.shape_cast %get3A_639 : vector<1x16xf32> to vector<16xf32>
      %mul3A_641 = arith.mulf %get3A_640, %get3A_25 : vector<16xf32>
      %get3A_642 = arith.index_cast %scan3A_22 : i32 to index
      %get3A_643 = arith.constant 608 : index
      %get3A_644 = tpu.vector_load %arg11[%get3A_642, %get3A_643] {strides = array<i32>} : memref<64x768xf32, #tpu.memory_space<vmem>>, vector<1x16xf32>,
      %get3A_645 = vector.shape_cast %get3A_644 : vector<1x16xf32> to vector<16xf32>
      %mul3A_646 = arith.mulf %get3A_645, %get3A_29 : vector<16xf32>
      %add3A_647 = arith.addf %mul3A_641, %mul3A_646 : vector<16xf32>
      %swap3A_648 = arith.index_cast %scan3A_22 : i32 to index
      %swap3A_649 = arith.constant 608 : index
      %swap3A_650 = tpu.vector_load %arg10[%swap3A_648, %swap3A_649] {strides = array<i32>} : memref<64x768xf32, #tpu.memory_space<vmem>>, vector<1x16xf32>,
      %swap3A_651 = vector.shape_cast %swap3A_650 : vector<1x16xf32> to vector<16xf32>
      %swap3A_652 = vector.shape_cast %add3A_647 : vector<16xf32> to vector<1x16xf32>
      tpu.vector_store %arg10[%swap3A_648, %swap3A_649], %swap3A_652 {strides = array<i32>} : memref<64x768xf32, #tpu.memory_space<vmem>>, vector<1x16xf32>,
      %get3A_653 = arith.index_cast %scan3A_22 : i32 to index
      %get3A_654 = arith.constant 624 : index
      %get3A_655 = tpu.vector_load %arg10[%get3A_653, %get3A_654] {strides = array<i32>} : memref<64x768xf32, #tpu.memory_space<vmem>>, vector<1x16xf32>,
      %get3A_656 = vector.shape_cast %get3A_655 : vector<1x16xf32> to vector<16xf32>
      %mul3A_657 = arith.mulf %get3A_656, %get3A_25 : vector<16xf32>
      %get3A_658 = arith.index_cast %scan3A_22 : i32 to index
      %get3A_659 = arith.constant 624 : index
      %get3A_660 = tpu.vector_load %arg11[%get3A_658, %get3A_659] {strides = array<i32>} : memref<64x768xf32, #tpu.memory_space<vmem>>, vector<1x16xf32>,
      %get3A_661 = vector.shape_cast %get3A_660 : vector<1x16xf32> to vector<16xf32>
      %mul3A_662 = arith.mulf %get3A_661, %get3A_29 : vector<16xf32>
      %add3A_663 = arith.addf %mul3A_657, %mul3A_662 : vector<16xf32>
      %swap3A_664 = arith.index_cast %scan3A_22 : i32 to index
      %swap3A_665 = arith.constant 624 : index
      %swap3A_666 = tpu.vector_load %arg10[%swap3A_664, %swap3A_665] {strides = array<i32>} : memref<64x768xf32, #tpu.memory_space<vmem>>, vector<1x16xf32>,
      %swap3A_667 = vector.shape_cast %swap3A_666 : vector<1x16xf32> to vector<16xf32>
      %swap3A_668 = vector.shape_cast %add3A_663 : vector<16xf32> to vector<1x16xf32>
      tpu.vector_store %arg10[%swap3A_664, %swap3A_665], %swap3A_668 {strides = array<i32>} : memref<64x768xf32, #tpu.memory_space<vmem>>, vector<1x16xf32>,
      %get3A_669 = arith.index_cast %scan3A_22 : i32 to index
      %get3A_670 = arith.constant 640 : index
      %get3A_671 = tpu.vector_load %arg10[%get3A_669, %get3A_670] {strides = array<i32>} : memref<64x768xf32, #tpu.memory_space<vmem>>, vector<1x16xf32>,
      %get3A_672 = vector.shape_cast %get3A_671 : vector<1x16xf32> to vector<16xf32>
      %mul3A_673 = arith.mulf %get3A_672, %get3A_25 : vector<16xf32>
      %get3A_674 = arith.index_cast %scan3A_22 : i32 to index
      %get3A_675 = arith.constant 640 : index
      %get3A_676 = tpu.vector_load %arg11[%get3A_674, %get3A_675] {strides = array<i32>} : memref<64x768xf32, #tpu.memory_space<vmem>>, vector<1x16xf32>,
      %get3A_677 = vector.shape_cast %get3A_676 : vector<1x16xf32> to vector<16xf32>
      %mul3A_678 = arith.mulf %get3A_677, %get3A_29 : vector<16xf32>
      %add3A_679 = arith.addf %mul3A_673, %mul3A_678 : vector<16xf32>
      %swap3A_680 = arith.index_cast %scan3A_22 : i32 to index
      %swap3A_681 = arith.constant 640 : index
      %swap3A_682 = tpu.vector_load %arg10[%swap3A_680, %swap3A_681] {strides = array<i32>} : memref<64x768xf32, #tpu.memory_space<vmem>>, vector<1x16xf32>,
      %swap3A_683 = vector.shape_cast %swap3A_682 : vector<1x16xf32> to vector<16xf32>
      %swap3A_684 = vector.shape_cast %add3A_679 : vector<16xf32> to vector<1x16xf32>
      tpu.vector_store %arg10[%swap3A_680, %swap3A_681], %swap3A_684 {strides = array<i32>} : memref<64x768xf32, #tpu.memory_space<vmem>>, vector<1x16xf32>,
      %get3A_685 = arith.index_cast %scan3A_22 : i32 to index
      %get3A_686 = arith.constant 656 : index
      %get3A_687 = tpu.vector_load %arg10[%get3A_685, %get3A_686] {strides = array<i32>} : memref<64x768xf32, #tpu.memory_space<vmem>>, vector<1x16xf32>,
      %get3A_688 = vector.shape_cast %get3A_687 : vector<1x16xf32> to vector<16xf32>
      %mul3A_689 = arith.mulf %get3A_688, %get3A_25 : vector<16xf32>
      %get3A_690 = arith.index_cast %scan3A_22 : i32 to index
      %get3A_691 = arith.constant 656 : index
      %get3A_692 = tpu.vector_load %arg11[%get3A_690, %get3A_691] {strides = array<i32>} : memref<64x768xf32, #tpu.memory_space<vmem>>, vector<1x16xf32>,
      %get3A_693 = vector.shape_cast %get3A_692 : vector<1x16xf32> to vector<16xf32>
      %mul3A_694 = arith.mulf %get3A_693, %get3A_29 : vector<16xf32>
      %add3A_695 = arith.addf %mul3A_689, %mul3A_694 : vector<16xf32>
      %swap3A_696 = arith.index_cast %scan3A_22 : i32 to index
      %swap3A_697 = arith.constant 656 : index
      %swap3A_698 = tpu.vector_load %arg10[%swap3A_696, %swap3A_697] {strides = array<i32>} : memref<64x768xf32, #tpu.memory_space<vmem>>, vector<1x16xf32>,
      %swap3A_699 = vector.shape_cast %swap3A_698 : vector<1x16xf32> to vector<16xf32>
      %swap3A_700 = vector.shape_cast %add3A_695 : vector<16xf32> to vector<1x16xf32>
      tpu.vector_store %arg10[%swap3A_696, %swap3A_697], %swap3A_700 {strides = array<i32>} : memref<64x768xf32, #tpu.memory_space<vmem>>, vector<1x16xf32>,
      %get3A_701 = arith.index_cast %scan3A_22 : i32 to index
      %get3A_702 = arith.constant 672 : index
      %get3A_703 = tpu.vector_load %arg10[%get3A_701, %get3A_702] {strides = array<i32>} : memref<64x768xf32, #tpu.memory_space<vmem>>, vector<1x16xf32>,
      %get3A_704 = vector.shape_cast %get3A_703 : vector<1x16xf32> to vector<16xf32>
      %mul3A_705 = arith.mulf %get3A_704, %get3A_25 : vector<16xf32>
      %get3A_706 = arith.index_cast %scan3A_22 : i32 to index
      %get3A_707 = arith.constant 672 : index
      %get3A_708 = tpu.vector_load %arg11[%get3A_706, %get3A_707] {strides = array<i32>} : memref<64x768xf32, #tpu.memory_space<vmem>>, vector<1x16xf32>,
      %get3A_709 = vector.shape_cast %get3A_708 : vector<1x16xf32> to vector<16xf32>
      %mul3A_710 = arith.mulf %get3A_709, %get3A_29 : vector<16xf32>
      %add3A_711 = arith.addf %mul3A_705, %mul3A_710 : vector<16xf32>
      %swap3A_712 = arith.index_cast %scan3A_22 : i32 to index
      %swap3A_713 = arith.constant 672 : index
      %swap3A_714 = tpu.vector_load %arg10[%swap3A_712, %swap3A_713] {strides = array<i32>} : memref<64x768xf32, #tpu.memory_space<vmem>>, vector<1x16xf32>,
      %swap3A_715 = vector.shape_cast %swap3A_714 : vector<1x16xf32> to vector<16xf32>
      %swap3A_716 = vector.shape_cast %add3A_711 : vector<16xf32> to vector<1x16xf32>
      tpu.vector_store %arg10[%swap3A_712, %swap3A_713], %swap3A_716 {strides = array<i32>} : memref<64x768xf32, #tpu.memory_space<vmem>>, vector<1x16xf32>,
      %get3A_717 = arith.index_cast %scan3A_22 : i32 to index
      %get3A_718 = arith.constant 688 : index
      %get3A_719 = tpu.vector_load %arg10[%get3A_717, %get3A_718] {strides = array<i32>} : memref<64x768xf32, #tpu.memory_space<vmem>>, vector<1x16xf32>,
      %get3A_720 = vector.shape_cast %get3A_719 : vector<1x16xf32> to vector<16xf32>
      %mul3A_721 = arith.mulf %get3A_720, %get3A_25 : vector<16xf32>
      %get3A_722 = arith.index_cast %scan3A_22 : i32 to index
      %get3A_723 = arith.constant 688 : index
      %get3A_724 = tpu.vector_load %arg11[%get3A_722, %get3A_723] {strides = array<i32>} : memref<64x768xf32, #tpu.memory_space<vmem>>, vector<1x16xf32>,
      %get3A_725 = vector.shape_cast %get3A_724 : vector<1x16xf32> to vector<16xf32>
      %mul3A_726 = arith.mulf %get3A_725, %get3A_29 : vector<16xf32>
      %add3A_727 = arith.addf %mul3A_721, %mul3A_726 : vector<16xf32>
      %swap3A_728 = arith.index_cast %scan3A_22 : i32 to index
      %swap3A_729 = arith.constant 688 : index
      %swap3A_730 = tpu.vector_load %arg10[%swap3A_728, %swap3A_729] {strides = array<i32>} : memref<64x768xf32, #tpu.memory_space<vmem>>, vector<1x16xf32>,
      %swap3A_731 = vector.shape_cast %swap3A_730 : vector<1x16xf32> to vector<16xf32>
      %swap3A_732 = vector.shape_cast %add3A_727 : vector<16xf32> to vector<1x16xf32>
      tpu.vector_store %arg10[%swap3A_728, %swap3A_729], %swap3A_732 {strides = array<i32>} : memref<64x768xf32, #tpu.memory_space<vmem>>, vector<1x16xf32>,
      %get3A_733 = arith.index_cast %scan3A_22 : i32 to index
      %get3A_734 = arith.constant 704 : index
      %get3A_735 = tpu.vector_load %arg10[%get3A_733, %get3A_734] {strides = array<i32>} : memref<64x768xf32, #tpu.memory_space<vmem>>, vector<1x16xf32>,
      %get3A_736 = vector.shape_cast %get3A_735 : vector<1x16xf32> to vector<16xf32>
      %mul3A_737 = arith.mulf %get3A_736, %get3A_25 : vector<16xf32>
      %get3A_738 = arith.index_cast %scan3A_22 : i32 to index
      %get3A_739 = arith.constant 704 : index
      %get3A_740 = tpu.vector_load %arg11[%get3A_738, %get3A_739] {strides = array<i32>} : memref<64x768xf32, #tpu.memory_space<vmem>>, vector<1x16xf32>,
      %get3A_741 = vector.shape_cast %get3A_740 : vector<1x16xf32> to vector<16xf32>
      %mul3A_742 = arith.mulf %get3A_741, %get3A_29 : vector<16xf32>
      %add3A_743 = arith.addf %mul3A_737, %mul3A_742 : vector<16xf32>
      %swap3A_744 = arith.index_cast %scan3A_22 : i32 to index
      %swap3A_745 = arith.constant 704 : index
      %swap3A_746 = tpu.vector_load %arg10[%swap3A_744, %swap3A_745] {strides = array<i32>} : memref<64x768xf32, #tpu.memory_space<vmem>>, vector<1x16xf32>,
      %swap3A_747 = vector.shape_cast %swap3A_746 : vector<1x16xf32> to vector<16xf32>
      %swap3A_748 = vector.shape_cast %add3A_743 : vector<16xf32> to vector<1x16xf32>
      tpu.vector_store %arg10[%swap3A_744, %swap3A_745], %swap3A_748 {strides = array<i32>} : memref<64x768xf32, #tpu.memory_space<vmem>>, vector<1x16xf32>,
      %get3A_749 = arith.index_cast %scan3A_22 : i32 to index
      %get3A_750 = arith.constant 720 : index
      %get3A_751 = tpu.vector_load %arg10[%get3A_749, %get3A_750] {strides = array<i32>} : memref<64x768xf32, #tpu.memory_space<vmem>>, vector<1x16xf32>,
      %get3A_752 = vector.shape_cast %get3A_751 : vector<1x16xf32> to vector<16xf32>
      %mul3A_753 = arith.mulf %get3A_752, %get3A_25 : vector<16xf32>
      %get3A_754 = arith.index_cast %scan3A_22 : i32 to index
      %get3A_755 = arith.constant 720 : index
      %get3A_756 = tpu.vector_load %arg11[%get3A_754, %get3A_755] {strides = array<i32>} : memref<64x768xf32, #tpu.memory_space<vmem>>, vector<1x16xf32>,
      %get3A_757 = vector.shape_cast %get3A_756 : vector<1x16xf32> to vector<16xf32>
      %mul3A_758 = arith.mulf %get3A_757, %get3A_29 : vector<16xf32>
      %add3A_759 = arith.addf %mul3A_753, %mul3A_758 : vector<16xf32>
      %swap3A_760 = arith.index_cast %scan3A_22 : i32 to index
      %swap3A_761 = arith.constant 720 : index
      %swap3A_762 = tpu.vector_load %arg10[%swap3A_760, %swap3A_761] {strides = array<i32>} : memref<64x768xf32, #tpu.memory_space<vmem>>, vector<1x16xf32>,
      %swap3A_763 = vector.shape_cast %swap3A_762 : vector<1x16xf32> to vector<16xf32>
      %swap3A_764 = vector.shape_cast %add3A_759 : vector<16xf32> to vector<1x16xf32>
      tpu.vector_store %arg10[%swap3A_760, %swap3A_761], %swap3A_764 {strides = array<i32>} : memref<64x768xf32, #tpu.memory_space<vmem>>, vector<1x16xf32>,
      %get3A_765 = arith.index_cast %scan3A_22 : i32 to index
      %get3A_766 = arith.constant 736 : index
      %get3A_767 = tpu.vector_load %arg10[%get3A_765, %get3A_766] {strides = array<i32>} : memref<64x768xf32, #tpu.memory_space<vmem>>, vector<1x16xf32>,
      %get3A_768 = vector.shape_cast %get3A_767 : vector<1x16xf32> to vector<16xf32>
      %mul3A_769 = arith.mulf %get3A_768, %get3A_25 : vector<16xf32>
      %get3A_770 = arith.index_cast %scan3A_22 : i32 to index
      %get3A_771 = arith.constant 736 : index
      %get3A_772 = tpu.vector_load %arg11[%get3A_770, %get3A_771] {strides = array<i32>} : memref<64x768xf32, #tpu.memory_space<vmem>>, vector<1x16xf32>,
      %get3A_773 = vector.shape_cast %get3A_772 : vector<1x16xf32> to vector<16xf32>
      %mul3A_774 = arith.mulf %get3A_773, %get3A_29 : vector<16xf32>
      %add3A_775 = arith.addf %mul3A_769, %mul3A_774 : vector<16xf32>
      %swap3A_776 = arith.index_cast %scan3A_22 : i32 to index
      %swap3A_777 = arith.constant 736 : index
      %swap3A_778 = tpu.vector_load %arg10[%swap3A_776, %swap3A_777] {strides = array<i32>} : memref<64x768xf32, #tpu.memory_space<vmem>>, vector<1x16xf32>,
      %swap3A_779 = vector.shape_cast %swap3A_778 : vector<1x16xf32> to vector<16xf32>
      %swap3A_780 = vector.shape_cast %add3A_775 : vector<16xf32> to vector<1x16xf32>
      tpu.vector_store %arg10[%swap3A_776, %swap3A_777], %swap3A_780 {strides = array<i32>} : memref<64x768xf32, #tpu.memory_space<vmem>>, vector<1x16xf32>,
      %get3A_781 = arith.index_cast %scan3A_22 : i32 to index
      %get3A_782 = arith.constant 752 : index
      %get3A_783 = tpu.vector_load %arg10[%get3A_781, %get3A_782] {strides = array<i32>} : memref<64x768xf32, #tpu.memory_space<vmem>>, vector<1x16xf32>,
      %get3A_784 = vector.shape_cast %get3A_783 : vector<1x16xf32> to vector<16xf32>
      %mul3A_785 = arith.mulf %get3A_784, %get3A_25 : vector<16xf32>
      %get3A_786 = arith.index_cast %scan3A_22 : i32 to index
      %get3A_787 = arith.constant 752 : index
      %get3A_788 = tpu.vector_load %arg11[%get3A_786, %get3A_787] {strides = array<i32>} : memref<64x768xf32, #tpu.memory_space<vmem>>, vector<1x16xf32>,
      %get3A_789 = vector.shape_cast %get3A_788 : vector<1x16xf32> to vector<16xf32>
      %mul3A_790 = arith.mulf %get3A_789, %get3A_29 : vector<16xf32>
      %add3A_791 = arith.addf %mul3A_785, %mul3A_790 : vector<16xf32>
      %swap3A_792 = arith.index_cast %scan3A_22 : i32 to index
      %swap3A_793 = arith.constant 752 : index
      %swap3A_794 = tpu.vector_load %arg10[%swap3A_792, %swap3A_793] {strides = array<i32>} : memref<64x768xf32, #tpu.memory_space<vmem>>, vector<1x16xf32>,
      %swap3A_795 = vector.shape_cast %swap3A_794 : vector<1x16xf32> to vector<16xf32>
      %swap3A_796 = vector.shape_cast %add3A_791 : vector<16xf32> to vector<1x16xf32>
      tpu.vector_store %arg10[%swap3A_792, %swap3A_793], %swap3A_796 {strides = array<i32>} : memref<64x768xf32, #tpu.memory_space<vmem>>, vector<1x16xf32>,
    }
    %scan3A_21 = arith.constant 64 : i32
    "tpu.region"() ({
      %run_scoped3A = tpu.sem_alloc : memref<!tpu.dma_semaphore, #tpu.memory_space<semaphore_mem>>
      %dma_start3A_22 = arith.constant 0 : i32
      %dma_start3A_23 = tpu.memref_slice %arg5[%mul3A_2, %dma_start3A_22] : memref<2048x768xf32, #tpu.memory_space<hbm>> -> memref<64x768xf32, #tpu.memory_space<hbm>>
      %dma_start3A_24 = arith.constant 0 : i32
      %dma_start3A_25 = tpu.memref_slice %arg5[%mul3A_2, %dma_start3A_24] : memref<2048x768xf32, #tpu.memory_space<hbm>> -> memref<64x768xf32, #tpu.memory_space<hbm>>
      tpu.enqueue_dma source(%arg10 : memref<64x768xf32, #tpu.memory_space<vmem>>) target(%dma_start3A_25 : memref<64x768xf32, #tpu.memory_space<hbm>>) target_semaphore(%run_scoped3A : memref<!tpu.dma_semaphore, #tpu.memory_space<semaphore_mem>>)
      %dma_wait3A_26 = arith.constant 0 : i32
      %dma_wait3A_27 = tpu.memref_slice %arg5[%mul3A_2, %dma_wait3A_26] : memref<2048x768xf32, #tpu.memory_space<hbm>> -> memref<64x768xf32, #tpu.memory_space<hbm>>
      %dma_wait3A_28 = arith.constant 0 : i32
      %dma_wait3A_29 = tpu.memref_slice %arg5[%mul3A_2, %dma_wait3A_28] : memref<2048x768xf32, #tpu.memory_space<hbm>> -> memref<64x768xf32, #tpu.memory_space<hbm>>
      tpu.wait_dma2 semaphore(%run_scoped3A : memref<!tpu.dma_semaphore, #tpu.memory_space<semaphore_mem>>) src(%arg10 : memref<64x768xf32, #tpu.memory_space<vmem>>) dst(%dma_wait3A_29 : memref<64x768xf32, #tpu.memory_space<hbm>>)
      tpu.yield
    }) : () -> ()
    return
  }
}

module attributes {stable_mosaic.version = 14 : i64} {
  func.func @_router_body(%arg0: i32, %arg1: memref<256x1x768xf32, #tpu.memory_space<vmem>>, %arg2: memref<8x768xf32, #tpu.memory_space<vmem>>, %arg3: memref<1x4096xi32, #tpu.memory_space<vmem>>, %arg4: memref<1x4096xf32, #tpu.memory_space<vmem>>, %arg5: memref<2x32xi32, #tpu.memory_space<vmem>>, %arg6: memref<256x768xf32, #tpu.memory_space<vmem>>, %arg7: memref<8x2048xf32, #tpu.memory_space<vmem>>) attributes {dimension_semantics = [#tpu.dimension_semantics<arbitrary>], iteration_bounds = array<i64: 8>, scalar_prefetch = 0 : i64, scratch_operands = 1 : i64, tpu.core_type = #tpu.core_type<tc>, window_params = [{transform_indices = @transform_0, window_bounds = array<i64: 256, 1, 768>}, {pipeline_mode = #tpu.pipeline_mode<synchronous>, transform_indices = @transform_1, window_bounds = array<i64: 8, 768>}, {pipeline_mode = #tpu.pipeline_mode<synchronous>, transform_indices = @transform_2, window_bounds = array<i64: 1, 4096>}, {pipeline_mode = #tpu.pipeline_mode<synchronous>, transform_indices = @transform_3, window_bounds = array<i64: 1, 4096>}, {pipeline_mode = #tpu.pipeline_mode<synchronous>, transform_indices = @transform_4, window_bounds = array<i64: 2, 32>}, {transform_indices = @transform_5, window_bounds = array<i64: 256, 768>}]} {
    %get3A = arith.constant 0 : index
    %get3A_0 = arith.constant 0 : index
    %get3A_1 = arith.constant 0 : index
    %get3A_2 = vector.load %arg1[%get3A, %get3A_0, %get3A_1] : memref<256x1x768xf32, #tpu.memory_space<vmem>>, vector<256x1x768xf32>
    %squeeze3A = vector.shape_cast %get3A_2 : vector<256x1x768xf32> to vector<256x768xf32>
    %swap3A = arith.constant 0 : index
    %swap3A_3 = arith.constant 0 : index
    %swap3A_4 = vector.load %arg6[%swap3A, %swap3A_3] : memref<256x768xf32, #tpu.memory_space<vmem>>, vector<256x768xf32>
    tpu.vector_store %arg6[%swap3A, %swap3A_3], %squeeze3A {strides = array<i32>} : memref<256x768xf32, #tpu.memory_space<vmem>>, vector<256x768xf32>,
    %get3A_5 = arith.constant 0 : index
    %get3A_6 = arith.constant 0 : index
    %get3A_7 = vector.load %arg2[%get3A_5, %get3A_6] : memref<8x768xf32, #tpu.memory_space<vmem>>, vector<8x768xf32>
    %dot_general3A = arith.constant dense<0.000000e+00> : vector<8x256xf32>
    %dot_general3A_8 = tpu.matmul %get3A_7, %squeeze3A, %dot_general3A {dimension_numbers = #tpu.dot_dimension_numbers<[1], [1], [0], [0], [0, 0, 1, 0], [], []>, transpose_lhs_hint = false} : vector<8x768xf32>, vector<256x768xf32>, vector<8x256xf32> -> vector<8x256xf32>
    %mul3A = arith.constant 256 : i32
    %mul3A_9 = arith.muli %arg0, %mul3A : i32
    %swap3A_10 = arith.constant 0 : index
    %swap3A_11 = arith.index_cast %mul3A_9 : i32 to index
    %swap3A_12 = vector.load %arg7[%swap3A_10, %swap3A_11] : memref<8x2048xf32, #tpu.memory_space<vmem>>, vector<8x256xf32>
    tpu.vector_store %arg7[%swap3A_10, %swap3A_11], %dot_general3A_8 {strides = array<i32>} : memref<8x2048xf32, #tpu.memory_space<vmem>>, vector<8x256xf32>,
    %eq3A = arith.constant 7 : i32
    %eq3A_13 = arith.cmpi eq, %arg0, %eq3A : i32
    %convert_element_type3A = arith.extui %eq3A_13 : i1 to i32
    %cond3A = arith.constant 0 : i32
    %cond3A_14 = arith.cmpi ne, %convert_element_type3A, %cond3A : i32
    scf.if %cond3A_14 {
      %get3A_15 = arith.constant 0 : index
      %get3A_16 = arith.constant 0 : index
      %get3A_17 = vector.load %arg7[%get3A_15, %get3A_16] : memref<8x2048xf32, #tpu.memory_space<vmem>>, vector<8x2048xf32>
      %reduce_max3A = arith.constant dense<0xFF800000> : vector<2048xf32>
      %reduce_max3A_18 = vector.multi_reduction <maximumf>, %get3A_17, %reduce_max3A [0] : vector<8x2048xf32> to vector<2048xf32>
      %broadcast_in_dim3A = vector.shape_cast %reduce_max3A_18 : vector<2048xf32> to vector<1x2048xf32>
      %iota3A = tpu.iota {dimensions = array<i32: 0>} : vector<8x2048xi32>
      %eq3A_19 = vector.broadcast %broadcast_in_dim3A : vector<1x2048xf32> to vector<8x2048xf32>
      %eq3A_20 = arith.cmpf oeq, %get3A_17, %eq3A_19 : vector<8x2048xf32>
      %jit3A = arith.constant 8 : i32
      %broadcast_in_dim3A_21 = vector.broadcast %jit3A : i32 to vector<8x2048xi32>
      %select_n3A = arith.select %eq3A_20, %iota3A, %broadcast_in_dim3A_21 : vector<8x2048xi1>, vector<8x2048xi32>
      %reduce_min3A = arith.constant dense<2147483647> : vector<2048xi32>
      %reduce_min3A_22 = vector.multi_reduction <minsi>, %select_n3A, %reduce_min3A [0] : vector<8x2048xi32> to vector<2048xi32>
      %broadcast_in_dim3A_23 = vector.shape_cast %reduce_min3A_22 : vector<2048xi32> to vector<1x2048xi32>
      %eq3A_24 = vector.broadcast %broadcast_in_dim3A_23 : vector<1x2048xi32> to vector<8x2048xi32>
      %eq3A_25 = arith.cmpi eq, %iota3A, %eq3A_24 : vector<8x2048xi32>
      %jit3A_26 = arith.constant 0xFF800000 : f32
      %broadcast_in_dim3A_27 = vector.broadcast %jit3A_26 : f32 to vector<8x2048xf32>
      %select_n3A_28 = arith.select %eq3A_25, %broadcast_in_dim3A_27, %get3A_17 : vector<8x2048xi1>, vector<8x2048xf32>
      %reduce_max3A_29 = arith.constant dense<0xFF800000> : vector<2048xf32>
      %reduce_max3A_30 = vector.multi_reduction <maximumf>, %select_n3A_28, %reduce_max3A_29 [0] : vector<8x2048xf32> to vector<2048xf32>
      %broadcast_in_dim3A_31 = vector.shape_cast %reduce_max3A_30 : vector<2048xf32> to vector<1x2048xf32>
      %eq3A_32 = vector.broadcast %broadcast_in_dim3A_31 : vector<1x2048xf32> to vector<8x2048xf32>
      %eq3A_33 = arith.cmpf oeq, %select_n3A_28, %eq3A_32 : vector<8x2048xf32>
      %jit3A_34 = arith.constant 8 : i32
      %broadcast_in_dim3A_35 = vector.broadcast %jit3A_34 : i32 to vector<8x2048xi32>
      %select_n3A_36 = arith.select %eq3A_33, %iota3A, %broadcast_in_dim3A_35 : vector<8x2048xi1>, vector<8x2048xi32>
      %reduce_min3A_37 = arith.constant dense<2147483647> : vector<2048xi32>
      %reduce_min3A_38 = vector.multi_reduction <minsi>, %select_n3A_36, %reduce_min3A_37 [0] : vector<8x2048xi32> to vector<2048xi32>
      %broadcast_in_dim3A_39 = vector.shape_cast %reduce_min3A_38 : vector<2048xi32> to vector<1x2048xi32>
      %sub3A = arith.subf %broadcast_in_dim3A_31, %broadcast_in_dim3A : vector<1x2048xf32>
      %exp3A = math.exp %sub3A : vector<1x2048xf32>
      %add3A = arith.constant 1.000000e+00 : f32
      %add3A_40 = vector.broadcast %add3A : f32 to vector<1x2048xf32>
      %add3A_41 = arith.addf %add3A_40, %exp3A : vector<1x2048xf32>
      %div3A = arith.constant 1.000000e+00 : f32
      %div3A_42 = vector.broadcast %div3A : f32 to vector<1x2048xf32>
      %div3A_43 = arith.divf %div3A_42, %add3A_41 : vector<1x2048xf32>
      %div3A_44 = arith.divf %exp3A, %add3A_41 : vector<1x2048xf32>
      %concatenate3A = tpu.concatenate %broadcast_in_dim3A_23, %broadcast_in_dim3A_39 in 1 : vector<1x2048xi32>, vector<1x2048xi32> -> vector<1x4096xi32>
      %concatenate3A_45 = tpu.concatenate %div3A_43, %div3A_44 in 1 : vector<1x2048xf32>, vector<1x2048xf32> -> vector<1x4096xf32>
      %swap3A_46 = arith.constant 0 : index
      %swap3A_47 = arith.constant 0 : index
      %swap3A_48 = vector.load %arg4[%swap3A_46, %swap3A_47] : memref<1x4096xf32, #tpu.memory_space<vmem>>, vector<1x4096xf32>
      tpu.vector_store %arg4[%swap3A_46, %swap3A_47], %concatenate3A_45 {strides = array<i32>} : memref<1x4096xf32, #tpu.memory_space<vmem>>, vector<1x4096xf32>,
      %iota3A_49 = tpu.iota {dimensions = array<i32: 1>} : vector<1x32xi32>
      %mul3A_50 = arith.constant 256 : i32
      %mul3A_51 = vector.broadcast %mul3A_50 : i32 to vector<1x32xi32>
      %mul3A_52 = arith.muli %iota3A_49, %mul3A_51 : vector<1x32xi32>
      %broadcast_in_dim3A_53 = arith.constant 0 : i32
      %broadcast_in_dim3A_54 = vector.broadcast %broadcast_in_dim3A_53 : i32 to vector<1x1xi32>
      %broadcast_in_dim3A_55 = arith.constant 0 : i32
      %broadcast_in_dim3A_56 = vector.broadcast %broadcast_in_dim3A_55 : i32 to vector<1x4096xi32>
      %broadcast_in_dim3A_57 = arith.constant 0 : i32
      %broadcast_in_dim3A_58 = vector.broadcast %broadcast_in_dim3A_57 : i32 to vector<1x32xi32>
      %broadcast_in_dim3A_59 = arith.constant 0 : i32
      %broadcast_in_dim3A_60 = vector.broadcast %broadcast_in_dim3A_59 : i32 to vector<1x1xi32>
      %eq3A_61 = arith.constant 0 : i32
      %eq3A_62 = vector.broadcast %eq3A_61 : i32 to vector<1x4096xi32>
      %eq3A_63 = arith.cmpi eq, %concatenate3A, %eq3A_62 : vector<1x4096xi32>
      %convert_element_type3A_64 = arith.extui %eq3A_63 : vector<1x4096xi1> to vector<1x4096xi32>
      %broadcast_in_dim3A_65 = arith.constant 0 : i32
      %broadcast_in_dim3A_66 = vector.broadcast %broadcast_in_dim3A_65 : i32 to vector<1x1xi32>
      %slice3A = vector.extract_strided_slice %convert_element_type3A_64 {offsets = [0, 0], sizes = [1, 4095], strides = [1, 1]} : vector<1x4096xi32> to vector<1x4095xi32>
      %concatenate3A_67 = tpu.concatenate %broadcast_in_dim3A_66, %slice3A in 1 : vector<1x1xi32>, vector<1x4095xi32> -> vector<1x4096xi32>
      %add3A_68 = arith.addi %convert_element_type3A_64, %concatenate3A_67 : vector<1x4096xi32>
      %broadcast_in_dim3A_69 = arith.constant 0 : i32
      %broadcast_in_dim3A_70 = vector.broadcast %broadcast_in_dim3A_69 : i32 to vector<1x2xi32>
      %slice3A_71 = vector.extract_strided_slice %add3A_68 {offsets = [0, 0], sizes = [1, 4094], strides = [1, 1]} : vector<1x4096xi32> to vector<1x4094xi32>
      %concatenate3A_72 = tpu.concatenate %broadcast_in_dim3A_70, %slice3A_71 in 1 : vector<1x2xi32>, vector<1x4094xi32> -> vector<1x4096xi32>
      %add3A_73 = arith.addi %add3A_68, %concatenate3A_72 : vector<1x4096xi32>
      %broadcast_in_dim3A_74 = arith.constant 0 : i32
      %broadcast_in_dim3A_75 = vector.broadcast %broadcast_in_dim3A_74 : i32 to vector<1x4xi32>
      %slice3A_76 = vector.extract_strided_slice %add3A_73 {offsets = [0, 0], sizes = [1, 4092], strides = [1, 1]} : vector<1x4096xi32> to vector<1x4092xi32>
      %concatenate3A_77 = tpu.concatenate %broadcast_in_dim3A_75, %slice3A_76 in 1 : vector<1x4xi32>, vector<1x4092xi32> -> vector<1x4096xi32>
      %add3A_78 = arith.addi %add3A_73, %concatenate3A_77 : vector<1x4096xi32>
      %broadcast_in_dim3A_79 = arith.constant 0 : i32
      %broadcast_in_dim3A_80 = vector.broadcast %broadcast_in_dim3A_79 : i32 to vector<1x8xi32>
      %slice3A_81 = vector.extract_strided_slice %add3A_78 {offsets = [0, 0], sizes = [1, 4088], strides = [1, 1]} : vector<1x4096xi32> to vector<1x4088xi32>
      %concatenate3A_82 = tpu.concatenate %broadcast_in_dim3A_80, %slice3A_81 in 1 : vector<1x8xi32>, vector<1x4088xi32> -> vector<1x4096xi32>
      %add3A_83 = arith.addi %add3A_78, %concatenate3A_82 : vector<1x4096xi32>
      %broadcast_in_dim3A_84 = arith.constant 0 : i32
      %broadcast_in_dim3A_85 = vector.broadcast %broadcast_in_dim3A_84 : i32 to vector<1x16xi32>
      %slice3A_86 = vector.extract_strided_slice %add3A_83 {offsets = [0, 0], sizes = [1, 4080], strides = [1, 1]} : vector<1x4096xi32> to vector<1x4080xi32>
      %concatenate3A_87 = tpu.concatenate %broadcast_in_dim3A_85, %slice3A_86 in 1 : vector<1x16xi32>, vector<1x4080xi32> -> vector<1x4096xi32>
      %add3A_88 = arith.addi %add3A_83, %concatenate3A_87 : vector<1x4096xi32>
      %broadcast_in_dim3A_89 = arith.constant 0 : i32
      %broadcast_in_dim3A_90 = vector.broadcast %broadcast_in_dim3A_89 : i32 to vector<1x32xi32>
      %slice3A_91 = vector.extract_strided_slice %add3A_88 {offsets = [0, 0], sizes = [1, 4064], strides = [1, 1]} : vector<1x4096xi32> to vector<1x4064xi32>
      %concatenate3A_92 = tpu.concatenate %broadcast_in_dim3A_90, %slice3A_91 in 1 : vector<1x32xi32>, vector<1x4064xi32> -> vector<1x4096xi32>
      %add3A_93 = arith.addi %add3A_88, %concatenate3A_92 : vector<1x4096xi32>
      %broadcast_in_dim3A_94 = arith.constant 0 : i32
      %broadcast_in_dim3A_95 = vector.broadcast %broadcast_in_dim3A_94 : i32 to vector<1x64xi32>
      %slice3A_96 = vector.extract_strided_slice %add3A_93 {offsets = [0, 0], sizes = [1, 4032], strides = [1, 1]} : vector<1x4096xi32> to vector<1x4032xi32>
      %concatenate3A_97 = tpu.concatenate %broadcast_in_dim3A_95, %slice3A_96 in 1 : vector<1x64xi32>, vector<1x4032xi32> -> vector<1x4096xi32>
      %add3A_98 = arith.addi %add3A_93, %concatenate3A_97 : vector<1x4096xi32>
      %broadcast_in_dim3A_99 = arith.constant 0 : i32
      %broadcast_in_dim3A_100 = vector.broadcast %broadcast_in_dim3A_99 : i32 to vector<1x128xi32>
      %slice3A_101 = vector.extract_strided_slice %add3A_98 {offsets = [0, 0], sizes = [1, 3968], strides = [1, 1]} : vector<1x4096xi32> to vector<1x3968xi32>
      %concatenate3A_102 = tpu.concatenate %broadcast_in_dim3A_100, %slice3A_101 in 1 : vector<1x128xi32>, vector<1x3968xi32> -> vector<1x4096xi32>
      %add3A_103 = arith.addi %add3A_98, %concatenate3A_102 : vector<1x4096xi32>
      %broadcast_in_dim3A_104 = arith.constant 0 : i32
      %broadcast_in_dim3A_105 = vector.broadcast %broadcast_in_dim3A_104 : i32 to vector<1x256xi32>
      %slice3A_106 = vector.extract_strided_slice %add3A_103 {offsets = [0, 0], sizes = [1, 3840], strides = [1, 1]} : vector<1x4096xi32> to vector<1x3840xi32>
      %concatenate3A_107 = tpu.concatenate %broadcast_in_dim3A_105, %slice3A_106 in 1 : vector<1x256xi32>, vector<1x3840xi32> -> vector<1x4096xi32>
      %add3A_108 = arith.addi %add3A_103, %concatenate3A_107 : vector<1x4096xi32>
      %broadcast_in_dim3A_109 = arith.constant 0 : i32
      %broadcast_in_dim3A_110 = vector.broadcast %broadcast_in_dim3A_109 : i32 to vector<1x512xi32>
      %slice3A_111 = vector.extract_strided_slice %add3A_108 {offsets = [0, 0], sizes = [1, 3584], strides = [1, 1]} : vector<1x4096xi32> to vector<1x3584xi32>
      %concatenate3A_112 = tpu.concatenate %broadcast_in_dim3A_110, %slice3A_111 in 1 : vector<1x512xi32>, vector<1x3584xi32> -> vector<1x4096xi32>
      %add3A_113 = arith.addi %add3A_108, %concatenate3A_112 : vector<1x4096xi32>
      %broadcast_in_dim3A_114 = arith.constant 0 : i32
      %broadcast_in_dim3A_115 = vector.broadcast %broadcast_in_dim3A_114 : i32 to vector<1x1024xi32>
      %slice3A_116 = vector.extract_strided_slice %add3A_113 {offsets = [0, 0], sizes = [1, 3072], strides = [1, 1]} : vector<1x4096xi32> to vector<1x3072xi32>
      %concatenate3A_117 = tpu.concatenate %broadcast_in_dim3A_115, %slice3A_116 in 1 : vector<1x1024xi32>, vector<1x3072xi32> -> vector<1x4096xi32>
      %add3A_118 = arith.addi %add3A_113, %concatenate3A_117 : vector<1x4096xi32>
      %broadcast_in_dim3A_119 = arith.constant 0 : i32
      %broadcast_in_dim3A_120 = vector.broadcast %broadcast_in_dim3A_119 : i32 to vector<1x2048xi32>
      %slice3A_121 = vector.extract_strided_slice %add3A_118 {offsets = [0, 0], sizes = [1, 2048], strides = [1, 1]} : vector<1x4096xi32> to vector<1x2048xi32>
      %concatenate3A_122 = tpu.concatenate %broadcast_in_dim3A_120, %slice3A_121 in 1 : vector<1x2048xi32>, vector<1x2048xi32> -> vector<1x4096xi32>
      %add3A_123 = arith.addi %add3A_118, %concatenate3A_122 : vector<1x4096xi32>
      %slice3A_124 = vector.extract_strided_slice %add3A_123 {offsets = [0, 4095], sizes = [1, 1], strides = [1, 1]} : vector<1x4096xi32> to vector<1x1xi32>
      %sub3A_125 = arith.subi %add3A_123, %convert_element_type3A_64 : vector<1x4096xi32>
      %add3A_126 = vector.broadcast %broadcast_in_dim3A_54 : vector<1x1xi32> to vector<1x4096xi32>
      %add3A_127 = arith.addi %sub3A_125, %add3A_126 : vector<1x4096xi32>
      %select_n3A_128 = arith.select %eq3A_63, %add3A_127, %broadcast_in_dim3A_56 : vector<1x4096xi1>, vector<1x4096xi32>
      %add3A_129 = arith.constant 255 : i32
      %add3A_130 = vector.broadcast %add3A_129 : i32 to vector<1x1xi32>
      %add3A_131 = arith.addi %slice3A_124, %add3A_130 : vector<1x1xi32>
      %shift_right_arithmetic3A = arith.constant 8 : i32
      %shift_right_arithmetic3A_132 = vector.broadcast %shift_right_arithmetic3A : i32 to vector<1x1xi32>
      %shift_right_arithmetic3A_133 = arith.shrsi %add3A_131, %shift_right_arithmetic3A_132 : vector<1x1xi32>
      %shift_left3A = arith.constant 8 : i32
      %shift_left3A_134 = vector.broadcast %shift_left3A : i32 to vector<1x1xi32>
      %shift_left3A_135 = arith.shli %shift_right_arithmetic3A_133, %shift_left3A_134 : vector<1x1xi32>
      %ge3A = vector.broadcast %broadcast_in_dim3A_54 : vector<1x1xi32> to vector<1x32xi32>
      %ge3A_136 = arith.cmpi sge, %mul3A_52, %ge3A : vector<1x32xi32>
      %add3A_137 = arith.addi %broadcast_in_dim3A_54, %shift_left3A_135 : vector<1x1xi32>
      %lt3A = vector.broadcast %add3A_137 : vector<1x1xi32> to vector<1x32xi32>
      %lt3A_138 = arith.cmpi slt, %mul3A_52, %lt3A : vector<1x32xi32>
      %and3A = arith.andi %ge3A_136, %lt3A_138 : vector<1x32xi1>
      %jit3A_139 = arith.constant 0 : i32
      %broadcast_in_dim3A_140 = vector.broadcast %jit3A_139 : i32 to vector<1x32xi32>
      %select_n3A_141 = arith.select %and3A, %broadcast_in_dim3A_140, %broadcast_in_dim3A_58 : vector<1x32xi1>, vector<1x32xi32>
      %gt3A = arith.constant 0 : i32
      %gt3A_142 = vector.broadcast %gt3A : i32 to vector<1x1xi32>
      %gt3A_143 = arith.cmpi sgt, %slice3A_124, %gt3A_142 : vector<1x1xi32>
      %jit3A_144 = arith.constant 0 : i32
      %broadcast_in_dim3A_145 = vector.broadcast %jit3A_144 : i32 to vector<1x1xi32>
      %select_n3A_146 = arith.select %gt3A_143, %broadcast_in_dim3A_145, %broadcast_in_dim3A_60 : vector<1x1xi1>, vector<1x1xi32>
      %add3A_147 = arith.addi %broadcast_in_dim3A_54, %shift_left3A_135 : vector<1x1xi32>
      %eq3A_148 = arith.constant 1 : i32
      %eq3A_149 = vector.broadcast %eq3A_148 : i32 to vector<1x4096xi32>
      %eq3A_150 = arith.cmpi eq, %concatenate3A, %eq3A_149 : vector<1x4096xi32>
      %convert_element_type3A_151 = arith.extui %eq3A_150 : vector<1x4096xi1> to vector<1x4096xi32>
      %broadcast_in_dim3A_152 = arith.constant 0 : i32
      %broadcast_in_dim3A_153 = vector.broadcast %broadcast_in_dim3A_152 : i32 to vector<1x1xi32>
      %slice3A_154 = vector.extract_strided_slice %convert_element_type3A_151 {offsets = [0, 0], sizes = [1, 4095], strides = [1, 1]} : vector<1x4096xi32> to vector<1x4095xi32>
      %concatenate3A_155 = tpu.concatenate %broadcast_in_dim3A_153, %slice3A_154 in 1 : vector<1x1xi32>, vector<1x4095xi32> -> vector<1x4096xi32>
      %add3A_156 = arith.addi %convert_element_type3A_151, %concatenate3A_155 : vector<1x4096xi32>
      %broadcast_in_dim3A_157 = arith.constant 0 : i32
      %broadcast_in_dim3A_158 = vector.broadcast %broadcast_in_dim3A_157 : i32 to vector<1x2xi32>
      %slice3A_159 = vector.extract_strided_slice %add3A_156 {offsets = [0, 0], sizes = [1, 4094], strides = [1, 1]} : vector<1x4096xi32> to vector<1x4094xi32>
      %concatenate3A_160 = tpu.concatenate %broadcast_in_dim3A_158, %slice3A_159 in 1 : vector<1x2xi32>, vector<1x4094xi32> -> vector<1x4096xi32>
      %add3A_161 = arith.addi %add3A_156, %concatenate3A_160 : vector<1x4096xi32>
      %broadcast_in_dim3A_162 = arith.constant 0 : i32
      %broadcast_in_dim3A_163 = vector.broadcast %broadcast_in_dim3A_162 : i32 to vector<1x4xi32>
      %slice3A_164 = vector.extract_strided_slice %add3A_161 {offsets = [0, 0], sizes = [1, 4092], strides = [1, 1]} : vector<1x4096xi32> to vector<1x4092xi32>
      %concatenate3A_165 = tpu.concatenate %broadcast_in_dim3A_163, %slice3A_164 in 1 : vector<1x4xi32>, vector<1x4092xi32> -> vector<1x4096xi32>
      %add3A_166 = arith.addi %add3A_161, %concatenate3A_165 : vector<1x4096xi32>
      %broadcast_in_dim3A_167 = arith.constant 0 : i32
      %broadcast_in_dim3A_168 = vector.broadcast %broadcast_in_dim3A_167 : i32 to vector<1x8xi32>
      %slice3A_169 = vector.extract_strided_slice %add3A_166 {offsets = [0, 0], sizes = [1, 4088], strides = [1, 1]} : vector<1x4096xi32> to vector<1x4088xi32>
      %concatenate3A_170 = tpu.concatenate %broadcast_in_dim3A_168, %slice3A_169 in 1 : vector<1x8xi32>, vector<1x4088xi32> -> vector<1x4096xi32>
      %add3A_171 = arith.addi %add3A_166, %concatenate3A_170 : vector<1x4096xi32>
      %broadcast_in_dim3A_172 = arith.constant 0 : i32
      %broadcast_in_dim3A_173 = vector.broadcast %broadcast_in_dim3A_172 : i32 to vector<1x16xi32>
      %slice3A_174 = vector.extract_strided_slice %add3A_171 {offsets = [0, 0], sizes = [1, 4080], strides = [1, 1]} : vector<1x4096xi32> to vector<1x4080xi32>
      %concatenate3A_175 = tpu.concatenate %broadcast_in_dim3A_173, %slice3A_174 in 1 : vector<1x16xi32>, vector<1x4080xi32> -> vector<1x4096xi32>
      %add3A_176 = arith.addi %add3A_171, %concatenate3A_175 : vector<1x4096xi32>
      %broadcast_in_dim3A_177 = arith.constant 0 : i32
      %broadcast_in_dim3A_178 = vector.broadcast %broadcast_in_dim3A_177 : i32 to vector<1x32xi32>
      %slice3A_179 = vector.extract_strided_slice %add3A_176 {offsets = [0, 0], sizes = [1, 4064], strides = [1, 1]} : vector<1x4096xi32> to vector<1x4064xi32>
      %concatenate3A_180 = tpu.concatenate %broadcast_in_dim3A_178, %slice3A_179 in 1 : vector<1x32xi32>, vector<1x4064xi32> -> vector<1x4096xi32>
      %add3A_181 = arith.addi %add3A_176, %concatenate3A_180 : vector<1x4096xi32>
      %broadcast_in_dim3A_182 = arith.constant 0 : i32
      %broadcast_in_dim3A_183 = vector.broadcast %broadcast_in_dim3A_182 : i32 to vector<1x64xi32>
      %slice3A_184 = vector.extract_strided_slice %add3A_181 {offsets = [0, 0], sizes = [1, 4032], strides = [1, 1]} : vector<1x4096xi32> to vector<1x4032xi32>
      %concatenate3A_185 = tpu.concatenate %broadcast_in_dim3A_183, %slice3A_184 in 1 : vector<1x64xi32>, vector<1x4032xi32> -> vector<1x4096xi32>
      %add3A_186 = arith.addi %add3A_181, %concatenate3A_185 : vector<1x4096xi32>
      %broadcast_in_dim3A_187 = arith.constant 0 : i32
      %broadcast_in_dim3A_188 = vector.broadcast %broadcast_in_dim3A_187 : i32 to vector<1x128xi32>
      %slice3A_189 = vector.extract_strided_slice %add3A_186 {offsets = [0, 0], sizes = [1, 3968], strides = [1, 1]} : vector<1x4096xi32> to vector<1x3968xi32>
      %concatenate3A_190 = tpu.concatenate %broadcast_in_dim3A_188, %slice3A_189 in 1 : vector<1x128xi32>, vector<1x3968xi32> -> vector<1x4096xi32>
      %add3A_191 = arith.addi %add3A_186, %concatenate3A_190 : vector<1x4096xi32>
      %broadcast_in_dim3A_192 = arith.constant 0 : i32
      %broadcast_in_dim3A_193 = vector.broadcast %broadcast_in_dim3A_192 : i32 to vector<1x256xi32>
      %slice3A_194 = vector.extract_strided_slice %add3A_191 {offsets = [0, 0], sizes = [1, 3840], strides = [1, 1]} : vector<1x4096xi32> to vector<1x3840xi32>
      %concatenate3A_195 = tpu.concatenate %broadcast_in_dim3A_193, %slice3A_194 in 1 : vector<1x256xi32>, vector<1x3840xi32> -> vector<1x4096xi32>
      %add3A_196 = arith.addi %add3A_191, %concatenate3A_195 : vector<1x4096xi32>
      %broadcast_in_dim3A_197 = arith.constant 0 : i32
      %broadcast_in_dim3A_198 = vector.broadcast %broadcast_in_dim3A_197 : i32 to vector<1x512xi32>
      %slice3A_199 = vector.extract_strided_slice %add3A_196 {offsets = [0, 0], sizes = [1, 3584], strides = [1, 1]} : vector<1x4096xi32> to vector<1x3584xi32>
      %concatenate3A_200 = tpu.concatenate %broadcast_in_dim3A_198, %slice3A_199 in 1 : vector<1x512xi32>, vector<1x3584xi32> -> vector<1x4096xi32>
      %add3A_201 = arith.addi %add3A_196, %concatenate3A_200 : vector<1x4096xi32>
      %broadcast_in_dim3A_202 = arith.constant 0 : i32
      %broadcast_in_dim3A_203 = vector.broadcast %broadcast_in_dim3A_202 : i32 to vector<1x1024xi32>
      %slice3A_204 = vector.extract_strided_slice %add3A_201 {offsets = [0, 0], sizes = [1, 3072], strides = [1, 1]} : vector<1x4096xi32> to vector<1x3072xi32>
      %concatenate3A_205 = tpu.concatenate %broadcast_in_dim3A_203, %slice3A_204 in 1 : vector<1x1024xi32>, vector<1x3072xi32> -> vector<1x4096xi32>
      %add3A_206 = arith.addi %add3A_201, %concatenate3A_205 : vector<1x4096xi32>
      %broadcast_in_dim3A_207 = arith.constant 0 : i32
      %broadcast_in_dim3A_208 = vector.broadcast %broadcast_in_dim3A_207 : i32 to vector<1x2048xi32>
      %slice3A_209 = vector.extract_strided_slice %add3A_206 {offsets = [0, 0], sizes = [1, 2048], strides = [1, 1]} : vector<1x4096xi32> to vector<1x2048xi32>
      %concatenate3A_210 = tpu.concatenate %broadcast_in_dim3A_208, %slice3A_209 in 1 : vector<1x2048xi32>, vector<1x2048xi32> -> vector<1x4096xi32>
      %add3A_211 = arith.addi %add3A_206, %concatenate3A_210 : vector<1x4096xi32>
      %slice3A_212 = vector.extract_strided_slice %add3A_211 {offsets = [0, 4095], sizes = [1, 1], strides = [1, 1]} : vector<1x4096xi32> to vector<1x1xi32>
      %sub3A_213 = arith.subi %add3A_211, %convert_element_type3A_151 : vector<1x4096xi32>
      %add3A_214 = vector.broadcast %add3A_147 : vector<1x1xi32> to vector<1x4096xi32>
      %add3A_215 = arith.addi %sub3A_213, %add3A_214 : vector<1x4096xi32>
      %select_n3A_216 = arith.select %eq3A_150, %add3A_215, %select_n3A_128 : vector<1x4096xi1>, vector<1x4096xi32>
      %add3A_217 = arith.constant 255 : i32
      %add3A_218 = vector.broadcast %add3A_217 : i32 to vector<1x1xi32>
      %add3A_219 = arith.addi %slice3A_212, %add3A_218 : vector<1x1xi32>
      %shift_right_arithmetic3A_220 = arith.constant 8 : i32
      %shift_right_arithmetic3A_221 = vector.broadcast %shift_right_arithmetic3A_220 : i32 to vector<1x1xi32>
      %shift_right_arithmetic3A_222 = arith.shrsi %add3A_219, %shift_right_arithmetic3A_221 : vector<1x1xi32>
      %shift_left3A_223 = arith.constant 8 : i32
      %shift_left3A_224 = vector.broadcast %shift_left3A_223 : i32 to vector<1x1xi32>
      %shift_left3A_225 = arith.shli %shift_right_arithmetic3A_222, %shift_left3A_224 : vector<1x1xi32>
      %ge3A_226 = vector.broadcast %add3A_147 : vector<1x1xi32> to vector<1x32xi32>
      %ge3A_227 = arith.cmpi sge, %mul3A_52, %ge3A_226 : vector<1x32xi32>
      %add3A_228 = arith.addi %add3A_147, %shift_left3A_225 : vector<1x1xi32>
      %lt3A_229 = vector.broadcast %add3A_228 : vector<1x1xi32> to vector<1x32xi32>
      %lt3A_230 = arith.cmpi slt, %mul3A_52, %lt3A_229 : vector<1x32xi32>
      %and3A_231 = arith.andi %ge3A_227, %lt3A_230 : vector<1x32xi1>
      %jit3A_232 = arith.constant 1 : i32
      %broadcast_in_dim3A_233 = vector.broadcast %jit3A_232 : i32 to vector<1x32xi32>
      %select_n3A_234 = arith.select %and3A_231, %broadcast_in_dim3A_233, %select_n3A_141 : vector<1x32xi1>, vector<1x32xi32>
      %gt3A_235 = arith.constant 0 : i32
      %gt3A_236 = vector.broadcast %gt3A_235 : i32 to vector<1x1xi32>
      %gt3A_237 = arith.cmpi sgt, %slice3A_212, %gt3A_236 : vector<1x1xi32>
      %jit3A_238 = arith.constant 1 : i32
      %broadcast_in_dim3A_239 = vector.broadcast %jit3A_238 : i32 to vector<1x1xi32>
      %select_n3A_240 = arith.select %gt3A_237, %broadcast_in_dim3A_239, %select_n3A_146 : vector<1x1xi1>, vector<1x1xi32>
      %add3A_241 = arith.addi %add3A_147, %shift_left3A_225 : vector<1x1xi32>
      %eq3A_242 = arith.constant 2 : i32
      %eq3A_243 = vector.broadcast %eq3A_242 : i32 to vector<1x4096xi32>
      %eq3A_244 = arith.cmpi eq, %concatenate3A, %eq3A_243 : vector<1x4096xi32>
      %convert_element_type3A_245 = arith.extui %eq3A_244 : vector<1x4096xi1> to vector<1x4096xi32>
      %broadcast_in_dim3A_246 = arith.constant 0 : i32
      %broadcast_in_dim3A_247 = vector.broadcast %broadcast_in_dim3A_246 : i32 to vector<1x1xi32>
      %slice3A_248 = vector.extract_strided_slice %convert_element_type3A_245 {offsets = [0, 0], sizes = [1, 4095], strides = [1, 1]} : vector<1x4096xi32> to vector<1x4095xi32>
      %concatenate3A_249 = tpu.concatenate %broadcast_in_dim3A_247, %slice3A_248 in 1 : vector<1x1xi32>, vector<1x4095xi32> -> vector<1x4096xi32>
      %add3A_250 = arith.addi %convert_element_type3A_245, %concatenate3A_249 : vector<1x4096xi32>
      %broadcast_in_dim3A_251 = arith.constant 0 : i32
      %broadcast_in_dim3A_252 = vector.broadcast %broadcast_in_dim3A_251 : i32 to vector<1x2xi32>
      %slice3A_253 = vector.extract_strided_slice %add3A_250 {offsets = [0, 0], sizes = [1, 4094], strides = [1, 1]} : vector<1x4096xi32> to vector<1x4094xi32>
      %concatenate3A_254 = tpu.concatenate %broadcast_in_dim3A_252, %slice3A_253 in 1 : vector<1x2xi32>, vector<1x4094xi32> -> vector<1x4096xi32>
      %add3A_255 = arith.addi %add3A_250, %concatenate3A_254 : vector<1x4096xi32>
      %broadcast_in_dim3A_256 = arith.constant 0 : i32
      %broadcast_in_dim3A_257 = vector.broadcast %broadcast_in_dim3A_256 : i32 to vector<1x4xi32>
      %slice3A_258 = vector.extract_strided_slice %add3A_255 {offsets = [0, 0], sizes = [1, 4092], strides = [1, 1]} : vector<1x4096xi32> to vector<1x4092xi32>
      %concatenate3A_259 = tpu.concatenate %broadcast_in_dim3A_257, %slice3A_258 in 1 : vector<1x4xi32>, vector<1x4092xi32> -> vector<1x4096xi32>
      %add3A_260 = arith.addi %add3A_255, %concatenate3A_259 : vector<1x4096xi32>
      %broadcast_in_dim3A_261 = arith.constant 0 : i32
      %broadcast_in_dim3A_262 = vector.broadcast %broadcast_in_dim3A_261 : i32 to vector<1x8xi32>
      %slice3A_263 = vector.extract_strided_slice %add3A_260 {offsets = [0, 0], sizes = [1, 4088], strides = [1, 1]} : vector<1x4096xi32> to vector<1x4088xi32>
      %concatenate3A_264 = tpu.concatenate %broadcast_in_dim3A_262, %slice3A_263 in 1 : vector<1x8xi32>, vector<1x4088xi32> -> vector<1x4096xi32>
      %add3A_265 = arith.addi %add3A_260, %concatenate3A_264 : vector<1x4096xi32>
      %broadcast_in_dim3A_266 = arith.constant 0 : i32
      %broadcast_in_dim3A_267 = vector.broadcast %broadcast_in_dim3A_266 : i32 to vector<1x16xi32>
      %slice3A_268 = vector.extract_strided_slice %add3A_265 {offsets = [0, 0], sizes = [1, 4080], strides = [1, 1]} : vector<1x4096xi32> to vector<1x4080xi32>
      %concatenate3A_269 = tpu.concatenate %broadcast_in_dim3A_267, %slice3A_268 in 1 : vector<1x16xi32>, vector<1x4080xi32> -> vector<1x4096xi32>
      %add3A_270 = arith.addi %add3A_265, %concatenate3A_269 : vector<1x4096xi32>
      %broadcast_in_dim3A_271 = arith.constant 0 : i32
      %broadcast_in_dim3A_272 = vector.broadcast %broadcast_in_dim3A_271 : i32 to vector<1x32xi32>
      %slice3A_273 = vector.extract_strided_slice %add3A_270 {offsets = [0, 0], sizes = [1, 4064], strides = [1, 1]} : vector<1x4096xi32> to vector<1x4064xi32>
      %concatenate3A_274 = tpu.concatenate %broadcast_in_dim3A_272, %slice3A_273 in 1 : vector<1x32xi32>, vector<1x4064xi32> -> vector<1x4096xi32>
      %add3A_275 = arith.addi %add3A_270, %concatenate3A_274 : vector<1x4096xi32>
      %broadcast_in_dim3A_276 = arith.constant 0 : i32
      %broadcast_in_dim3A_277 = vector.broadcast %broadcast_in_dim3A_276 : i32 to vector<1x64xi32>
      %slice3A_278 = vector.extract_strided_slice %add3A_275 {offsets = [0, 0], sizes = [1, 4032], strides = [1, 1]} : vector<1x4096xi32> to vector<1x4032xi32>
      %concatenate3A_279 = tpu.concatenate %broadcast_in_dim3A_277, %slice3A_278 in 1 : vector<1x64xi32>, vector<1x4032xi32> -> vector<1x4096xi32>
      %add3A_280 = arith.addi %add3A_275, %concatenate3A_279 : vector<1x4096xi32>
      %broadcast_in_dim3A_281 = arith.constant 0 : i32
      %broadcast_in_dim3A_282 = vector.broadcast %broadcast_in_dim3A_281 : i32 to vector<1x128xi32>
      %slice3A_283 = vector.extract_strided_slice %add3A_280 {offsets = [0, 0], sizes = [1, 3968], strides = [1, 1]} : vector<1x4096xi32> to vector<1x3968xi32>
      %concatenate3A_284 = tpu.concatenate %broadcast_in_dim3A_282, %slice3A_283 in 1 : vector<1x128xi32>, vector<1x3968xi32> -> vector<1x4096xi32>
      %add3A_285 = arith.addi %add3A_280, %concatenate3A_284 : vector<1x4096xi32>
      %broadcast_in_dim3A_286 = arith.constant 0 : i32
      %broadcast_in_dim3A_287 = vector.broadcast %broadcast_in_dim3A_286 : i32 to vector<1x256xi32>
      %slice3A_288 = vector.extract_strided_slice %add3A_285 {offsets = [0, 0], sizes = [1, 3840], strides = [1, 1]} : vector<1x4096xi32> to vector<1x3840xi32>
      %concatenate3A_289 = tpu.concatenate %broadcast_in_dim3A_287, %slice3A_288 in 1 : vector<1x256xi32>, vector<1x3840xi32> -> vector<1x4096xi32>
      %add3A_290 = arith.addi %add3A_285, %concatenate3A_289 : vector<1x4096xi32>
      %broadcast_in_dim3A_291 = arith.constant 0 : i32
      %broadcast_in_dim3A_292 = vector.broadcast %broadcast_in_dim3A_291 : i32 to vector<1x512xi32>
      %slice3A_293 = vector.extract_strided_slice %add3A_290 {offsets = [0, 0], sizes = [1, 3584], strides = [1, 1]} : vector<1x4096xi32> to vector<1x3584xi32>
      %concatenate3A_294 = tpu.concatenate %broadcast_in_dim3A_292, %slice3A_293 in 1 : vector<1x512xi32>, vector<1x3584xi32> -> vector<1x4096xi32>
      %add3A_295 = arith.addi %add3A_290, %concatenate3A_294 : vector<1x4096xi32>
      %broadcast_in_dim3A_296 = arith.constant 0 : i32
      %broadcast_in_dim3A_297 = vector.broadcast %broadcast_in_dim3A_296 : i32 to vector<1x1024xi32>
      %slice3A_298 = vector.extract_strided_slice %add3A_295 {offsets = [0, 0], sizes = [1, 3072], strides = [1, 1]} : vector<1x4096xi32> to vector<1x3072xi32>
      %concatenate3A_299 = tpu.concatenate %broadcast_in_dim3A_297, %slice3A_298 in 1 : vector<1x1024xi32>, vector<1x3072xi32> -> vector<1x4096xi32>
      %add3A_300 = arith.addi %add3A_295, %concatenate3A_299 : vector<1x4096xi32>
      %broadcast_in_dim3A_301 = arith.constant 0 : i32
      %broadcast_in_dim3A_302 = vector.broadcast %broadcast_in_dim3A_301 : i32 to vector<1x2048xi32>
      %slice3A_303 = vector.extract_strided_slice %add3A_300 {offsets = [0, 0], sizes = [1, 2048], strides = [1, 1]} : vector<1x4096xi32> to vector<1x2048xi32>
      %concatenate3A_304 = tpu.concatenate %broadcast_in_dim3A_302, %slice3A_303 in 1 : vector<1x2048xi32>, vector<1x2048xi32> -> vector<1x4096xi32>
      %add3A_305 = arith.addi %add3A_300, %concatenate3A_304 : vector<1x4096xi32>
      %slice3A_306 = vector.extract_strided_slice %add3A_305 {offsets = [0, 4095], sizes = [1, 1], strides = [1, 1]} : vector<1x4096xi32> to vector<1x1xi32>
      %sub3A_307 = arith.subi %add3A_305, %convert_element_type3A_245 : vector<1x4096xi32>
      %add3A_308 = vector.broadcast %add3A_241 : vector<1x1xi32> to vector<1x4096xi32>
      %add3A_309 = arith.addi %sub3A_307, %add3A_308 : vector<1x4096xi32>
      %select_n3A_310 = arith.select %eq3A_244, %add3A_309, %select_n3A_216 : vector<1x4096xi1>, vector<1x4096xi32>
      %add3A_311 = arith.constant 255 : i32
      %add3A_312 = vector.broadcast %add3A_311 : i32 to vector<1x1xi32>
      %add3A_313 = arith.addi %slice3A_306, %add3A_312 : vector<1x1xi32>
      %shift_right_arithmetic3A_314 = arith.constant 8 : i32
      %shift_right_arithmetic3A_315 = vector.broadcast %shift_right_arithmetic3A_314 : i32 to vector<1x1xi32>
      %shift_right_arithmetic3A_316 = arith.shrsi %add3A_313, %shift_right_arithmetic3A_315 : vector<1x1xi32>
      %shift_left3A_317 = arith.constant 8 : i32
      %shift_left3A_318 = vector.broadcast %shift_left3A_317 : i32 to vector<1x1xi32>
      %shift_left3A_319 = arith.shli %shift_right_arithmetic3A_316, %shift_left3A_318 : vector<1x1xi32>
      %ge3A_320 = vector.broadcast %add3A_241 : vector<1x1xi32> to vector<1x32xi32>
      %ge3A_321 = arith.cmpi sge, %mul3A_52, %ge3A_320 : vector<1x32xi32>
      %add3A_322 = arith.addi %add3A_241, %shift_left3A_319 : vector<1x1xi32>
      %lt3A_323 = vector.broadcast %add3A_322 : vector<1x1xi32> to vector<1x32xi32>
      %lt3A_324 = arith.cmpi slt, %mul3A_52, %lt3A_323 : vector<1x32xi32>
      %and3A_325 = arith.andi %ge3A_321, %lt3A_324 : vector<1x32xi1>
      %jit3A_326 = arith.constant 2 : i32
      %broadcast_in_dim3A_327 = vector.broadcast %jit3A_326 : i32 to vector<1x32xi32>
      %select_n3A_328 = arith.select %and3A_325, %broadcast_in_dim3A_327, %select_n3A_234 : vector<1x32xi1>, vector<1x32xi32>
      %gt3A_329 = arith.constant 0 : i32
      %gt3A_330 = vector.broadcast %gt3A_329 : i32 to vector<1x1xi32>
      %gt3A_331 = arith.cmpi sgt, %slice3A_306, %gt3A_330 : vector<1x1xi32>
      %jit3A_332 = arith.constant 2 : i32
      %broadcast_in_dim3A_333 = vector.broadcast %jit3A_332 : i32 to vector<1x1xi32>
      %select_n3A_334 = arith.select %gt3A_331, %broadcast_in_dim3A_333, %select_n3A_240 : vector<1x1xi1>, vector<1x1xi32>
      %add3A_335 = arith.addi %add3A_241, %shift_left3A_319 : vector<1x1xi32>
      %eq3A_336 = arith.constant 3 : i32
      %eq3A_337 = vector.broadcast %eq3A_336 : i32 to vector<1x4096xi32>
      %eq3A_338 = arith.cmpi eq, %concatenate3A, %eq3A_337 : vector<1x4096xi32>
      %convert_element_type3A_339 = arith.extui %eq3A_338 : vector<1x4096xi1> to vector<1x4096xi32>
      %broadcast_in_dim3A_340 = arith.constant 0 : i32
      %broadcast_in_dim3A_341 = vector.broadcast %broadcast_in_dim3A_340 : i32 to vector<1x1xi32>
      %slice3A_342 = vector.extract_strided_slice %convert_element_type3A_339 {offsets = [0, 0], sizes = [1, 4095], strides = [1, 1]} : vector<1x4096xi32> to vector<1x4095xi32>
      %concatenate3A_343 = tpu.concatenate %broadcast_in_dim3A_341, %slice3A_342 in 1 : vector<1x1xi32>, vector<1x4095xi32> -> vector<1x4096xi32>
      %add3A_344 = arith.addi %convert_element_type3A_339, %concatenate3A_343 : vector<1x4096xi32>
      %broadcast_in_dim3A_345 = arith.constant 0 : i32
      %broadcast_in_dim3A_346 = vector.broadcast %broadcast_in_dim3A_345 : i32 to vector<1x2xi32>
      %slice3A_347 = vector.extract_strided_slice %add3A_344 {offsets = [0, 0], sizes = [1, 4094], strides = [1, 1]} : vector<1x4096xi32> to vector<1x4094xi32>
      %concatenate3A_348 = tpu.concatenate %broadcast_in_dim3A_346, %slice3A_347 in 1 : vector<1x2xi32>, vector<1x4094xi32> -> vector<1x4096xi32>
      %add3A_349 = arith.addi %add3A_344, %concatenate3A_348 : vector<1x4096xi32>
      %broadcast_in_dim3A_350 = arith.constant 0 : i32
      %broadcast_in_dim3A_351 = vector.broadcast %broadcast_in_dim3A_350 : i32 to vector<1x4xi32>
      %slice3A_352 = vector.extract_strided_slice %add3A_349 {offsets = [0, 0], sizes = [1, 4092], strides = [1, 1]} : vector<1x4096xi32> to vector<1x4092xi32>
      %concatenate3A_353 = tpu.concatenate %broadcast_in_dim3A_351, %slice3A_352 in 1 : vector<1x4xi32>, vector<1x4092xi32> -> vector<1x4096xi32>
      %add3A_354 = arith.addi %add3A_349, %concatenate3A_353 : vector<1x4096xi32>
      %broadcast_in_dim3A_355 = arith.constant 0 : i32
      %broadcast_in_dim3A_356 = vector.broadcast %broadcast_in_dim3A_355 : i32 to vector<1x8xi32>
      %slice3A_357 = vector.extract_strided_slice %add3A_354 {offsets = [0, 0], sizes = [1, 4088], strides = [1, 1]} : vector<1x4096xi32> to vector<1x4088xi32>
      %concatenate3A_358 = tpu.concatenate %broadcast_in_dim3A_356, %slice3A_357 in 1 : vector<1x8xi32>, vector<1x4088xi32> -> vector<1x4096xi32>
      %add3A_359 = arith.addi %add3A_354, %concatenate3A_358 : vector<1x4096xi32>
      %broadcast_in_dim3A_360 = arith.constant 0 : i32
      %broadcast_in_dim3A_361 = vector.broadcast %broadcast_in_dim3A_360 : i32 to vector<1x16xi32>
      %slice3A_362 = vector.extract_strided_slice %add3A_359 {offsets = [0, 0], sizes = [1, 4080], strides = [1, 1]} : vector<1x4096xi32> to vector<1x4080xi32>
      %concatenate3A_363 = tpu.concatenate %broadcast_in_dim3A_361, %slice3A_362 in 1 : vector<1x16xi32>, vector<1x4080xi32> -> vector<1x4096xi32>
      %add3A_364 = arith.addi %add3A_359, %concatenate3A_363 : vector<1x4096xi32>
      %broadcast_in_dim3A_365 = arith.constant 0 : i32
      %broadcast_in_dim3A_366 = vector.broadcast %broadcast_in_dim3A_365 : i32 to vector<1x32xi32>
      %slice3A_367 = vector.extract_strided_slice %add3A_364 {offsets = [0, 0], sizes = [1, 4064], strides = [1, 1]} : vector<1x4096xi32> to vector<1x4064xi32>
      %concatenate3A_368 = tpu.concatenate %broadcast_in_dim3A_366, %slice3A_367 in 1 : vector<1x32xi32>, vector<1x4064xi32> -> vector<1x4096xi32>
      %add3A_369 = arith.addi %add3A_364, %concatenate3A_368 : vector<1x4096xi32>
      %broadcast_in_dim3A_370 = arith.constant 0 : i32
      %broadcast_in_dim3A_371 = vector.broadcast %broadcast_in_dim3A_370 : i32 to vector<1x64xi32>
      %slice3A_372 = vector.extract_strided_slice %add3A_369 {offsets = [0, 0], sizes = [1, 4032], strides = [1, 1]} : vector<1x4096xi32> to vector<1x4032xi32>
      %concatenate3A_373 = tpu.concatenate %broadcast_in_dim3A_371, %slice3A_372 in 1 : vector<1x64xi32>, vector<1x4032xi32> -> vector<1x4096xi32>
      %add3A_374 = arith.addi %add3A_369, %concatenate3A_373 : vector<1x4096xi32>
      %broadcast_in_dim3A_375 = arith.constant 0 : i32
      %broadcast_in_dim3A_376 = vector.broadcast %broadcast_in_dim3A_375 : i32 to vector<1x128xi32>
      %slice3A_377 = vector.extract_strided_slice %add3A_374 {offsets = [0, 0], sizes = [1, 3968], strides = [1, 1]} : vector<1x4096xi32> to vector<1x3968xi32>
      %concatenate3A_378 = tpu.concatenate %broadcast_in_dim3A_376, %slice3A_377 in 1 : vector<1x128xi32>, vector<1x3968xi32> -> vector<1x4096xi32>
      %add3A_379 = arith.addi %add3A_374, %concatenate3A_378 : vector<1x4096xi32>
      %broadcast_in_dim3A_380 = arith.constant 0 : i32
      %broadcast_in_dim3A_381 = vector.broadcast %broadcast_in_dim3A_380 : i32 to vector<1x256xi32>
      %slice3A_382 = vector.extract_strided_slice %add3A_379 {offsets = [0, 0], sizes = [1, 3840], strides = [1, 1]} : vector<1x4096xi32> to vector<1x3840xi32>
      %concatenate3A_383 = tpu.concatenate %broadcast_in_dim3A_381, %slice3A_382 in 1 : vector<1x256xi32>, vector<1x3840xi32> -> vector<1x4096xi32>
      %add3A_384 = arith.addi %add3A_379, %concatenate3A_383 : vector<1x4096xi32>
      %broadcast_in_dim3A_385 = arith.constant 0 : i32
      %broadcast_in_dim3A_386 = vector.broadcast %broadcast_in_dim3A_385 : i32 to vector<1x512xi32>
      %slice3A_387 = vector.extract_strided_slice %add3A_384 {offsets = [0, 0], sizes = [1, 3584], strides = [1, 1]} : vector<1x4096xi32> to vector<1x3584xi32>
      %concatenate3A_388 = tpu.concatenate %broadcast_in_dim3A_386, %slice3A_387 in 1 : vector<1x512xi32>, vector<1x3584xi32> -> vector<1x4096xi32>
      %add3A_389 = arith.addi %add3A_384, %concatenate3A_388 : vector<1x4096xi32>
      %broadcast_in_dim3A_390 = arith.constant 0 : i32
      %broadcast_in_dim3A_391 = vector.broadcast %broadcast_in_dim3A_390 : i32 to vector<1x1024xi32>
      %slice3A_392 = vector.extract_strided_slice %add3A_389 {offsets = [0, 0], sizes = [1, 3072], strides = [1, 1]} : vector<1x4096xi32> to vector<1x3072xi32>
      %concatenate3A_393 = tpu.concatenate %broadcast_in_dim3A_391, %slice3A_392 in 1 : vector<1x1024xi32>, vector<1x3072xi32> -> vector<1x4096xi32>
      %add3A_394 = arith.addi %add3A_389, %concatenate3A_393 : vector<1x4096xi32>
      %broadcast_in_dim3A_395 = arith.constant 0 : i32
      %broadcast_in_dim3A_396 = vector.broadcast %broadcast_in_dim3A_395 : i32 to vector<1x2048xi32>
      %slice3A_397 = vector.extract_strided_slice %add3A_394 {offsets = [0, 0], sizes = [1, 2048], strides = [1, 1]} : vector<1x4096xi32> to vector<1x2048xi32>
      %concatenate3A_398 = tpu.concatenate %broadcast_in_dim3A_396, %slice3A_397 in 1 : vector<1x2048xi32>, vector<1x2048xi32> -> vector<1x4096xi32>
      %add3A_399 = arith.addi %add3A_394, %concatenate3A_398 : vector<1x4096xi32>
      %slice3A_400 = vector.extract_strided_slice %add3A_399 {offsets = [0, 4095], sizes = [1, 1], strides = [1, 1]} : vector<1x4096xi32> to vector<1x1xi32>
      %sub3A_401 = arith.subi %add3A_399, %convert_element_type3A_339 : vector<1x4096xi32>
      %add3A_402 = vector.broadcast %add3A_335 : vector<1x1xi32> to vector<1x4096xi32>
      %add3A_403 = arith.addi %sub3A_401, %add3A_402 : vector<1x4096xi32>
      %select_n3A_404 = arith.select %eq3A_338, %add3A_403, %select_n3A_310 : vector<1x4096xi1>, vector<1x4096xi32>
      %add3A_405 = arith.constant 255 : i32
      %add3A_406 = vector.broadcast %add3A_405 : i32 to vector<1x1xi32>
      %add3A_407 = arith.addi %slice3A_400, %add3A_406 : vector<1x1xi32>
      %shift_right_arithmetic3A_408 = arith.constant 8 : i32
      %shift_right_arithmetic3A_409 = vector.broadcast %shift_right_arithmetic3A_408 : i32 to vector<1x1xi32>
      %shift_right_arithmetic3A_410 = arith.shrsi %add3A_407, %shift_right_arithmetic3A_409 : vector<1x1xi32>
      %shift_left3A_411 = arith.constant 8 : i32
      %shift_left3A_412 = vector.broadcast %shift_left3A_411 : i32 to vector<1x1xi32>
      %shift_left3A_413 = arith.shli %shift_right_arithmetic3A_410, %shift_left3A_412 : vector<1x1xi32>
      %ge3A_414 = vector.broadcast %add3A_335 : vector<1x1xi32> to vector<1x32xi32>
      %ge3A_415 = arith.cmpi sge, %mul3A_52, %ge3A_414 : vector<1x32xi32>
      %add3A_416 = arith.addi %add3A_335, %shift_left3A_413 : vector<1x1xi32>
      %lt3A_417 = vector.broadcast %add3A_416 : vector<1x1xi32> to vector<1x32xi32>
      %lt3A_418 = arith.cmpi slt, %mul3A_52, %lt3A_417 : vector<1x32xi32>
      %and3A_419 = arith.andi %ge3A_415, %lt3A_418 : vector<1x32xi1>
      %jit3A_420 = arith.constant 3 : i32
      %broadcast_in_dim3A_421 = vector.broadcast %jit3A_420 : i32 to vector<1x32xi32>
      %select_n3A_422 = arith.select %and3A_419, %broadcast_in_dim3A_421, %select_n3A_328 : vector<1x32xi1>, vector<1x32xi32>
      %gt3A_423 = arith.constant 0 : i32
      %gt3A_424 = vector.broadcast %gt3A_423 : i32 to vector<1x1xi32>
      %gt3A_425 = arith.cmpi sgt, %slice3A_400, %gt3A_424 : vector<1x1xi32>
      %jit3A_426 = arith.constant 3 : i32
      %broadcast_in_dim3A_427 = vector.broadcast %jit3A_426 : i32 to vector<1x1xi32>
      %select_n3A_428 = arith.select %gt3A_425, %broadcast_in_dim3A_427, %select_n3A_334 : vector<1x1xi1>, vector<1x1xi32>
      %add3A_429 = arith.addi %add3A_335, %shift_left3A_413 : vector<1x1xi32>
      %eq3A_430 = arith.constant 4 : i32
      %eq3A_431 = vector.broadcast %eq3A_430 : i32 to vector<1x4096xi32>
      %eq3A_432 = arith.cmpi eq, %concatenate3A, %eq3A_431 : vector<1x4096xi32>
      %convert_element_type3A_433 = arith.extui %eq3A_432 : vector<1x4096xi1> to vector<1x4096xi32>
      %broadcast_in_dim3A_434 = arith.constant 0 : i32
      %broadcast_in_dim3A_435 = vector.broadcast %broadcast_in_dim3A_434 : i32 to vector<1x1xi32>
      %slice3A_436 = vector.extract_strided_slice %convert_element_type3A_433 {offsets = [0, 0], sizes = [1, 4095], strides = [1, 1]} : vector<1x4096xi32> to vector<1x4095xi32>
      %concatenate3A_437 = tpu.concatenate %broadcast_in_dim3A_435, %slice3A_436 in 1 : vector<1x1xi32>, vector<1x4095xi32> -> vector<1x4096xi32>
      %add3A_438 = arith.addi %convert_element_type3A_433, %concatenate3A_437 : vector<1x4096xi32>
      %broadcast_in_dim3A_439 = arith.constant 0 : i32
      %broadcast_in_dim3A_440 = vector.broadcast %broadcast_in_dim3A_439 : i32 to vector<1x2xi32>
      %slice3A_441 = vector.extract_strided_slice %add3A_438 {offsets = [0, 0], sizes = [1, 4094], strides = [1, 1]} : vector<1x4096xi32> to vector<1x4094xi32>
      %concatenate3A_442 = tpu.concatenate %broadcast_in_dim3A_440, %slice3A_441 in 1 : vector<1x2xi32>, vector<1x4094xi32> -> vector<1x4096xi32>
      %add3A_443 = arith.addi %add3A_438, %concatenate3A_442 : vector<1x4096xi32>
      %broadcast_in_dim3A_444 = arith.constant 0 : i32
      %broadcast_in_dim3A_445 = vector.broadcast %broadcast_in_dim3A_444 : i32 to vector<1x4xi32>
      %slice3A_446 = vector.extract_strided_slice %add3A_443 {offsets = [0, 0], sizes = [1, 4092], strides = [1, 1]} : vector<1x4096xi32> to vector<1x4092xi32>
      %concatenate3A_447 = tpu.concatenate %broadcast_in_dim3A_445, %slice3A_446 in 1 : vector<1x4xi32>, vector<1x4092xi32> -> vector<1x4096xi32>
      %add3A_448 = arith.addi %add3A_443, %concatenate3A_447 : vector<1x4096xi32>
      %broadcast_in_dim3A_449 = arith.constant 0 : i32
      %broadcast_in_dim3A_450 = vector.broadcast %broadcast_in_dim3A_449 : i32 to vector<1x8xi32>
      %slice3A_451 = vector.extract_strided_slice %add3A_448 {offsets = [0, 0], sizes = [1, 4088], strides = [1, 1]} : vector<1x4096xi32> to vector<1x4088xi32>
      %concatenate3A_452 = tpu.concatenate %broadcast_in_dim3A_450, %slice3A_451 in 1 : vector<1x8xi32>, vector<1x4088xi32> -> vector<1x4096xi32>
      %add3A_453 = arith.addi %add3A_448, %concatenate3A_452 : vector<1x4096xi32>
      %broadcast_in_dim3A_454 = arith.constant 0 : i32
      %broadcast_in_dim3A_455 = vector.broadcast %broadcast_in_dim3A_454 : i32 to vector<1x16xi32>
      %slice3A_456 = vector.extract_strided_slice %add3A_453 {offsets = [0, 0], sizes = [1, 4080], strides = [1, 1]} : vector<1x4096xi32> to vector<1x4080xi32>
      %concatenate3A_457 = tpu.concatenate %broadcast_in_dim3A_455, %slice3A_456 in 1 : vector<1x16xi32>, vector<1x4080xi32> -> vector<1x4096xi32>
      %add3A_458 = arith.addi %add3A_453, %concatenate3A_457 : vector<1x4096xi32>
      %broadcast_in_dim3A_459 = arith.constant 0 : i32
      %broadcast_in_dim3A_460 = vector.broadcast %broadcast_in_dim3A_459 : i32 to vector<1x32xi32>
      %slice3A_461 = vector.extract_strided_slice %add3A_458 {offsets = [0, 0], sizes = [1, 4064], strides = [1, 1]} : vector<1x4096xi32> to vector<1x4064xi32>
      %concatenate3A_462 = tpu.concatenate %broadcast_in_dim3A_460, %slice3A_461 in 1 : vector<1x32xi32>, vector<1x4064xi32> -> vector<1x4096xi32>
      %add3A_463 = arith.addi %add3A_458, %concatenate3A_462 : vector<1x4096xi32>
      %broadcast_in_dim3A_464 = arith.constant 0 : i32
      %broadcast_in_dim3A_465 = vector.broadcast %broadcast_in_dim3A_464 : i32 to vector<1x64xi32>
      %slice3A_466 = vector.extract_strided_slice %add3A_463 {offsets = [0, 0], sizes = [1, 4032], strides = [1, 1]} : vector<1x4096xi32> to vector<1x4032xi32>
      %concatenate3A_467 = tpu.concatenate %broadcast_in_dim3A_465, %slice3A_466 in 1 : vector<1x64xi32>, vector<1x4032xi32> -> vector<1x4096xi32>
      %add3A_468 = arith.addi %add3A_463, %concatenate3A_467 : vector<1x4096xi32>
      %broadcast_in_dim3A_469 = arith.constant 0 : i32
      %broadcast_in_dim3A_470 = vector.broadcast %broadcast_in_dim3A_469 : i32 to vector<1x128xi32>
      %slice3A_471 = vector.extract_strided_slice %add3A_468 {offsets = [0, 0], sizes = [1, 3968], strides = [1, 1]} : vector<1x4096xi32> to vector<1x3968xi32>
      %concatenate3A_472 = tpu.concatenate %broadcast_in_dim3A_470, %slice3A_471 in 1 : vector<1x128xi32>, vector<1x3968xi32> -> vector<1x4096xi32>
      %add3A_473 = arith.addi %add3A_468, %concatenate3A_472 : vector<1x4096xi32>
      %broadcast_in_dim3A_474 = arith.constant 0 : i32
      %broadcast_in_dim3A_475 = vector.broadcast %broadcast_in_dim3A_474 : i32 to vector<1x256xi32>
      %slice3A_476 = vector.extract_strided_slice %add3A_473 {offsets = [0, 0], sizes = [1, 3840], strides = [1, 1]} : vector<1x4096xi32> to vector<1x3840xi32>
      %concatenate3A_477 = tpu.concatenate %broadcast_in_dim3A_475, %slice3A_476 in 1 : vector<1x256xi32>, vector<1x3840xi32> -> vector<1x4096xi32>
      %add3A_478 = arith.addi %add3A_473, %concatenate3A_477 : vector<1x4096xi32>
      %broadcast_in_dim3A_479 = arith.constant 0 : i32
      %broadcast_in_dim3A_480 = vector.broadcast %broadcast_in_dim3A_479 : i32 to vector<1x512xi32>
      %slice3A_481 = vector.extract_strided_slice %add3A_478 {offsets = [0, 0], sizes = [1, 3584], strides = [1, 1]} : vector<1x4096xi32> to vector<1x3584xi32>
      %concatenate3A_482 = tpu.concatenate %broadcast_in_dim3A_480, %slice3A_481 in 1 : vector<1x512xi32>, vector<1x3584xi32> -> vector<1x4096xi32>
      %add3A_483 = arith.addi %add3A_478, %concatenate3A_482 : vector<1x4096xi32>
      %broadcast_in_dim3A_484 = arith.constant 0 : i32
      %broadcast_in_dim3A_485 = vector.broadcast %broadcast_in_dim3A_484 : i32 to vector<1x1024xi32>
      %slice3A_486 = vector.extract_strided_slice %add3A_483 {offsets = [0, 0], sizes = [1, 3072], strides = [1, 1]} : vector<1x4096xi32> to vector<1x3072xi32>
      %concatenate3A_487 = tpu.concatenate %broadcast_in_dim3A_485, %slice3A_486 in 1 : vector<1x1024xi32>, vector<1x3072xi32> -> vector<1x4096xi32>
      %add3A_488 = arith.addi %add3A_483, %concatenate3A_487 : vector<1x4096xi32>
      %broadcast_in_dim3A_489 = arith.constant 0 : i32
      %broadcast_in_dim3A_490 = vector.broadcast %broadcast_in_dim3A_489 : i32 to vector<1x2048xi32>
      %slice3A_491 = vector.extract_strided_slice %add3A_488 {offsets = [0, 0], sizes = [1, 2048], strides = [1, 1]} : vector<1x4096xi32> to vector<1x2048xi32>
      %concatenate3A_492 = tpu.concatenate %broadcast_in_dim3A_490, %slice3A_491 in 1 : vector<1x2048xi32>, vector<1x2048xi32> -> vector<1x4096xi32>
      %add3A_493 = arith.addi %add3A_488, %concatenate3A_492 : vector<1x4096xi32>
      %slice3A_494 = vector.extract_strided_slice %add3A_493 {offsets = [0, 4095], sizes = [1, 1], strides = [1, 1]} : vector<1x4096xi32> to vector<1x1xi32>
      %sub3A_495 = arith.subi %add3A_493, %convert_element_type3A_433 : vector<1x4096xi32>
      %add3A_496 = vector.broadcast %add3A_429 : vector<1x1xi32> to vector<1x4096xi32>
      %add3A_497 = arith.addi %sub3A_495, %add3A_496 : vector<1x4096xi32>
      %select_n3A_498 = arith.select %eq3A_432, %add3A_497, %select_n3A_404 : vector<1x4096xi1>, vector<1x4096xi32>
      %add3A_499 = arith.constant 255 : i32
      %add3A_500 = vector.broadcast %add3A_499 : i32 to vector<1x1xi32>
      %add3A_501 = arith.addi %slice3A_494, %add3A_500 : vector<1x1xi32>
      %shift_right_arithmetic3A_502 = arith.constant 8 : i32
      %shift_right_arithmetic3A_503 = vector.broadcast %shift_right_arithmetic3A_502 : i32 to vector<1x1xi32>
      %shift_right_arithmetic3A_504 = arith.shrsi %add3A_501, %shift_right_arithmetic3A_503 : vector<1x1xi32>
      %shift_left3A_505 = arith.constant 8 : i32
      %shift_left3A_506 = vector.broadcast %shift_left3A_505 : i32 to vector<1x1xi32>
      %shift_left3A_507 = arith.shli %shift_right_arithmetic3A_504, %shift_left3A_506 : vector<1x1xi32>
      %ge3A_508 = vector.broadcast %add3A_429 : vector<1x1xi32> to vector<1x32xi32>
      %ge3A_509 = arith.cmpi sge, %mul3A_52, %ge3A_508 : vector<1x32xi32>
      %add3A_510 = arith.addi %add3A_429, %shift_left3A_507 : vector<1x1xi32>
      %lt3A_511 = vector.broadcast %add3A_510 : vector<1x1xi32> to vector<1x32xi32>
      %lt3A_512 = arith.cmpi slt, %mul3A_52, %lt3A_511 : vector<1x32xi32>
      %and3A_513 = arith.andi %ge3A_509, %lt3A_512 : vector<1x32xi1>
      %jit3A_514 = arith.constant 4 : i32
      %broadcast_in_dim3A_515 = vector.broadcast %jit3A_514 : i32 to vector<1x32xi32>
      %select_n3A_516 = arith.select %and3A_513, %broadcast_in_dim3A_515, %select_n3A_422 : vector<1x32xi1>, vector<1x32xi32>
      %gt3A_517 = arith.constant 0 : i32
      %gt3A_518 = vector.broadcast %gt3A_517 : i32 to vector<1x1xi32>
      %gt3A_519 = arith.cmpi sgt, %slice3A_494, %gt3A_518 : vector<1x1xi32>
      %jit3A_520 = arith.constant 4 : i32
      %broadcast_in_dim3A_521 = vector.broadcast %jit3A_520 : i32 to vector<1x1xi32>
      %select_n3A_522 = arith.select %gt3A_519, %broadcast_in_dim3A_521, %select_n3A_428 : vector<1x1xi1>, vector<1x1xi32>
      %add3A_523 = arith.addi %add3A_429, %shift_left3A_507 : vector<1x1xi32>
      %eq3A_524 = arith.constant 5 : i32
      %eq3A_525 = vector.broadcast %eq3A_524 : i32 to vector<1x4096xi32>
      %eq3A_526 = arith.cmpi eq, %concatenate3A, %eq3A_525 : vector<1x4096xi32>
      %convert_element_type3A_527 = arith.extui %eq3A_526 : vector<1x4096xi1> to vector<1x4096xi32>
      %broadcast_in_dim3A_528 = arith.constant 0 : i32
      %broadcast_in_dim3A_529 = vector.broadcast %broadcast_in_dim3A_528 : i32 to vector<1x1xi32>
      %slice3A_530 = vector.extract_strided_slice %convert_element_type3A_527 {offsets = [0, 0], sizes = [1, 4095], strides = [1, 1]} : vector<1x4096xi32> to vector<1x4095xi32>
      %concatenate3A_531 = tpu.concatenate %broadcast_in_dim3A_529, %slice3A_530 in 1 : vector<1x1xi32>, vector<1x4095xi32> -> vector<1x4096xi32>
      %add3A_532 = arith.addi %convert_element_type3A_527, %concatenate3A_531 : vector<1x4096xi32>
      %broadcast_in_dim3A_533 = arith.constant 0 : i32
      %broadcast_in_dim3A_534 = vector.broadcast %broadcast_in_dim3A_533 : i32 to vector<1x2xi32>
      %slice3A_535 = vector.extract_strided_slice %add3A_532 {offsets = [0, 0], sizes = [1, 4094], strides = [1, 1]} : vector<1x4096xi32> to vector<1x4094xi32>
      %concatenate3A_536 = tpu.concatenate %broadcast_in_dim3A_534, %slice3A_535 in 1 : vector<1x2xi32>, vector<1x4094xi32> -> vector<1x4096xi32>
      %add3A_537 = arith.addi %add3A_532, %concatenate3A_536 : vector<1x4096xi32>
      %broadcast_in_dim3A_538 = arith.constant 0 : i32
      %broadcast_in_dim3A_539 = vector.broadcast %broadcast_in_dim3A_538 : i32 to vector<1x4xi32>
      %slice3A_540 = vector.extract_strided_slice %add3A_537 {offsets = [0, 0], sizes = [1, 4092], strides = [1, 1]} : vector<1x4096xi32> to vector<1x4092xi32>
      %concatenate3A_541 = tpu.concatenate %broadcast_in_dim3A_539, %slice3A_540 in 1 : vector<1x4xi32>, vector<1x4092xi32> -> vector<1x4096xi32>
      %add3A_542 = arith.addi %add3A_537, %concatenate3A_541 : vector<1x4096xi32>
      %broadcast_in_dim3A_543 = arith.constant 0 : i32
      %broadcast_in_dim3A_544 = vector.broadcast %broadcast_in_dim3A_543 : i32 to vector<1x8xi32>
      %slice3A_545 = vector.extract_strided_slice %add3A_542 {offsets = [0, 0], sizes = [1, 4088], strides = [1, 1]} : vector<1x4096xi32> to vector<1x4088xi32>
      %concatenate3A_546 = tpu.concatenate %broadcast_in_dim3A_544, %slice3A_545 in 1 : vector<1x8xi32>, vector<1x4088xi32> -> vector<1x4096xi32>
      %add3A_547 = arith.addi %add3A_542, %concatenate3A_546 : vector<1x4096xi32>
      %broadcast_in_dim3A_548 = arith.constant 0 : i32
      %broadcast_in_dim3A_549 = vector.broadcast %broadcast_in_dim3A_548 : i32 to vector<1x16xi32>
      %slice3A_550 = vector.extract_strided_slice %add3A_547 {offsets = [0, 0], sizes = [1, 4080], strides = [1, 1]} : vector<1x4096xi32> to vector<1x4080xi32>
      %concatenate3A_551 = tpu.concatenate %broadcast_in_dim3A_549, %slice3A_550 in 1 : vector<1x16xi32>, vector<1x4080xi32> -> vector<1x4096xi32>
      %add3A_552 = arith.addi %add3A_547, %concatenate3A_551 : vector<1x4096xi32>
      %broadcast_in_dim3A_553 = arith.constant 0 : i32
      %broadcast_in_dim3A_554 = vector.broadcast %broadcast_in_dim3A_553 : i32 to vector<1x32xi32>
      %slice3A_555 = vector.extract_strided_slice %add3A_552 {offsets = [0, 0], sizes = [1, 4064], strides = [1, 1]} : vector<1x4096xi32> to vector<1x4064xi32>
      %concatenate3A_556 = tpu.concatenate %broadcast_in_dim3A_554, %slice3A_555 in 1 : vector<1x32xi32>, vector<1x4064xi32> -> vector<1x4096xi32>
      %add3A_557 = arith.addi %add3A_552, %concatenate3A_556 : vector<1x4096xi32>
      %broadcast_in_dim3A_558 = arith.constant 0 : i32
      %broadcast_in_dim3A_559 = vector.broadcast %broadcast_in_dim3A_558 : i32 to vector<1x64xi32>
      %slice3A_560 = vector.extract_strided_slice %add3A_557 {offsets = [0, 0], sizes = [1, 4032], strides = [1, 1]} : vector<1x4096xi32> to vector<1x4032xi32>
      %concatenate3A_561 = tpu.concatenate %broadcast_in_dim3A_559, %slice3A_560 in 1 : vector<1x64xi32>, vector<1x4032xi32> -> vector<1x4096xi32>
      %add3A_562 = arith.addi %add3A_557, %concatenate3A_561 : vector<1x4096xi32>
      %broadcast_in_dim3A_563 = arith.constant 0 : i32
      %broadcast_in_dim3A_564 = vector.broadcast %broadcast_in_dim3A_563 : i32 to vector<1x128xi32>
      %slice3A_565 = vector.extract_strided_slice %add3A_562 {offsets = [0, 0], sizes = [1, 3968], strides = [1, 1]} : vector<1x4096xi32> to vector<1x3968xi32>
      %concatenate3A_566 = tpu.concatenate %broadcast_in_dim3A_564, %slice3A_565 in 1 : vector<1x128xi32>, vector<1x3968xi32> -> vector<1x4096xi32>
      %add3A_567 = arith.addi %add3A_562, %concatenate3A_566 : vector<1x4096xi32>
      %broadcast_in_dim3A_568 = arith.constant 0 : i32
      %broadcast_in_dim3A_569 = vector.broadcast %broadcast_in_dim3A_568 : i32 to vector<1x256xi32>
      %slice3A_570 = vector.extract_strided_slice %add3A_567 {offsets = [0, 0], sizes = [1, 3840], strides = [1, 1]} : vector<1x4096xi32> to vector<1x3840xi32>
      %concatenate3A_571 = tpu.concatenate %broadcast_in_dim3A_569, %slice3A_570 in 1 : vector<1x256xi32>, vector<1x3840xi32> -> vector<1x4096xi32>
      %add3A_572 = arith.addi %add3A_567, %concatenate3A_571 : vector<1x4096xi32>
      %broadcast_in_dim3A_573 = arith.constant 0 : i32
      %broadcast_in_dim3A_574 = vector.broadcast %broadcast_in_dim3A_573 : i32 to vector<1x512xi32>
      %slice3A_575 = vector.extract_strided_slice %add3A_572 {offsets = [0, 0], sizes = [1, 3584], strides = [1, 1]} : vector<1x4096xi32> to vector<1x3584xi32>
      %concatenate3A_576 = tpu.concatenate %broadcast_in_dim3A_574, %slice3A_575 in 1 : vector<1x512xi32>, vector<1x3584xi32> -> vector<1x4096xi32>
      %add3A_577 = arith.addi %add3A_572, %concatenate3A_576 : vector<1x4096xi32>
      %broadcast_in_dim3A_578 = arith.constant 0 : i32
      %broadcast_in_dim3A_579 = vector.broadcast %broadcast_in_dim3A_578 : i32 to vector<1x1024xi32>
      %slice3A_580 = vector.extract_strided_slice %add3A_577 {offsets = [0, 0], sizes = [1, 3072], strides = [1, 1]} : vector<1x4096xi32> to vector<1x3072xi32>
      %concatenate3A_581 = tpu.concatenate %broadcast_in_dim3A_579, %slice3A_580 in 1 : vector<1x1024xi32>, vector<1x3072xi32> -> vector<1x4096xi32>
      %add3A_582 = arith.addi %add3A_577, %concatenate3A_581 : vector<1x4096xi32>
      %broadcast_in_dim3A_583 = arith.constant 0 : i32
      %broadcast_in_dim3A_584 = vector.broadcast %broadcast_in_dim3A_583 : i32 to vector<1x2048xi32>
      %slice3A_585 = vector.extract_strided_slice %add3A_582 {offsets = [0, 0], sizes = [1, 2048], strides = [1, 1]} : vector<1x4096xi32> to vector<1x2048xi32>
      %concatenate3A_586 = tpu.concatenate %broadcast_in_dim3A_584, %slice3A_585 in 1 : vector<1x2048xi32>, vector<1x2048xi32> -> vector<1x4096xi32>
      %add3A_587 = arith.addi %add3A_582, %concatenate3A_586 : vector<1x4096xi32>
      %slice3A_588 = vector.extract_strided_slice %add3A_587 {offsets = [0, 4095], sizes = [1, 1], strides = [1, 1]} : vector<1x4096xi32> to vector<1x1xi32>
      %sub3A_589 = arith.subi %add3A_587, %convert_element_type3A_527 : vector<1x4096xi32>
      %add3A_590 = vector.broadcast %add3A_523 : vector<1x1xi32> to vector<1x4096xi32>
      %add3A_591 = arith.addi %sub3A_589, %add3A_590 : vector<1x4096xi32>
      %select_n3A_592 = arith.select %eq3A_526, %add3A_591, %select_n3A_498 : vector<1x4096xi1>, vector<1x4096xi32>
      %add3A_593 = arith.constant 255 : i32
      %add3A_594 = vector.broadcast %add3A_593 : i32 to vector<1x1xi32>
      %add3A_595 = arith.addi %slice3A_588, %add3A_594 : vector<1x1xi32>
      %shift_right_arithmetic3A_596 = arith.constant 8 : i32
      %shift_right_arithmetic3A_597 = vector.broadcast %shift_right_arithmetic3A_596 : i32 to vector<1x1xi32>
      %shift_right_arithmetic3A_598 = arith.shrsi %add3A_595, %shift_right_arithmetic3A_597 : vector<1x1xi32>
      %shift_left3A_599 = arith.constant 8 : i32
      %shift_left3A_600 = vector.broadcast %shift_left3A_599 : i32 to vector<1x1xi32>
      %shift_left3A_601 = arith.shli %shift_right_arithmetic3A_598, %shift_left3A_600 : vector<1x1xi32>
      %ge3A_602 = vector.broadcast %add3A_523 : vector<1x1xi32> to vector<1x32xi32>
      %ge3A_603 = arith.cmpi sge, %mul3A_52, %ge3A_602 : vector<1x32xi32>
      %add3A_604 = arith.addi %add3A_523, %shift_left3A_601 : vector<1x1xi32>
      %lt3A_605 = vector.broadcast %add3A_604 : vector<1x1xi32> to vector<1x32xi32>
      %lt3A_606 = arith.cmpi slt, %mul3A_52, %lt3A_605 : vector<1x32xi32>
      %and3A_607 = arith.andi %ge3A_603, %lt3A_606 : vector<1x32xi1>
      %jit3A_608 = arith.constant 5 : i32
      %broadcast_in_dim3A_609 = vector.broadcast %jit3A_608 : i32 to vector<1x32xi32>
      %select_n3A_610 = arith.select %and3A_607, %broadcast_in_dim3A_609, %select_n3A_516 : vector<1x32xi1>, vector<1x32xi32>
      %gt3A_611 = arith.constant 0 : i32
      %gt3A_612 = vector.broadcast %gt3A_611 : i32 to vector<1x1xi32>
      %gt3A_613 = arith.cmpi sgt, %slice3A_588, %gt3A_612 : vector<1x1xi32>
      %jit3A_614 = arith.constant 5 : i32
      %broadcast_in_dim3A_615 = vector.broadcast %jit3A_614 : i32 to vector<1x1xi32>
      %select_n3A_616 = arith.select %gt3A_613, %broadcast_in_dim3A_615, %select_n3A_522 : vector<1x1xi1>, vector<1x1xi32>
      %add3A_617 = arith.addi %add3A_523, %shift_left3A_601 : vector<1x1xi32>
      %eq3A_618 = arith.constant 6 : i32
      %eq3A_619 = vector.broadcast %eq3A_618 : i32 to vector<1x4096xi32>
      %eq3A_620 = arith.cmpi eq, %concatenate3A, %eq3A_619 : vector<1x4096xi32>
      %convert_element_type3A_621 = arith.extui %eq3A_620 : vector<1x4096xi1> to vector<1x4096xi32>
      %broadcast_in_dim3A_622 = arith.constant 0 : i32
      %broadcast_in_dim3A_623 = vector.broadcast %broadcast_in_dim3A_622 : i32 to vector<1x1xi32>
      %slice3A_624 = vector.extract_strided_slice %convert_element_type3A_621 {offsets = [0, 0], sizes = [1, 4095], strides = [1, 1]} : vector<1x4096xi32> to vector<1x4095xi32>
      %concatenate3A_625 = tpu.concatenate %broadcast_in_dim3A_623, %slice3A_624 in 1 : vector<1x1xi32>, vector<1x4095xi32> -> vector<1x4096xi32>
      %add3A_626 = arith.addi %convert_element_type3A_621, %concatenate3A_625 : vector<1x4096xi32>
      %broadcast_in_dim3A_627 = arith.constant 0 : i32
      %broadcast_in_dim3A_628 = vector.broadcast %broadcast_in_dim3A_627 : i32 to vector<1x2xi32>
      %slice3A_629 = vector.extract_strided_slice %add3A_626 {offsets = [0, 0], sizes = [1, 4094], strides = [1, 1]} : vector<1x4096xi32> to vector<1x4094xi32>
      %concatenate3A_630 = tpu.concatenate %broadcast_in_dim3A_628, %slice3A_629 in 1 : vector<1x2xi32>, vector<1x4094xi32> -> vector<1x4096xi32>
      %add3A_631 = arith.addi %add3A_626, %concatenate3A_630 : vector<1x4096xi32>
      %broadcast_in_dim3A_632 = arith.constant 0 : i32
      %broadcast_in_dim3A_633 = vector.broadcast %broadcast_in_dim3A_632 : i32 to vector<1x4xi32>
      %slice3A_634 = vector.extract_strided_slice %add3A_631 {offsets = [0, 0], sizes = [1, 4092], strides = [1, 1]} : vector<1x4096xi32> to vector<1x4092xi32>
      %concatenate3A_635 = tpu.concatenate %broadcast_in_dim3A_633, %slice3A_634 in 1 : vector<1x4xi32>, vector<1x4092xi32> -> vector<1x4096xi32>
      %add3A_636 = arith.addi %add3A_631, %concatenate3A_635 : vector<1x4096xi32>
      %broadcast_in_dim3A_637 = arith.constant 0 : i32
      %broadcast_in_dim3A_638 = vector.broadcast %broadcast_in_dim3A_637 : i32 to vector<1x8xi32>
      %slice3A_639 = vector.extract_strided_slice %add3A_636 {offsets = [0, 0], sizes = [1, 4088], strides = [1, 1]} : vector<1x4096xi32> to vector<1x4088xi32>
      %concatenate3A_640 = tpu.concatenate %broadcast_in_dim3A_638, %slice3A_639 in 1 : vector<1x8xi32>, vector<1x4088xi32> -> vector<1x4096xi32>
      %add3A_641 = arith.addi %add3A_636, %concatenate3A_640 : vector<1x4096xi32>
      %broadcast_in_dim3A_642 = arith.constant 0 : i32
      %broadcast_in_dim3A_643 = vector.broadcast %broadcast_in_dim3A_642 : i32 to vector<1x16xi32>
      %slice3A_644 = vector.extract_strided_slice %add3A_641 {offsets = [0, 0], sizes = [1, 4080], strides = [1, 1]} : vector<1x4096xi32> to vector<1x4080xi32>
      %concatenate3A_645 = tpu.concatenate %broadcast_in_dim3A_643, %slice3A_644 in 1 : vector<1x16xi32>, vector<1x4080xi32> -> vector<1x4096xi32>
      %add3A_646 = arith.addi %add3A_641, %concatenate3A_645 : vector<1x4096xi32>
      %broadcast_in_dim3A_647 = arith.constant 0 : i32
      %broadcast_in_dim3A_648 = vector.broadcast %broadcast_in_dim3A_647 : i32 to vector<1x32xi32>
      %slice3A_649 = vector.extract_strided_slice %add3A_646 {offsets = [0, 0], sizes = [1, 4064], strides = [1, 1]} : vector<1x4096xi32> to vector<1x4064xi32>
      %concatenate3A_650 = tpu.concatenate %broadcast_in_dim3A_648, %slice3A_649 in 1 : vector<1x32xi32>, vector<1x4064xi32> -> vector<1x4096xi32>
      %add3A_651 = arith.addi %add3A_646, %concatenate3A_650 : vector<1x4096xi32>
      %broadcast_in_dim3A_652 = arith.constant 0 : i32
      %broadcast_in_dim3A_653 = vector.broadcast %broadcast_in_dim3A_652 : i32 to vector<1x64xi32>
      %slice3A_654 = vector.extract_strided_slice %add3A_651 {offsets = [0, 0], sizes = [1, 4032], strides = [1, 1]} : vector<1x4096xi32> to vector<1x4032xi32>
      %concatenate3A_655 = tpu.concatenate %broadcast_in_dim3A_653, %slice3A_654 in 1 : vector<1x64xi32>, vector<1x4032xi32> -> vector<1x4096xi32>
      %add3A_656 = arith.addi %add3A_651, %concatenate3A_655 : vector<1x4096xi32>
      %broadcast_in_dim3A_657 = arith.constant 0 : i32
      %broadcast_in_dim3A_658 = vector.broadcast %broadcast_in_dim3A_657 : i32 to vector<1x128xi32>
      %slice3A_659 = vector.extract_strided_slice %add3A_656 {offsets = [0, 0], sizes = [1, 3968], strides = [1, 1]} : vector<1x4096xi32> to vector<1x3968xi32>
      %concatenate3A_660 = tpu.concatenate %broadcast_in_dim3A_658, %slice3A_659 in 1 : vector<1x128xi32>, vector<1x3968xi32> -> vector<1x4096xi32>
      %add3A_661 = arith.addi %add3A_656, %concatenate3A_660 : vector<1x4096xi32>
      %broadcast_in_dim3A_662 = arith.constant 0 : i32
      %broadcast_in_dim3A_663 = vector.broadcast %broadcast_in_dim3A_662 : i32 to vector<1x256xi32>
      %slice3A_664 = vector.extract_strided_slice %add3A_661 {offsets = [0, 0], sizes = [1, 3840], strides = [1, 1]} : vector<1x4096xi32> to vector<1x3840xi32>
      %concatenate3A_665 = tpu.concatenate %broadcast_in_dim3A_663, %slice3A_664 in 1 : vector<1x256xi32>, vector<1x3840xi32> -> vector<1x4096xi32>
      %add3A_666 = arith.addi %add3A_661, %concatenate3A_665 : vector<1x4096xi32>
      %broadcast_in_dim3A_667 = arith.constant 0 : i32
      %broadcast_in_dim3A_668 = vector.broadcast %broadcast_in_dim3A_667 : i32 to vector<1x512xi32>
      %slice3A_669 = vector.extract_strided_slice %add3A_666 {offsets = [0, 0], sizes = [1, 3584], strides = [1, 1]} : vector<1x4096xi32> to vector<1x3584xi32>
      %concatenate3A_670 = tpu.concatenate %broadcast_in_dim3A_668, %slice3A_669 in 1 : vector<1x512xi32>, vector<1x3584xi32> -> vector<1x4096xi32>
      %add3A_671 = arith.addi %add3A_666, %concatenate3A_670 : vector<1x4096xi32>
      %broadcast_in_dim3A_672 = arith.constant 0 : i32
      %broadcast_in_dim3A_673 = vector.broadcast %broadcast_in_dim3A_672 : i32 to vector<1x1024xi32>
      %slice3A_674 = vector.extract_strided_slice %add3A_671 {offsets = [0, 0], sizes = [1, 3072], strides = [1, 1]} : vector<1x4096xi32> to vector<1x3072xi32>
      %concatenate3A_675 = tpu.concatenate %broadcast_in_dim3A_673, %slice3A_674 in 1 : vector<1x1024xi32>, vector<1x3072xi32> -> vector<1x4096xi32>
      %add3A_676 = arith.addi %add3A_671, %concatenate3A_675 : vector<1x4096xi32>
      %broadcast_in_dim3A_677 = arith.constant 0 : i32
      %broadcast_in_dim3A_678 = vector.broadcast %broadcast_in_dim3A_677 : i32 to vector<1x2048xi32>
      %slice3A_679 = vector.extract_strided_slice %add3A_676 {offsets = [0, 0], sizes = [1, 2048], strides = [1, 1]} : vector<1x4096xi32> to vector<1x2048xi32>
      %concatenate3A_680 = tpu.concatenate %broadcast_in_dim3A_678, %slice3A_679 in 1 : vector<1x2048xi32>, vector<1x2048xi32> -> vector<1x4096xi32>
      %add3A_681 = arith.addi %add3A_676, %concatenate3A_680 : vector<1x4096xi32>
      %slice3A_682 = vector.extract_strided_slice %add3A_681 {offsets = [0, 4095], sizes = [1, 1], strides = [1, 1]} : vector<1x4096xi32> to vector<1x1xi32>
      %sub3A_683 = arith.subi %add3A_681, %convert_element_type3A_621 : vector<1x4096xi32>
      %add3A_684 = vector.broadcast %add3A_617 : vector<1x1xi32> to vector<1x4096xi32>
      %add3A_685 = arith.addi %sub3A_683, %add3A_684 : vector<1x4096xi32>
      %select_n3A_686 = arith.select %eq3A_620, %add3A_685, %select_n3A_592 : vector<1x4096xi1>, vector<1x4096xi32>
      %add3A_687 = arith.constant 255 : i32
      %add3A_688 = vector.broadcast %add3A_687 : i32 to vector<1x1xi32>
      %add3A_689 = arith.addi %slice3A_682, %add3A_688 : vector<1x1xi32>
      %shift_right_arithmetic3A_690 = arith.constant 8 : i32
      %shift_right_arithmetic3A_691 = vector.broadcast %shift_right_arithmetic3A_690 : i32 to vector<1x1xi32>
      %shift_right_arithmetic3A_692 = arith.shrsi %add3A_689, %shift_right_arithmetic3A_691 : vector<1x1xi32>
      %shift_left3A_693 = arith.constant 8 : i32
      %shift_left3A_694 = vector.broadcast %shift_left3A_693 : i32 to vector<1x1xi32>
      %shift_left3A_695 = arith.shli %shift_right_arithmetic3A_692, %shift_left3A_694 : vector<1x1xi32>
      %ge3A_696 = vector.broadcast %add3A_617 : vector<1x1xi32> to vector<1x32xi32>
      %ge3A_697 = arith.cmpi sge, %mul3A_52, %ge3A_696 : vector<1x32xi32>
      %add3A_698 = arith.addi %add3A_617, %shift_left3A_695 : vector<1x1xi32>
      %lt3A_699 = vector.broadcast %add3A_698 : vector<1x1xi32> to vector<1x32xi32>
      %lt3A_700 = arith.cmpi slt, %mul3A_52, %lt3A_699 : vector<1x32xi32>
      %and3A_701 = arith.andi %ge3A_697, %lt3A_700 : vector<1x32xi1>
      %jit3A_702 = arith.constant 6 : i32
      %broadcast_in_dim3A_703 = vector.broadcast %jit3A_702 : i32 to vector<1x32xi32>
      %select_n3A_704 = arith.select %and3A_701, %broadcast_in_dim3A_703, %select_n3A_610 : vector<1x32xi1>, vector<1x32xi32>
      %gt3A_705 = arith.constant 0 : i32
      %gt3A_706 = vector.broadcast %gt3A_705 : i32 to vector<1x1xi32>
      %gt3A_707 = arith.cmpi sgt, %slice3A_682, %gt3A_706 : vector<1x1xi32>
      %jit3A_708 = arith.constant 6 : i32
      %broadcast_in_dim3A_709 = vector.broadcast %jit3A_708 : i32 to vector<1x1xi32>
      %select_n3A_710 = arith.select %gt3A_707, %broadcast_in_dim3A_709, %select_n3A_616 : vector<1x1xi1>, vector<1x1xi32>
      %add3A_711 = arith.addi %add3A_617, %shift_left3A_695 : vector<1x1xi32>
      %eq3A_712 = arith.constant 7 : i32
      %eq3A_713 = vector.broadcast %eq3A_712 : i32 to vector<1x4096xi32>
      %eq3A_714 = arith.cmpi eq, %concatenate3A, %eq3A_713 : vector<1x4096xi32>
      %convert_element_type3A_715 = arith.extui %eq3A_714 : vector<1x4096xi1> to vector<1x4096xi32>
      %broadcast_in_dim3A_716 = arith.constant 0 : i32
      %broadcast_in_dim3A_717 = vector.broadcast %broadcast_in_dim3A_716 : i32 to vector<1x1xi32>
      %slice3A_718 = vector.extract_strided_slice %convert_element_type3A_715 {offsets = [0, 0], sizes = [1, 4095], strides = [1, 1]} : vector<1x4096xi32> to vector<1x4095xi32>
      %concatenate3A_719 = tpu.concatenate %broadcast_in_dim3A_717, %slice3A_718 in 1 : vector<1x1xi32>, vector<1x4095xi32> -> vector<1x4096xi32>
      %add3A_720 = arith.addi %convert_element_type3A_715, %concatenate3A_719 : vector<1x4096xi32>
      %broadcast_in_dim3A_721 = arith.constant 0 : i32
      %broadcast_in_dim3A_722 = vector.broadcast %broadcast_in_dim3A_721 : i32 to vector<1x2xi32>
      %slice3A_723 = vector.extract_strided_slice %add3A_720 {offsets = [0, 0], sizes = [1, 4094], strides = [1, 1]} : vector<1x4096xi32> to vector<1x4094xi32>
      %concatenate3A_724 = tpu.concatenate %broadcast_in_dim3A_722, %slice3A_723 in 1 : vector<1x2xi32>, vector<1x4094xi32> -> vector<1x4096xi32>
      %add3A_725 = arith.addi %add3A_720, %concatenate3A_724 : vector<1x4096xi32>
      %broadcast_in_dim3A_726 = arith.constant 0 : i32
      %broadcast_in_dim3A_727 = vector.broadcast %broadcast_in_dim3A_726 : i32 to vector<1x4xi32>
      %slice3A_728 = vector.extract_strided_slice %add3A_725 {offsets = [0, 0], sizes = [1, 4092], strides = [1, 1]} : vector<1x4096xi32> to vector<1x4092xi32>
      %concatenate3A_729 = tpu.concatenate %broadcast_in_dim3A_727, %slice3A_728 in 1 : vector<1x4xi32>, vector<1x4092xi32> -> vector<1x4096xi32>
      %add3A_730 = arith.addi %add3A_725, %concatenate3A_729 : vector<1x4096xi32>
      %broadcast_in_dim3A_731 = arith.constant 0 : i32
      %broadcast_in_dim3A_732 = vector.broadcast %broadcast_in_dim3A_731 : i32 to vector<1x8xi32>
      %slice3A_733 = vector.extract_strided_slice %add3A_730 {offsets = [0, 0], sizes = [1, 4088], strides = [1, 1]} : vector<1x4096xi32> to vector<1x4088xi32>
      %concatenate3A_734 = tpu.concatenate %broadcast_in_dim3A_732, %slice3A_733 in 1 : vector<1x8xi32>, vector<1x4088xi32> -> vector<1x4096xi32>
      %add3A_735 = arith.addi %add3A_730, %concatenate3A_734 : vector<1x4096xi32>
      %broadcast_in_dim3A_736 = arith.constant 0 : i32
      %broadcast_in_dim3A_737 = vector.broadcast %broadcast_in_dim3A_736 : i32 to vector<1x16xi32>
      %slice3A_738 = vector.extract_strided_slice %add3A_735 {offsets = [0, 0], sizes = [1, 4080], strides = [1, 1]} : vector<1x4096xi32> to vector<1x4080xi32>
      %concatenate3A_739 = tpu.concatenate %broadcast_in_dim3A_737, %slice3A_738 in 1 : vector<1x16xi32>, vector<1x4080xi32> -> vector<1x4096xi32>
      %add3A_740 = arith.addi %add3A_735, %concatenate3A_739 : vector<1x4096xi32>
      %broadcast_in_dim3A_741 = arith.constant 0 : i32
      %broadcast_in_dim3A_742 = vector.broadcast %broadcast_in_dim3A_741 : i32 to vector<1x32xi32>
      %slice3A_743 = vector.extract_strided_slice %add3A_740 {offsets = [0, 0], sizes = [1, 4064], strides = [1, 1]} : vector<1x4096xi32> to vector<1x4064xi32>
      %concatenate3A_744 = tpu.concatenate %broadcast_in_dim3A_742, %slice3A_743 in 1 : vector<1x32xi32>, vector<1x4064xi32> -> vector<1x4096xi32>
      %add3A_745 = arith.addi %add3A_740, %concatenate3A_744 : vector<1x4096xi32>
      %broadcast_in_dim3A_746 = arith.constant 0 : i32
      %broadcast_in_dim3A_747 = vector.broadcast %broadcast_in_dim3A_746 : i32 to vector<1x64xi32>
      %slice3A_748 = vector.extract_strided_slice %add3A_745 {offsets = [0, 0], sizes = [1, 4032], strides = [1, 1]} : vector<1x4096xi32> to vector<1x4032xi32>
      %concatenate3A_749 = tpu.concatenate %broadcast_in_dim3A_747, %slice3A_748 in 1 : vector<1x64xi32>, vector<1x4032xi32> -> vector<1x4096xi32>
      %add3A_750 = arith.addi %add3A_745, %concatenate3A_749 : vector<1x4096xi32>
      %broadcast_in_dim3A_751 = arith.constant 0 : i32
      %broadcast_in_dim3A_752 = vector.broadcast %broadcast_in_dim3A_751 : i32 to vector<1x128xi32>
      %slice3A_753 = vector.extract_strided_slice %add3A_750 {offsets = [0, 0], sizes = [1, 3968], strides = [1, 1]} : vector<1x4096xi32> to vector<1x3968xi32>
      %concatenate3A_754 = tpu.concatenate %broadcast_in_dim3A_752, %slice3A_753 in 1 : vector<1x128xi32>, vector<1x3968xi32> -> vector<1x4096xi32>
      %add3A_755 = arith.addi %add3A_750, %concatenate3A_754 : vector<1x4096xi32>
      %broadcast_in_dim3A_756 = arith.constant 0 : i32
      %broadcast_in_dim3A_757 = vector.broadcast %broadcast_in_dim3A_756 : i32 to vector<1x256xi32>
      %slice3A_758 = vector.extract_strided_slice %add3A_755 {offsets = [0, 0], sizes = [1, 3840], strides = [1, 1]} : vector<1x4096xi32> to vector<1x3840xi32>
      %concatenate3A_759 = tpu.concatenate %broadcast_in_dim3A_757, %slice3A_758 in 1 : vector<1x256xi32>, vector<1x3840xi32> -> vector<1x4096xi32>
      %add3A_760 = arith.addi %add3A_755, %concatenate3A_759 : vector<1x4096xi32>
      %broadcast_in_dim3A_761 = arith.constant 0 : i32
      %broadcast_in_dim3A_762 = vector.broadcast %broadcast_in_dim3A_761 : i32 to vector<1x512xi32>
      %slice3A_763 = vector.extract_strided_slice %add3A_760 {offsets = [0, 0], sizes = [1, 3584], strides = [1, 1]} : vector<1x4096xi32> to vector<1x3584xi32>
      %concatenate3A_764 = tpu.concatenate %broadcast_in_dim3A_762, %slice3A_763 in 1 : vector<1x512xi32>, vector<1x3584xi32> -> vector<1x4096xi32>
      %add3A_765 = arith.addi %add3A_760, %concatenate3A_764 : vector<1x4096xi32>
      %broadcast_in_dim3A_766 = arith.constant 0 : i32
      %broadcast_in_dim3A_767 = vector.broadcast %broadcast_in_dim3A_766 : i32 to vector<1x1024xi32>
      %slice3A_768 = vector.extract_strided_slice %add3A_765 {offsets = [0, 0], sizes = [1, 3072], strides = [1, 1]} : vector<1x4096xi32> to vector<1x3072xi32>
      %concatenate3A_769 = tpu.concatenate %broadcast_in_dim3A_767, %slice3A_768 in 1 : vector<1x1024xi32>, vector<1x3072xi32> -> vector<1x4096xi32>
      %add3A_770 = arith.addi %add3A_765, %concatenate3A_769 : vector<1x4096xi32>
      %broadcast_in_dim3A_771 = arith.constant 0 : i32
      %broadcast_in_dim3A_772 = vector.broadcast %broadcast_in_dim3A_771 : i32 to vector<1x2048xi32>
      %slice3A_773 = vector.extract_strided_slice %add3A_770 {offsets = [0, 0], sizes = [1, 2048], strides = [1, 1]} : vector<1x4096xi32> to vector<1x2048xi32>
      %concatenate3A_774 = tpu.concatenate %broadcast_in_dim3A_772, %slice3A_773 in 1 : vector<1x2048xi32>, vector<1x2048xi32> -> vector<1x4096xi32>
      %add3A_775 = arith.addi %add3A_770, %concatenate3A_774 : vector<1x4096xi32>
      %slice3A_776 = vector.extract_strided_slice %add3A_775 {offsets = [0, 4095], sizes = [1, 1], strides = [1, 1]} : vector<1x4096xi32> to vector<1x1xi32>
      %sub3A_777 = arith.subi %add3A_775, %convert_element_type3A_715 : vector<1x4096xi32>
      %add3A_778 = vector.broadcast %add3A_711 : vector<1x1xi32> to vector<1x4096xi32>
      %add3A_779 = arith.addi %sub3A_777, %add3A_778 : vector<1x4096xi32>
      %select_n3A_780 = arith.select %eq3A_714, %add3A_779, %select_n3A_686 : vector<1x4096xi1>, vector<1x4096xi32>
      %add3A_781 = arith.constant 255 : i32
      %add3A_782 = vector.broadcast %add3A_781 : i32 to vector<1x1xi32>
      %add3A_783 = arith.addi %slice3A_776, %add3A_782 : vector<1x1xi32>
      %shift_right_arithmetic3A_784 = arith.constant 8 : i32
      %shift_right_arithmetic3A_785 = vector.broadcast %shift_right_arithmetic3A_784 : i32 to vector<1x1xi32>
      %shift_right_arithmetic3A_786 = arith.shrsi %add3A_783, %shift_right_arithmetic3A_785 : vector<1x1xi32>
      %shift_left3A_787 = arith.constant 8 : i32
      %shift_left3A_788 = vector.broadcast %shift_left3A_787 : i32 to vector<1x1xi32>
      %shift_left3A_789 = arith.shli %shift_right_arithmetic3A_786, %shift_left3A_788 : vector<1x1xi32>
      %ge3A_790 = vector.broadcast %add3A_711 : vector<1x1xi32> to vector<1x32xi32>
      %ge3A_791 = arith.cmpi sge, %mul3A_52, %ge3A_790 : vector<1x32xi32>
      %add3A_792 = arith.addi %add3A_711, %shift_left3A_789 : vector<1x1xi32>
      %lt3A_793 = vector.broadcast %add3A_792 : vector<1x1xi32> to vector<1x32xi32>
      %lt3A_794 = arith.cmpi slt, %mul3A_52, %lt3A_793 : vector<1x32xi32>
      %and3A_795 = arith.andi %ge3A_791, %lt3A_794 : vector<1x32xi1>
      %jit3A_796 = arith.constant 7 : i32
      %broadcast_in_dim3A_797 = vector.broadcast %jit3A_796 : i32 to vector<1x32xi32>
      %select_n3A_798 = arith.select %and3A_795, %broadcast_in_dim3A_797, %select_n3A_704 : vector<1x32xi1>, vector<1x32xi32>
      %gt3A_799 = arith.constant 0 : i32
      %gt3A_800 = vector.broadcast %gt3A_799 : i32 to vector<1x1xi32>
      %gt3A_801 = arith.cmpi sgt, %slice3A_776, %gt3A_800 : vector<1x1xi32>
      %jit3A_802 = arith.constant 7 : i32
      %broadcast_in_dim3A_803 = vector.broadcast %jit3A_802 : i32 to vector<1x1xi32>
      %select_n3A_804 = arith.select %gt3A_801, %broadcast_in_dim3A_803, %select_n3A_710 : vector<1x1xi1>, vector<1x1xi32>
      %add3A_805 = arith.addi %add3A_711, %shift_left3A_789 : vector<1x1xi32>
      %lt3A_806 = vector.broadcast %add3A_805 : vector<1x1xi32> to vector<1x32xi32>
      %lt3A_807 = arith.cmpi slt, %mul3A_52, %lt3A_806 : vector<1x32xi32>
      %convert_element_type3A_808 = arith.extui %lt3A_807 : vector<1x32xi1> to vector<1x32xi32>
      %gt3A_809 = arith.constant 0 : i32
      %gt3A_810 = vector.broadcast %gt3A_809 : i32 to vector<1x32xi32>
      %gt3A_811 = arith.cmpi sgt, %convert_element_type3A_808, %gt3A_810 : vector<1x32xi32>
      %broadcast_in_dim3A_812 = vector.shape_cast %select_n3A_804 : vector<1x1xi32> to vector<1x1xi32>
      %broadcast_in_dim3A_813 = vector.broadcast %broadcast_in_dim3A_812 : vector<1x1xi32> to vector<1x32xi32>
      %select_n3A_814 = arith.select %gt3A_811, %select_n3A_798, %broadcast_in_dim3A_813 : vector<1x32xi1>, vector<1x32xi32>
      %swap3A_815 = arith.constant 0 : index
      %swap3A_816 = arith.constant 0 : index
      %swap3A_817 = vector.load %arg3[%swap3A_815, %swap3A_816] : memref<1x4096xi32, #tpu.memory_space<vmem>>, vector<1x4096xi32>
      tpu.vector_store %arg3[%swap3A_815, %swap3A_816], %select_n3A_780 {strides = array<i32>} : memref<1x4096xi32, #tpu.memory_space<vmem>>, vector<1x4096xi32>,
      %concatenate3A_818 = tpu.concatenate %select_n3A_814, %convert_element_type3A_808 in 0 : vector<1x32xi32>, vector<1x32xi32> -> vector<2x32xi32>
      %swap3A_819 = arith.constant 0 : index
      %swap3A_820 = arith.constant 0 : index
      %swap3A_821 = vector.load %arg5[%swap3A_819, %swap3A_820] : memref<2x32xi32, #tpu.memory_space<vmem>>, vector<2x32xi32>
      tpu.vector_store %arg5[%swap3A_819, %swap3A_820], %concatenate3A_818 {strides = array<i32>} : memref<2x32xi32, #tpu.memory_space<vmem>>, vector<2x32xi32>,
    } else {
    }
    return
  }
  func.func @transform_0(%arg0: i32) -> (i32, i32, i32) {
    %c0_i32 = arith.constant 0 : i32
    %c0_i32_0 = arith.constant 0 : i32
    %c0_i32_1 = arith.constant 0 : i32
    return %arg0, %c0_i32, %c0_i32_0 : i32, i32, i32
  }
  func.func @transform_1(%arg0: i32) -> (i32, i32) {
    %c0_i32 = arith.constant 0 : i32
    %c0_i32_0 = arith.constant 0 : i32
    %c0_i32_1 = arith.constant 0 : i32
    return %c0_i32, %c0_i32_0 : i32, i32
  }
  func.func @transform_2(%arg0: i32) -> (i32, i32) {
    %c0_i32 = arith.constant 0 : i32
    %c0_i32_0 = arith.constant 0 : i32
    %c0_i32_1 = arith.constant 0 : i32
    return %c0_i32, %c0_i32_0 : i32, i32
  }
  func.func @transform_3(%arg0: i32) -> (i32, i32) {
    %c0_i32 = arith.constant 0 : i32
    %c0_i32_0 = arith.constant 0 : i32
    %c0_i32_1 = arith.constant 0 : i32
    return %c0_i32, %c0_i32_0 : i32, i32
  }
  func.func @transform_4(%arg0: i32) -> (i32, i32) {
    %c0_i32 = arith.constant 0 : i32
    %c0_i32_0 = arith.constant 0 : i32
    %c0_i32_1 = arith.constant 0 : i32
    return %c0_i32, %c0_i32_0 : i32, i32
  }
  func.func @transform_5(%arg0: i32) -> (i32, i32) {
    %c0_i32 = arith.constant 0 : i32
    %c0_i32_0 = arith.constant 0 : i32
    return %arg0, %c0_i32 : i32, i32
  }
}

module attributes {stable_mosaic.version = 14 : i64} {
  func.func @_ffn_body(%arg0: i32, %arg1: memref<24xi32, #tpu.memory_space<smem>>, %arg2: memref<24xi32, #tpu.memory_space<smem>>, %arg3: memref<256x768xf32, #tpu.memory_space<vmem>>, %arg4: memref<1x3072x768xf32, #tpu.memory_space<vmem>>, %arg5: memref<1x1x3072xf32, #tpu.memory_space<vmem>>, %arg6: memref<1x768x1536xf32, #tpu.memory_space<vmem>>, %arg7: memref<1x1x768xf32, #tpu.memory_space<vmem>>, %arg8: memref<256x768xf32, #tpu.memory_space<vmem>>, %arg9: memref<3072x768xbf16, #tpu.memory_space<vmem>>, %arg10: memref<768x1536xbf16, #tpu.memory_space<vmem>>, %arg11: memref<1xi32, #tpu.memory_space<smem>>) attributes {dimension_semantics = [#tpu.dimension_semantics<arbitrary>], iteration_bounds = array<i64: 24>, scalar_prefetch = 2 : i64, scratch_operands = 3 : i64, tpu.core_type = #tpu.core_type<tc>, window_params = [{transform_indices = @transform_0, window_bounds = array<i64: 256, 768>}, {transform_indices = @transform_1, window_bounds = array<i64: 1, 3072, 768>}, {transform_indices = @transform_2, window_bounds = array<i64: 1, 1, 3072>}, {transform_indices = @transform_3, window_bounds = array<i64: 1, 768, 1536>}, {transform_indices = @transform_4, window_bounds = array<i64: 1, 1, 768>}, {transform_indices = @transform_5, window_bounds = array<i64: 256, 768>}]} {
    %eq3A = arith.constant 0 : i32
    %eq3A_0 = arith.cmpi eq, %arg0, %eq3A : i32
    %get3A = arith.constant 0 : index
    %get3A_1 = memref.load %arg11[%get3A] : memref<1xi32, #tpu.memory_space<smem>>
    %get3A_2 = arith.index_cast %arg0 : i32 to index
    %get3A_3 = memref.load %arg1[%get3A_2] : memref<24xi32, #tpu.memory_space<smem>>
    %ne3A = arith.cmpi ne, %get3A_1, %get3A_3 : i32
    %or3A = arith.ori %eq3A_0, %ne3A : i1
    %convert_element_type3A = arith.extui %or3A : i1 to i32
    %cond3A = arith.constant 0 : i32
    %cond3A_4 = arith.cmpi ne, %convert_element_type3A, %cond3A : i32
    scf.if %cond3A_4 {
      %get3A_12 = arith.constant 0 : index
      %get3A_13 = arith.constant 0 : index
      %get3A_14 = arith.constant 0 : index
      %get3A_15 = vector.load %arg4[%get3A_12, %get3A_13, %get3A_14] : memref<1x3072x768xf32, #tpu.memory_space<vmem>>, vector<1x3072x768xf32>
      %get3A_16 = vector.shape_cast %get3A_15 : vector<1x3072x768xf32> to vector<3072x768xf32>
      %convert_element_type3A_17 = arith.truncf %get3A_16 : vector<3072x768xf32> to vector<3072x768xbf16>
      %swap3A = arith.constant 0 : index
      %swap3A_18 = arith.constant 0 : index
      %swap3A_19 = vector.load %arg9[%swap3A, %swap3A_18] : memref<3072x768xbf16, #tpu.memory_space<vmem>>, vector<3072x768xbf16>
      tpu.vector_store %arg9[%swap3A, %swap3A_18], %convert_element_type3A_17 {strides = array<i32>} : memref<3072x768xbf16, #tpu.memory_space<vmem>>, vector<3072x768xbf16>,
      %get3A_20 = arith.constant 0 : index
      %get3A_21 = arith.constant 0 : index
      %get3A_22 = arith.constant 0 : index
      %get3A_23 = vector.load %arg6[%get3A_20, %get3A_21, %get3A_22] : memref<1x768x1536xf32, #tpu.memory_space<vmem>>, vector<1x768x1536xf32>
      %get3A_24 = vector.shape_cast %get3A_23 : vector<1x768x1536xf32> to vector<768x1536xf32>
      %convert_element_type3A_25 = arith.truncf %get3A_24 : vector<768x1536xf32> to vector<768x1536xbf16>
      %swap3A_26 = arith.constant 0 : index
      %swap3A_27 = arith.constant 0 : index
      %swap3A_28 = vector.load %arg10[%swap3A_26, %swap3A_27] : memref<768x1536xbf16, #tpu.memory_space<vmem>>, vector<768x1536xbf16>
      tpu.vector_store %arg10[%swap3A_26, %swap3A_27], %convert_element_type3A_25 {strides = array<i32>} : memref<768x1536xbf16, #tpu.memory_space<vmem>>, vector<768x1536xbf16>,
      %get3A_29 = arith.index_cast %arg0 : i32 to index
      %get3A_30 = memref.load %arg1[%get3A_29] : memref<24xi32, #tpu.memory_space<smem>>
      %swap3A_31 = arith.constant 0 : index
      %swap3A_32 = memref.load %arg11[%swap3A_31] : memref<1xi32, #tpu.memory_space<smem>>
      memref.store %get3A_30, %arg11[%swap3A_31] : memref<1xi32, #tpu.memory_space<smem>>
    } else {
    }
    %get3A_5 = arith.index_cast %arg0 : i32 to index
    %get3A_6 = memref.load %arg2[%get3A_5] : memref<24xi32, #tpu.memory_space<smem>>
    %ne3A_7 = arith.constant 0 : i32
    %ne3A_8 = arith.cmpi ne, %get3A_6, %ne3A_7 : i32
    %convert_element_type3A_9 = arith.extui %ne3A_8 : i1 to i32
    %cond3A_10 = arith.constant 0 : i32
    %cond3A_11 = arith.cmpi ne, %convert_element_type3A_9, %cond3A_10 : i32
    scf.if %cond3A_11 {
      %get3A_12 = arith.constant 0 : index
      %get3A_13 = arith.constant 0 : index
      %get3A_14 = vector.load %arg3[%get3A_12, %get3A_13] : memref<256x768xf32, #tpu.memory_space<vmem>>, vector<256x768xf32>
      %convert_element_type3A_15 = arith.truncf %get3A_14 : vector<256x768xf32> to vector<256x768xbf16>
      %get3A_16 = arith.constant 0 : index
      %get3A_17 = arith.constant 0 : index
      %get3A_18 = vector.load %arg9[%get3A_16, %get3A_17] : memref<3072x768xbf16, #tpu.memory_space<vmem>>, vector<3072x768xbf16>
      %dot_general3A = arith.constant dense<0.000000e+00> : vector<256x3072xf32>
      %dot_general3A_19 = tpu.matmul %convert_element_type3A_15, %get3A_18, %dot_general3A {dimension_numbers = #tpu.dot_dimension_numbers<[1], [1], [0], [0], [0, 0, 1, 0], [], []>, transpose_lhs_hint = false} : vector<256x768xbf16>, vector<3072x768xbf16>, vector<256x3072xf32> -> vector<256x3072xf32>
      %get3A_20 = arith.constant 0 : index
      %get3A_21 = arith.constant 0 : index
      %get3A_22 = arith.constant 0 : index
      %get3A_23 = vector.load %arg5[%get3A_20, %get3A_21, %get3A_22] : memref<1x1x3072xf32, #tpu.memory_space<vmem>>, vector<1x1x3072xf32>
      %get3A_24 = vector.shape_cast %get3A_23 : vector<1x1x3072xf32> to vector<1x3072xf32>
      %add3A = vector.broadcast %get3A_24 : vector<1x3072xf32> to vector<256x3072xf32>
      %add3A_25 = arith.addf %dot_general3A_19, %add3A : vector<256x3072xf32>
      %slice3A = vector.extract_strided_slice %add3A_25 {offsets = [0, 0], sizes = [256, 1536], strides = [1, 1]} : vector<256x3072xf32> to vector<256x1536xf32>
      %slice3A_26 = vector.extract_strided_slice %add3A_25 {offsets = [0, 1536], sizes = [256, 1536], strides = [1, 1]} : vector<256x3072xf32> to vector<256x1536xf32>
      %logistic3A = arith.negf %slice3A_26 : vector<256x1536xf32>
      %logistic3A_27 = math.exp %logistic3A : vector<256x1536xf32>
      %logistic3A_28 = arith.constant 1.000000e+00 : f32
      %logistic3A_29 = vector.broadcast %logistic3A_28 : f32 to vector<256x1536xf32>
      %logistic3A_30 = arith.addf %logistic3A_29, %logistic3A_27 : vector<256x1536xf32>
      %logistic3A_31 = arith.divf %logistic3A_29, %logistic3A_30 : vector<256x1536xf32>
      %mul3A = arith.mulf %slice3A_26, %logistic3A_31 : vector<256x1536xf32>
      %mul3A_32 = arith.mulf %slice3A, %mul3A : vector<256x1536xf32>
      %convert_element_type3A_33 = arith.truncf %mul3A_32 : vector<256x1536xf32> to vector<256x1536xbf16>
      %get3A_34 = arith.constant 0 : index
      %get3A_35 = arith.constant 0 : index
      %get3A_36 = vector.load %arg10[%get3A_34, %get3A_35] : memref<768x1536xbf16, #tpu.memory_space<vmem>>, vector<768x1536xbf16>
      %dot_general3A_37 = arith.constant dense<0.000000e+00> : vector<256x768xf32>
      %dot_general3A_38 = tpu.matmul %convert_element_type3A_33, %get3A_36, %dot_general3A_37 {dimension_numbers = #tpu.dot_dimension_numbers<[1], [1], [0], [0], [0, 0, 1, 0], [], []>, transpose_lhs_hint = false} : vector<256x1536xbf16>, vector<768x1536xbf16>, vector<256x768xf32> -> vector<256x768xf32>
      %get3A_39 = arith.constant 0 : index
      %get3A_40 = arith.constant 0 : index
      %get3A_41 = arith.constant 0 : index
      %get3A_42 = vector.load %arg7[%get3A_39, %get3A_40, %get3A_41] : memref<1x1x768xf32, #tpu.memory_space<vmem>>, vector<1x1x768xf32>
      %get3A_43 = vector.shape_cast %get3A_42 : vector<1x1x768xf32> to vector<1x768xf32>
      %add3A_44 = vector.broadcast %get3A_43 : vector<1x768xf32> to vector<256x768xf32>
      %add3A_45 = arith.addf %dot_general3A_38, %add3A_44 : vector<256x768xf32>
      %swap3A = arith.constant 0 : index
      %swap3A_46 = arith.constant 0 : index
      %swap3A_47 = vector.load %arg8[%swap3A, %swap3A_46] : memref<256x768xf32, #tpu.memory_space<vmem>>, vector<256x768xf32>
      tpu.vector_store %arg8[%swap3A, %swap3A_46], %add3A_45 {strides = array<i32>} : memref<256x768xf32, #tpu.memory_space<vmem>>, vector<256x768xf32>,
    } else {
    }
    return
  }
  func.func @transform_0(%arg0: i32, %arg1: memref<24xi32, #tpu.memory_space<smem>>, %arg2: memref<24xi32, #tpu.memory_space<smem>>) -> (i32, i32) {
    %c0_i32 = arith.constant 0 : i32
    %c0_i32_0 = arith.constant 0 : i32
    return %arg0, %c0_i32 : i32, i32
  }
  func.func @transform_1(%arg0: i32, %arg1: memref<24xi32, #tpu.memory_space<smem>>, %arg2: memref<24xi32, #tpu.memory_space<smem>>) -> (i32, i32, i32) {
    %get3A = arith.index_cast %arg0 : i32 to index
    %get3A_0 = memref.load %arg1[%get3A] : memref<24xi32, #tpu.memory_space<smem>>
    %c0_i32 = arith.constant 0 : i32
    %c0_i32_1 = arith.constant 0 : i32
    %c0_i32_2 = arith.constant 0 : i32
    return %get3A_0, %c0_i32, %c0_i32_1 : i32, i32, i32
  }
  func.func @transform_2(%arg0: i32, %arg1: memref<24xi32, #tpu.memory_space<smem>>, %arg2: memref<24xi32, #tpu.memory_space<smem>>) -> (i32, i32, i32) {
    %get3A = arith.index_cast %arg0 : i32 to index
    %get3A_0 = memref.load %arg1[%get3A] : memref<24xi32, #tpu.memory_space<smem>>
    %c0_i32 = arith.constant 0 : i32
    %c0_i32_1 = arith.constant 0 : i32
    %c0_i32_2 = arith.constant 0 : i32
    return %get3A_0, %c0_i32, %c0_i32_1 : i32, i32, i32
  }
  func.func @transform_3(%arg0: i32, %arg1: memref<24xi32, #tpu.memory_space<smem>>, %arg2: memref<24xi32, #tpu.memory_space<smem>>) -> (i32, i32, i32) {
    %get3A = arith.index_cast %arg0 : i32 to index
    %get3A_0 = memref.load %arg1[%get3A] : memref<24xi32, #tpu.memory_space<smem>>
    %c0_i32 = arith.constant 0 : i32
    %c0_i32_1 = arith.constant 0 : i32
    %c0_i32_2 = arith.constant 0 : i32
    return %get3A_0, %c0_i32, %c0_i32_1 : i32, i32, i32
  }
  func.func @transform_4(%arg0: i32, %arg1: memref<24xi32, #tpu.memory_space<smem>>, %arg2: memref<24xi32, #tpu.memory_space<smem>>) -> (i32, i32, i32) {
    %get3A = arith.index_cast %arg0 : i32 to index
    %get3A_0 = memref.load %arg1[%get3A] : memref<24xi32, #tpu.memory_space<smem>>
    %c0_i32 = arith.constant 0 : i32
    %c0_i32_1 = arith.constant 0 : i32
    %c0_i32_2 = arith.constant 0 : i32
    return %get3A_0, %c0_i32, %c0_i32_1 : i32, i32, i32
  }
  func.func @transform_5(%arg0: i32, %arg1: memref<24xi32, #tpu.memory_space<smem>>, %arg2: memref<24xi32, #tpu.memory_space<smem>>) -> (i32, i32) {
    %c0_i32 = arith.constant 0 : i32
    %c0_i32_0 = arith.constant 0 : i32
    return %arg0, %c0_i32 : i32, i32
  }
}

module attributes {stable_mosaic.version = 14 : i64} {
  func.func @_copy_body(%arg0: i32, %arg1: memref<256x768xf32, #tpu.memory_space<vmem>>, %arg2: memref<256x1x768xf32, #tpu.memory_space<vmem>>) attributes {dimension_semantics = [#tpu.dimension_semantics<arbitrary>], iteration_bounds = array<i64: 8>, scalar_prefetch = 0 : i64, scratch_operands = 0 : i64, tpu.core_type = #tpu.core_type<tc>, window_params = [{transform_indices = @transform_0, window_bounds = array<i64: 256, 768>}, {transform_indices = @transform_1, window_bounds = array<i64: 256, 1, 768>}]} {
    %get3A = arith.constant 0 : index
    %get3A_0 = arith.constant 0 : index
    %get3A_1 = vector.load %arg1[%get3A, %get3A_0] : memref<256x768xf32, #tpu.memory_space<vmem>>, vector<256x768xf32>
    %broadcast_in_dim3A = vector.shape_cast %get3A_1 : vector<256x768xf32> to vector<256x1x768xf32>
    %swap3A = arith.constant 0 : index
    %swap3A_2 = arith.constant 0 : index
    %swap3A_3 = arith.constant 0 : index
    %swap3A_4 = vector.load %arg2[%swap3A, %swap3A_2, %swap3A_3] : memref<256x1x768xf32, #tpu.memory_space<vmem>>, vector<256x1x768xf32>
    tpu.vector_store %arg2[%swap3A, %swap3A_2, %swap3A_3], %broadcast_in_dim3A {strides = array<i32>} : memref<256x1x768xf32, #tpu.memory_space<vmem>>, vector<256x1x768xf32>,
    return
  }
  func.func @transform_0(%arg0: i32) -> (i32, i32) {
    %c0_i32 = arith.constant 0 : i32
    %c0_i32_0 = arith.constant 0 : i32
    return %arg0, %c0_i32 : i32, i32
  }
  func.func @transform_1(%arg0: i32) -> (i32, i32, i32) {
    %c0_i32 = arith.constant 0 : i32
    %c0_i32_0 = arith.constant 0 : i32
    %c0_i32_1 = arith.constant 0 : i32
    return %arg0, %c0_i32, %c0_i32_0 : i32, i32, i32
  }
}

</mosaic_0001>

<sc_bundles>
// kernel: kernel.10.cloned.1.call-start
scs
__scs_entry_jumppad:
0x0: {  	(pc) =	sbr.rel $0x88, $3  }
0x1: {  	(tag) =	ssettag $0x0;
	lr =	simm.s32 $0x1  }
0x2: {  	[smem:$0x3F9B] =	sst lr;
	_ =	strace $0xD0000000  }
0x3: {  	_ = 	snop  }
0x4: {  	_ = 	snop  }
0x5: {  	_ = 	snop  }
0x6: {  	_ = 	snop  }
0x7: {  	_ = 	snop  }
__scs_overlays_trampoline_lowered:
0x8: {  	[smem:$0x3FAA] =	sst s0  }
0x9: {  	[smem:$0x3FAB] =	sst s1  }
0xa: {  	[smem:$0x3FAC] =	sst s2  }
0xb: {  	[smem:$0x3FAD] =	sst s3  }
0xc: {  	[smem:$0x3FAE] =	sst s4  }
0xd: {  	[smem:$0x3FAF] =	sst s5  }
0xe: {  	[smem:$0x3FB0] =	sst s6  }
0xf: {  	[smem:$0x3FB1] =	sst s7  }
0x10: {  	[smem:$0x3FB2] =	sst s8  }
0x11: {  	[smem:$0x3FB3] =	sst s9;
	s0 =	simm.s32 @!p0 $0x0  }
0x12: {  	s1 =	sld [smem:$0x3F99];
	s0 =	simm.s32 @p0 $0x1  }
0x13: {  	[smem:$0x3FB4] =	sst s0;
	s0 =	simm.s32 @!p1 $0x0  }
0x14: {  	s2 =	sld [smem:$0x3F98];
	s0 =	simm.s32 @p1 $0x1  }
0x15: {  	[smem:$0x3FB5] =	sst s0;
	s0 =	simm.s32 @!p2 $0x0  }
0x16: {  	s3 =	sld [smem:$0x3FDB];
	s0 =	simm.s32 @p2 $0x1  }
0x17: {  	s4 =	simm.s32 $0x1BF5;
	[smem:$0x3FB7] =	sst s0  }
0x18: {  	s0 =	sld [smem:$0x3F9A];
	_ =	swait.ge [sflag:s4], $0x0  }
0x19: {  	s7 =	sld [smem:$0x3F9B]  }
0x1a: {  	s8 =	sadd.s32 $0xFFFFE003, lr  }
0x1b: {  	s9 =	sadd.s32 $0xFFFFFEF7, lr;
	s5 =	simm.s32 $0xFFFFFFFF;
	p2 =	slt.u32 s8, $0xFFFFF086  }
0x1c: {  	p1 =	slt.u32 s9, $0xF7A;
	s5 =	simm.s32 @!p2 $0x0  }
0x1d: {  	s5 =	simm.s32 @p1 $0x1;
	p0 =	seq.s32 s7, s2  }
0x1e: {  	s7 =	smul.u32 @!p0 $0xF7A, s2;
	p2 =	seq.s32 @!p0 s5, $0x0  }
0x1f: {  	s9 =	smul.u32 $0xF7A, s1;
	s8 =	simm.s32 @!p0 $0x1BF5;
	p2 =	por !p2, p0  }
0x20: {  	[sflag:s8] =	ssyncset.s32 @!p0 $0xFFFFF086;
	s6 =	sadd.s32 @!p0 s3, s7;
	s7 =	simm.s32 @!p0 $0x108  }
0x21: {  	s3 =	sadd.s32 s3, s9;
	s6 =	sadd.s32 @!p0 $0x88, s6;
	s7 =	simm.s32 @p2 $0x1082  }
0x22: {  	[simem:s7], [sflag:s8] =	dma.local @!p0 [hbm:s6], $0xF7A  }
0x23: {  	s9 =	sor.u32 $0xD0000000, s2;
	s6 =	simm.s32 $0x108;
	_ =	swait.ge @!p0 [sflag:s8], $0x0  }
0x24: {  	s3 =	sadd.s32 $0x88, s3;
	s6 =	simm.s32 @!p1 $0x1082;
	[sflag:s4] =	ssyncset.s32 $0xFFFFF086  }
0x25: {  	[simem:s6], [sflag:s4] =	dma.local [hbm:s3], $0xF7A  }
0x26: {  	[smem:$0x3F9B] =	sst s1;
	(tag) =	ssettag s2;
	_ =	strace s9  }
0x27: {  	s1 =	sld [smem:$0x3FAB]  }
0x28: {  	s2 =	sld [smem:$0x3FAC]  }
0x29: {  	s4 =	sld [smem:$0x3FAE]  }
0x2a: {  	p0 =	seq.s32 s5, $0x0;
	s5 =	sld [smem:$0x3FAF]  }
0x2b: {  	s6 =	sld [smem:$0x3FB0]  }
0x2c: {  	s7 =	sld [smem:$0x3FB1]  }
0x2d: {  	s3 =	simm.s32 $0x108;
	s8 =	sld [smem:$0x3FB2]  }
0x2e: {  	s3 =	simm.s32 @!p0 $0x1082;
	s9 =	sld [smem:$0x3FB3]  }
0x2f: {  	lr =	sadd.s32 s0, s3;
	s0 =	sld [smem:$0x3FAA]  }
0x30: {  	s3 =	sld [smem:$0x3FAD]  }
0x31: {  	[smem:$0x3FB6] =	sst s10  }
0x32: {  	s10 =	sld [smem:$0x3FB4];
	_ =	sdelay $0x3  }
0x33: {  	p0 =	seq.s32 s10, $0x1;
	s10 =	sld [smem:$0x3FB6];
	_ =	sdelay $0x3  }
0x34: {  	[smem:$0x3FB6] =	sst s10  }
0x35: {  	s10 =	sld [smem:$0x3FB5];
	_ =	sdelay $0x3  }
0x36: {  	p1 =	seq.s32 s10, $0x1;
	s10 =	sld [smem:$0x3FB6];
	_ =	sdelay $0x3  }
0x37: {  	[smem:$0x3FB6] =	sst s10  }
0x38: {  	s10 =	sld [smem:$0x3FB7]  }
0x39: {  	_ = 	snop;
	(pc) =	sbr.ind lr, $3  }
0x3a: {  	_ = 	snop  }
0x3b: {  	_ = 	snop  }
0x3c: {  	p2 =	seq.s32 s10, $0x1;
	s10 =	sld [smem:$0x3FB6]  }
0x3d: {  	_ =	shalt  }
0x3e: {  	_ =	shalt  }
0x3f: {  	_ =	shalt  }
0x40: {  	_ =	shalt  }
0x41: {  	_ =	shalt  }
0x42: {  	_ =	shalt  }
0x43: {  	_ =	shalt  }
0x44: {  	_ =	shalt  }
0x45: {  	_ =	shalt  }
0x46: {  	_ =	shalt  }
0x47: {  	_ =	shalt  }
0x48: {  	_ =	shalt  }
0x49: {  	_ =	shalt  }
0x4a: {  	_ =	shalt  }
0x4b: {  	_ =	shalt  }
0x4c: {  	_ =	shalt  }
0x4d: {  	_ =	shalt  }
0x4e: {  	_ =	shalt  }
0x4f: {  	_ =	shalt  }
0x50: {  	_ =	shalt  }
0x51: {  	_ =	shalt  }
0x52: {  	_ =	shalt  }
0x53: {  	_ =	shalt  }
0x54: {  	_ =	shalt  }
0x55: {  	_ =	shalt  }
0x56: {  	_ =	shalt  }
0x57: {  	_ =	shalt  }
0x58: {  	_ =	shalt  }
0x59: {  	_ =	shalt  }
0x5a: {  	_ =	shalt  }
0x5b: {  	_ =	shalt  }
0x5c: {  	_ =	shalt  }
0x5d: {  	_ =	shalt  }
0x5e: {  	_ =	shalt  }
0x5f: {  	_ =	shalt  }
0x60: {  	_ =	shalt  }
0x61: {  	_ =	shalt  }
0x62: {  	_ =	shalt  }
0x63: {  	_ =	shalt  }
0x64: {  	_ =	shalt  }
0x65: {  	_ =	shalt  }
0x66: {  	_ =	shalt  }
0x67: {  	_ =	shalt  }
0x68: {  	_ =	shalt  }
0x69: {  	_ =	shalt  }
0x6a: {  	_ =	shalt  }
0x6b: {  	_ =	shalt  }
0x6c: {  	_ =	shalt  }
0x6d: {  	_ =	shalt  }
0x6e: {  	_ =	shalt  }
0x6f: {  	_ =	shalt  }
0x70: {  	_ =	shalt  }
0x71: {  	_ =	shalt  }
0x72: {  	_ =	shalt  }
0x73: {  	_ =	shalt  }
0x74: {  	_ =	shalt  }
0x75: {  	_ =	shalt  }
0x76: {  	_ =	shalt  }
0x77: {  	_ =	shalt  }
0x78: {  	_ =	shalt  }
0x79: {  	_ =	shalt  }
0x7a: {  	_ =	shalt  }
0x7b: {  	_ =	shalt  }
0x7c: {  	_ =	shalt  }
0x7d: {  	_ =	shalt  }
0x7e: {  	_ =	shalt  }
0x7f: {  	_ =	shalt  }
0x80: {  	_ =	shalt  }
0x81: {  	_ =	shalt  }
0x82: {  	_ =	shalt  }
0x83: {  	_ =	shalt  }
0x84: {  	_ =	shalt  }
0x85: {  	_ =	shalt  }
0x86: {  	_ =	shalt  }
0x87: {  	_ =	shalt  }
.Lfunc_end0:
.L_simem_size_0:
called_computation.1_lowered:
.L_overlay_start_0:
0x88: {  	s2 =	sld [smem:$0x3FD9]  }
0x89: {  	s3 =	sld [smem:$0x3FFE];
	_ =	sdelay $0x1  }
0x8a: {  	s1 =	srdreg.scid  }
0x8b: {  	s0 =	sand.u32 $0x1, s1  }
0x8c: {  	s17 =	sshll.u32 s0, $0xA;
	s2 =	sadd.s32 s3, s2  }
0x8d: {  	s2 =	sadd.s32 s2, s17  }
0x8e: {  	[smem:$0x3FC2] =	sst s2  }
0x8f: {  	_ = 	snop  }
0x90: {  	s2 =	sld [smem:$0x3FD0];
	(tm) =	ssettm $0x1  }
0x91: {  	s18 =	sld [smem:$0x3FFB];
	_ =	sdelay $0x3  }
0x92: {  	_ =	strace s18  }
0x93: {  	s3 =	sld [smem:$0x3FFC];
	_ =	sdelay $0x3  }
0x94: {  	_ =	strace s3  }
0x95: {  	s3 =	sld [smem:$0x3FFD];
	_ =	sdelay $0x3  }
0x96: {  	_ =	strace s3  }
0x97: {  	_ =	strace $0x8FFFFFFF  }
0x98: {  	s19 =	sld [smem:$0x3FDB];
	_ =	sdelay $0x1  }
0x99: {  	s4 =	simm.s32 $_scs_section_size  }
0x9a: {  	s5 =	simm.s32 $_size__tile_overlayer_lowered;
	s6 =	simm.s32 $_tile_overlayer_lowered  }
0x9b: {  	s22 =	simm.s32 $0x1BFF;
	s21 =	sshll.u32 s6, $0x1;
	s3 =	sadd.s32 s4, s19  }
0x9c: {  	s7 =	simm.s32 $0x0;
	s20 =	sshll.u32 s5, $0x1;
	s5 =	sadd.s32 s21, s3  }
0x9d: {  	[timem:s7], [sflag:s22] =	dma.local [hbm:s5], s20  }
0x9e: {  	_ =	swait.ge [sflag:s22], s20  }
0x9f: {  	s4 =	ssub.s32 $0x0, s20;
	[sflag:s22] =	ssyncset.done $0x0  }
0xa0: {  	[sflag:s22] =	ssyncadd.s32 s4;
	_ =	sdelay $0x1  }
0xa1: {  	s23 =	simm.s32 $0x1B8B  }
0xa2: {  	_ =	swait.ge [sflag:s23], $0x1  }
0xa3: {  	[sflag:s23] =	ssyncset.done $0x0  }
0xa4: {  	s25 =	simm.s32 $0x1B8E;
	s24 =	sld [smem:$0x3FFE];
	[sflag:s23] =	ssyncadd.s32 $0xFFFFFFFF  }
0xa5: {  	s26 =	simm.s32 $execute0_lowered;
	[smem:$0x3FD2] =	sst s25  }
0xa6: {  	s5 =	sshll.u32 s26, $0x1;
	_ =	strace $0x80000049;
	[dreg:$0x1] =	wrdreg $0xFFFFFFFF  }
0xa7: {  	s28 =	simm.s32 $_size_execute0_lowered;
	s3 =	sadd.s32 s3, s5;
	[dreg:$0x0] =	wrdreg $0x0  }
0xa8: {  	s5 =	sshll.u32 s28, $0x1;
	[dreg:$0x2] =	wrdreg s3  }
0xa9: {  	[dreg:$0x3] =	wrdreg s5  }
0xaa: {  	[dreg:$0x4] =	wrdreg $0xC0  }
0xab: {  	_ =	task [dreg:s7], $0x5FFFF  }
0xac: {  	[dreg:$0x1] =	wrdreg $0xFFFFFFFF  }
0xad: {  	[dreg:$0x0] =	wrdreg $0x60  }
0xae: {  	[dreg:$0x2] =	wrdreg s24  }
0xaf: {  	[dreg:$0x3] =	wrdreg s2  }
0xb0: {  	[dreg:$0x4] =	wrdreg $0x9  }
0xb1: {  	_ =	task.clear_ibuf [dreg:s7], $0x5FFFF;
	_ =	strace $0x90000049  }
0xb2: {  	s29 =	simm.s32 $0x9;
	_ =	strace $0x8000004B  }
0xb3: {  	_ =	swait.ge [sflag:s29], $0x1  }
0xb4: {  	[sflag:s29] =	ssyncadd.s32 $0xFFFFFFFF  }
0xb5: {  	_ =	strace $0x9000004B  }
0xb6: {  	_ =	sfence  }
0xb7: {  	s30 =	sld [smem:$0x0];
	_ =	sdelay $0x2  }
0xb8: {  	s31 =	sshll.u32 s1, $0xD;
	s1 =	sshrl.u32 s1, $0x2  }
0xb9: {  	s3 =	sand.u32 $0x4000, s31;
	s1 =	sadd.s32 s1, s30  }
0xba: {  	s0 =	sor.u32 s3, s0;
	s1 =	sshll.u32 s1, $0x11  }
0xbb: {  	s0 =	sor.u32 s1, s0  }
0xbc: {  	s0 =	sadd.s32 $0x8F2B, s0  }
0xbd: {  	[sflag:s0] =	ssyncadd.remote.s32 $0x1  }
0xbe: {  	_ =	sfence.sel $0xFFFF  }
0xbf: {  	[dreg:$0x0] =	wrdreg $0xFFFFFFFF;
	(pc) =	sbr.abs _section_cstart, $3  }
0xc0: {  	[dreg:$0x1] =	wrdreg $0xFFFFFFFF  }
0xc1: {  	_ =	task.clear_ibuf [dreg:s7], $0x2FFFF;
	_ =	strace $0x9FFFFFFF  }
0xc2: {  	(tm) =	ssettm $0x7FFFFFFF  }
0xc3: {  	_ =	shalt  }
tec
execute0_lowered:
.L_overlay_start_1:
0x0: {  	(tag) =	ssettag $0x1  }
0x1: {  	s0 =	rddreg [dreg:$0x0]  }
0x2: {  	s2 =	rddreg [dreg:$0x1];
	s1 =	simm.s32 $0x0  }
0x3: {  	s4 =	srdreg.scid;
	s6 =	stileid.u32;
	s14 =	simm.s32 $0x4100  }
0x4: {  	s15 =	simm.s32 $0x17900;
	s16 =	simm.s32 $0x18100;
	s17 =	simm.s32 $0x18900  }
0x5: {  	s18 =	simm.s32 $0x19100;
	s19 =	simm.s32 $0x19900;
	s20 =	simm.s32 $0x1A100  }
0x6: {  	s21 =	simm.s32 $0x1A900;
	s22 =	simm.s32 $0x1B100;
	s23 =	simm.s32 $0x1B900  }
0x7: {  	s24 =	simm.s32 $0x1;
	s25 =	simm.s32 $0x2;
	s26 =	simm.s32 $0x0  }
0x8: {  	[smem:$0x7FF] =	sst s1;
	s3 =	sadd.s32 $0x93400, s0;
	s4 =	sand.u32 $0x1, s4  }
0x9: {  	s5 =	sadd.s32 $0x1C00, s0;
	s6 =	sshll.u32 s6, $0x7;
	s7 =	sshll.u32 s4, $0x6  }
0xa: {  	s8 =	sadd.s32 $0x2000, s0;
	s4 =	ssub.s32 $0x2, s4;
	s6 =	sor.u32 s7, s6  }
0xb: {  	_ =	strace $0x8000004A;
	s30 =	sshrl.u32 s4, $0x1;
	s9 =	sshrl.u32 s6, $0x3  }
0xc: {  	s10 =	sor.u32 $0x800, s6;
	s11 =	ssub.s32 s4, s30;
	s6 =	sshll.u32 s6, $0x4  }
0xd: {  	s4 =	sadd.s32 s5, s9;
	s31 =	sshrl.u32 s10, $0x3;
	s10 =	sshll.u32 s10, $0x4  }
0xe: {  	v2 =	vlaneseq.u32;
	s12 =	smul.u32 $0x300, s9;
	s6 =	sadd.s32 s8, s6;
	s9 =	sadd.s32 $0x93600, s0  }
0xf: {  	vm0 =	vmmov $0xffff;
	v1 =	vshrl.u32 v2, $0x3;
	s11 =	smax.u32 s11, $0x1;
	s5 =	sadd.s32 s5, s31;
	s7 =	sadd.s32 s8, s10  }
0x10: {  	v0 =	vand.u32 $0x7, v2;
	v2 =	vor.u32 $0x8, v2;
	v1 =	vmul.u32 $0x8, v1;
	s8 =	sadd.s32 $0x93500, s0;
	s10 =	sadd.s32 s2, s12;
	s12 =	simm.s32 $0x3  }
.LBB2_1:
0x11: {  	[tilespmem:s1], [sflag:$0x3] =	stream.linear.gather [hbm4b:s4+s1], $0x40, $0x38;
	[tilespmem:$0x1C100] =	vst v63  }
0x12: {  	_ =	swait.ge [sflag:s12], $0x40  }
0x13: {  	[sflag:s12] =	ssyncset.done $0x0  }
0x14: {  	s0 =	simm.s32 $0x80;
	[sflag:s12] =	ssyncadd.s32 $0xFFFFFFC0  }
0x15: {  	[tilespmem:s0], [sflag:$0x3] =	stream.linear.gather [hbm4b:s5+s1], $0x40, $0x38;
	[tilespmem:$0x1C100] =	vst v63  }
0x16: {  	_ =	swait.ge [sflag:s12], $0x40  }
0x17: {  	[sflag:s12] =	ssyncset.done $0x0  }
0x18: {  	s28 =	simm.s32 $0x100;
	[sflag:s12] =	ssyncadd.s32 $0xFFFFFFC0  }
0x19: {  	[tilespmem:s28], [sflag:$0x3] =	stream.linear.gather [hbm4b:s6+s1], $0x2000, $0x38;
	[tilespmem:$0x1C100] =	vst v63  }
0x1a: {  	_ =	swait.ge [sflag:s12], $0x2000  }
0x1b: {  	[sflag:s12] =	ssyncset.done $0x0  }
0x1c: {  	s29 =	simm.s32 $0x2100;
	[sflag:s12] =	ssyncadd.s32 $0xFFFFE000  }
0x1d: {  	[tilespmem:s29], [sflag:$0x3] =	stream.linear.gather [hbm4b:s7+s1], $0x2000, $0x38;
	[tilespmem:$0x1C100] =	vst v63  }
0x1e: {  	_ =	swait.ge [sflag:s12], $0x2000  }
0x1f: {  	[sflag:s12] =	ssyncset.done $0x0  }
0x20: {  	[sflag:s12] =	ssyncadd.s32 $0xFFFFE000  }
0x21: {  	v3 =	vld [tilespmem:$0x0];
	_ =	sdelay $0x4  }
0x22: {  	v4 =	vshrl.u32 v3, $0x3  }
0x23: {  	v4 =	vmul.u32 $0x30, v4  }
0x24: {  	v3 =	vand.u32 $0x7, v3  }
0x25: {  	v3 =	vor.u32 v3, v4  }
0x26: {  	v4 =	vperm.xlane v3, v0;
	_ =	sdelay $0x1  }
0x27: {  	v4 =	vadd.s32 v1, v4;
	_ =	sdelay $0x3  }
0x28: {  	v3 =	vperm.xlane v3, v2  }
0x29: {  	[tilespmem:s14], [sflag:$0x1] =	stream.indirect_vreg.gather [hbm4b:s3+s1], $0x80, v4, vm0, $0xb8;
	[tilespmem:$0x1C100] =	vst v63  }
0x2a: {  	s13 =	simm.s32 $0x4900;
	v3 =	vadd.s32 v1, v3  }
0x2b: {  	[tilespmem:s13], [sflag:$0x1] =	stream.indirect_vreg.gather [hbm4b:s8+s1], $0x80, v4, vm0, $0xb8;
	[tilespmem:$0x1C100] =	vst v63  }
0x2c: {  	s2 =	simm.s32 $0x5100  }
0x2d: {  	[tilespmem:s2], [sflag:$0x1] =	stream.indirect_vreg.gather [hbm4b:s9+s1], $0x80, v4, vm0, $0xb8;
	[tilespmem:$0x1C100] =	vst v63  }
0x2e: {  	s13 =	simm.s32 $0x5900  }
0x2f: {  	[tilespmem:s13], [sflag:$0x1] =	stream.indirect_vreg.gather [hbm4b:s3+s1], $0x80, v3, vm0, $0xb8;
	[tilespmem:$0x1C100] =	vst v63  }
0x30: {  	s2 =	simm.s32 $0x6100  }
0x31: {  	[tilespmem:s2], [sflag:$0x1] =	stream.indirect_vreg.gather [hbm4b:s8+s1], $0x80, v3, vm0, $0xb8;
	[tilespmem:$0x1C100] =	vst v63  }
0x32: {  	s13 =	simm.s32 $0x6900  }
0x33: {  	[tilespmem:s13], [sflag:$0x1] =	stream.indirect_vreg.gather [hbm4b:s9+s1], $0x80, v3, vm0, $0xb8;
	[tilespmem:$0x1C100] =	vst v63  }
0x34: {  	v3 =	vld [tilespmem:$0x10];
	_ =	sdelay $0x4  }
0x35: {  	v4 =	vshrl.u32 v3, $0x3  }
0x36: {  	v4 =	vmul.u32 $0x30, v4  }
0x37: {  	v3 =	vand.u32 $0x7, v3  }
0x38: {  	v3 =	vor.u32 v3, v4  }
0x39: {  	v4 =	vperm.xlane v3, v0;
	_ =	sdelay $0x1  }
0x3a: {  	v4 =	vadd.s32 v1, v4;
	_ =	sdelay $0x3  }
0x3b: {  	s2 =	simm.s32 $0x7100;
	v3 =	vperm.xlane v3, v2  }
0x3c: {  	[tilespmem:s2], [sflag:$0x1] =	stream.indirect_vreg.gather [hbm4b:s3+s1], $0x80, v4, vm0, $0xb8;
	[tilespmem:$0x1C100] =	vst v63  }
0x3d: {  	s13 =	simm.s32 $0x7900;
	v3 =	vadd.s32 v1, v3  }
0x3e: {  	[tilespmem:s13], [sflag:$0x1] =	stream.indirect_vreg.gather [hbm4b:s8+s1], $0x80, v4, vm0, $0xb8;
	[tilespmem:$0x1C100] =	vst v63  }
0x3f: {  	s2 =	simm.s32 $0x8100  }
0x40: {  	[tilespmem:s2], [sflag:$0x1] =	stream.indirect_vreg.gather [hbm4b:s9+s1], $0x80, v4, vm0, $0xb8;
	[tilespmem:$0x1C100] =	vst v63  }
0x41: {  	s13 =	simm.s32 $0x8900  }
0x42: {  	[tilespmem:s13], [sflag:$0x1] =	stream.indirect_vreg.gather [hbm4b:s3+s1], $0x80, v3, vm0, $0xb8;
	[tilespmem:$0x1C100] =	vst v63  }
0x43: {  	s2 =	simm.s32 $0x9100  }
0x44: {  	[tilespmem:s2], [sflag:$0x1] =	stream.indirect_vreg.gather [hbm4b:s8+s1], $0x80, v3, vm0, $0xb8;
	[tilespmem:$0x1C100] =	vst v63  }
0x45: {  	s13 =	simm.s32 $0x9900  }
0x46: {  	[tilespmem:s13], [sflag:$0x1] =	stream.indirect_vreg.gather [hbm4b:s9+s1], $0x80, v3, vm0, $0xb8;
	[tilespmem:$0x1C100] =	vst v63  }
0x47: {  	v3 =	vld [tilespmem:$0x20];
	_ =	sdelay $0x4  }
0x48: {  	v4 =	vshrl.u32 v3, $0x3  }
0x49: {  	v4 =	vmul.u32 $0x30, v4  }
0x4a: {  	v3 =	vand.u32 $0x7, v3  }
0x4b: {  	v3 =	vor.u32 v3, v4  }
0x4c: {  	v4 =	vperm.xlane v3, v0;
	_ =	sdelay $0x1  }
0x4d: {  	v4 =	vadd.s32 v1, v4;
	_ =	sdelay $0x3  }
0x4e: {  	s2 =	simm.s32 $0xA100;
	v3 =	vperm.xlane v3, v2  }
0x4f: {  	[tilespmem:s2], [sflag:$0x1] =	stream.indirect_vreg.gather [hbm4b:s3+s1], $0x80, v4, vm0, $0xb8;
	[tilespmem:$0x1C100] =	vst v63  }
0x50: {  	s13 =	simm.s32 $0xA900;
	v3 =	vadd.s32 v1, v3  }
0x51: {  	[tilespmem:s13], [sflag:$0x1] =	stream.indirect_vreg.gather [hbm4b:s8+s1], $0x80, v4, vm0, $0xb8;
	[tilespmem:$0x1C100] =	vst v63  }
0x52: {  	s2 =	simm.s32 $0xB100  }
0x53: {  	[tilespmem:s2], [sflag:$0x1] =	stream.indirect_vreg.gather [hbm4b:s9+s1], $0x80, v4, vm0, $0xb8;
	[tilespmem:$0x1C100] =	vst v63  }
0x54: {  	s13 =	simm.s32 $0xB900  }
0x55: {  	[tilespmem:s13], [sflag:$0x1] =	stream.indirect_vreg.gather [hbm4b:s3+s1], $0x80, v3, vm0, $0xb8;
	[tilespmem:$0x1C100] =	vst v63  }
0x56: {  	s2 =	simm.s32 $0xC100  }
0x57: {  	[tilespmem:s2], [sflag:$0x1] =	stream.indirect_vreg.gather [hbm4b:s8+s1], $0x80, v3, vm0, $0xb8;
	[tilespmem:$0x1C100] =	vst v63  }
0x58: {  	s13 =	simm.s32 $0xC900  }
0x59: {  	[tilespmem:s13], [sflag:$0x1] =	stream.indirect_vreg.gather [hbm4b:s9+s1], $0x80, v3, vm0, $0xb8;
	[tilespmem:$0x1C100] =	vst v63  }
0x5a: {  	v3 =	vld [tilespmem:$0x30];
	_ =	sdelay $0x4  }
0x5b: {  	v4 =	vshrl.u32 v3, $0x3  }
0x5c: {  	v4 =	vmul.u32 $0x30, v4  }
0x5d: {  	v3 =	vand.u32 $0x7, v3  }
0x5e: {  	v3 =	vor.u32 v3, v4  }
0x5f: {  	v4 =	vperm.xlane v3, v0;
	_ =	sdelay $0x1  }
0x60: {  	v4 =	vadd.s32 v1, v4;
	_ =	sdelay $0x3  }
0x61: {  	s2 =	simm.s32 $0xD100;
	v3 =	vperm.xlane v3, v2  }
0x62: {  	[tilespmem:s2], [sflag:$0x1] =	stream.indirect_vreg.gather [hbm4b:s3+s1], $0x80, v4, vm0, $0xb8;
	[tilespmem:$0x1C100] =	vst v63  }
0x63: {  	s13 =	simm.s32 $0xD900;
	v3 =	vadd.s32 v1, v3  }
0x64: {  	[tilespmem:s13], [sflag:$0x1] =	stream.indirect_vreg.gather [hbm4b:s8+s1], $0x80, v4, vm0, $0xb8;
	[tilespmem:$0x1C100] =	vst v63  }
0x65: {  	s2 =	simm.s32 $0xE100  }
0x66: {  	[tilespmem:s2], [sflag:$0x1] =	stream.indirect_vreg.gather [hbm4b:s9+s1], $0x80, v4, vm0, $0xb8;
	[tilespmem:$0x1C100] =	vst v63  }
0x67: {  	s13 =	simm.s32 $0xE900  }
0x68: {  	[tilespmem:s13], [sflag:$0x1] =	stream.indirect_vreg.gather [hbm4b:s3+s1], $0x80, v3, vm0, $0xb8;
	[tilespmem:$0x1C100] =	vst v63  }
0x69: {  	s2 =	simm.s32 $0xF100  }
0x6a: {  	[tilespmem:s2], [sflag:$0x1] =	stream.indirect_vreg.gather [hbm4b:s8+s1], $0x80, v3, vm0, $0xb8;
	[tilespmem:$0x1C100] =	vst v63  }
0x6b: {  	s13 =	simm.s32 $0xF900  }
0x6c: {  	[tilespmem:s13], [sflag:$0x1] =	stream.indirect_vreg.gather [hbm4b:s9+s1], $0x80, v3, vm0, $0xb8;
	[tilespmem:$0x1C100] =	vst v63  }
0x6d: {  	v3 =	vld [tilespmem:$0x80];
	_ =	sdelay $0x4  }
0x6e: {  	v4 =	vshrl.u32 v3, $0x3  }
0x6f: {  	v4 =	vmul.u32 $0x30, v4  }
0x70: {  	v3 =	vand.u32 $0x7, v3  }
0x71: {  	v3 =	vor.u32 v3, v4  }
0x72: {  	v4 =	vperm.xlane v3, v0;
	_ =	sdelay $0x1  }
0x73: {  	v4 =	vadd.s32 v1, v4;
	_ =	sdelay $0x3  }
0x74: {  	s2 =	simm.s32 $0x10100;
	v3 =	vperm.xlane v3, v2  }
0x75: {  	[tilespmem:s2], [sflag:$0x2] =	stream.indirect_vreg.gather [hbm4b:s3+s1], $0x80, v4, vm0, $0xb8;
	[tilespmem:$0x1C100] =	vst v63  }
0x76: {  	s13 =	simm.s32 $0x10900;
	v3 =	vadd.s32 v1, v3  }
0x77: {  	[tilespmem:s13], [sflag:$0x2] =	stream.indirect_vreg.gather [hbm4b:s8+s1], $0x80, v4, vm0, $0xb8;
	[tilespmem:$0x1C100] =	vst v63  }
0x78: {  	s2 =	simm.s32 $0x11100  }
0x79: {  	[tilespmem:s2], [sflag:$0x2] =	stream.indirect_vreg.gather [hbm4b:s9+s1], $0x80, v4, vm0, $0xb8;
	[tilespmem:$0x1C100] =	vst v63  }
0x7a: {  	s13 =	simm.s32 $0x11900  }
0x7b: {  	[tilespmem:s13], [sflag:$0x2] =	stream.indirect_vreg.gather [hbm4b:s3+s1], $0x80, v3, vm0, $0xb8;
	[tilespmem:$0x1C100] =	vst v63  }
0x7c: {  	s2 =	simm.s32 $0x12100  }
0x7d: {  	[tilespmem:s2], [sflag:$0x2] =	stream.indirect_vreg.gather [hbm4b:s8+s1], $0x80, v3, vm0, $0xb8;
	[tilespmem:$0x1C100] =	vst v63  }
0x7e: {  	s13 =	simm.s32 $0x12900  }
0x7f: {  	[tilespmem:s13], [sflag:$0x2] =	stream.indirect_vreg.gather [hbm4b:s9+s1], $0x80, v3, vm0, $0xb8;
	[tilespmem:$0x1C100] =	vst v63  }
0x80: {  	v3 =	vld [tilespmem:$0x90];
	_ =	sdelay $0x4  }
0x81: {  	v4 =	vshrl.u32 v3, $0x3  }
0x82: {  	v4 =	vmul.u32 $0x30, v4  }
0x83: {  	v3 =	vand.u32 $0x7, v3  }
0x84: {  	v3 =	vor.u32 v3, v4  }
0x85: {  	v4 =	vperm.xlane v3, v0;
	_ =	sdelay $0x1  }
0x86: {  	v4 =	vadd.s32 v1, v4;
	_ =	sdelay $0x3  }
0x87: {  	s2 =	simm.s32 $0x13100;
	v3 =	vperm.xlane v3, v2  }
0x88: {  	[tilespmem:s2], [sflag:$0x2] =	stream.indirect_vreg.gather [hbm4b:s3+s1], $0x80, v4, vm0, $0xb8;
	[tilespmem:$0x1C100] =	vst v63  }
0x89: {  	s13 =	simm.s32 $0x13900;
	v3 =	vadd.s32 v1, v3  }
0x8a: {  	[tilespmem:s13], [sflag:$0x2] =	stream.indirect_vreg.gather [hbm4b:s8+s1], $0x80, v4, vm0, $0xb8;
	[tilespmem:$0x1C100] =	vst v63  }
0x8b: {  	s2 =	simm.s32 $0x14100  }
0x8c: {  	[tilespmem:s2], [sflag:$0x2] =	stream.indirect_vreg.gather [hbm4b:s9+s1], $0x80, v4, vm0, $0xb8;
	[tilespmem:$0x1C100] =	vst v63  }
0x8d: {  	s13 =	simm.s32 $0x14900  }
0x8e: {  	[tilespmem:s13], [sflag:$0x2] =	stream.indirect_vreg.gather [hbm4b:s3+s1], $0x80, v3, vm0, $0xb8;
	[tilespmem:$0x1C100] =	vst v63  }
0x8f: {  	s2 =	simm.s32 $0x15100  }
0x90: {  	[tilespmem:s2], [sflag:$0x2] =	stream.indirect_vreg.gather [hbm4b:s8+s1], $0x80, v3, vm0, $0xb8;
	[tilespmem:$0x1C100] =	vst v63  }
0x91: {  	s13 =	simm.s32 $0x15900  }
0x92: {  	[tilespmem:s13], [sflag:$0x2] =	stream.indirect_vreg.gather [hbm4b:s9+s1], $0x80, v3, vm0, $0xb8;
	[tilespmem:$0x1C100] =	vst v63  }
0x93: {  	v3 =	vld [tilespmem:$0xA0];
	_ =	sdelay $0x4  }
0x94: {  	v4 =	vshrl.u32 v3, $0x3  }
0x95: {  	v4 =	vmul.u32 $0x30, v4  }
0x96: {  	v3 =	vand.u32 $0x7, v3  }
0x97: {  	v3 =	vor.u32 v3, v4  }
0x98: {  	v4 =	vperm.xlane v3, v0;
	_ =	sdelay $0x1  }
0x99: {  	v4 =	vadd.s32 v1, v4;
	_ =	sdelay $0x3  }
0x9a: {  	s2 =	simm.s32 $0x16100;
	v3 =	vperm.xlane v3, v2  }
0x9b: {  	[tilespmem:s2], [sflag:$0x2] =	stream.indirect_vreg.gather [hbm4b:s3+s1], $0x80, v4, vm0, $0xb8;
	[tilespmem:$0x1C100] =	vst v63  }
0x9c: {  	s13 =	simm.s32 $0x16900;
	v3 =	vadd.s32 v1, v3  }
0x9d: {  	[tilespmem:s13], [sflag:$0x2] =	stream.indirect_vreg.gather [hbm4b:s8+s1], $0x80, v4, vm0, $0xb8;
	[tilespmem:$0x1C100] =	vst v63  }
0x9e: {  	s2 =	simm.s32 $0x17100  }
0x9f: {  	[tilespmem:s2], [sflag:$0x2] =	stream.indirect_vreg.gather [hbm4b:s9+s1], $0x80, v4, vm0, $0xb8;
	[tilespmem:$0x1C100] =	vst v63  }
0xa0: {  	_ = 	snop  }
0xa1: {  	[tilespmem:s15], [sflag:$0x2] =	stream.indirect_vreg.gather [hbm4b:s3+s1], $0x80, v3, vm0, $0xb8;
	[tilespmem:$0x1C100] =	vst v63  }
0xa2: {  	_ = 	snop  }
0xa3: {  	[tilespmem:s16], [sflag:$0x2] =	stream.indirect_vreg.gather [hbm4b:s8+s1], $0x80, v3, vm0, $0xb8;
	[tilespmem:$0x1C100] =	vst v63  }
0xa4: {  	_ = 	snop  }
0xa5: {  	[tilespmem:s17], [sflag:$0x2] =	stream.indirect_vreg.gather [hbm4b:s9+s1], $0x80, v3, vm0, $0xb8;
	[tilespmem:$0x1C100] =	vst v63  }
0xa6: {  	v3 =	vld [tilespmem:$0xB0];
	_ =	sdelay $0x4  }
0xa7: {  	v4 =	vshrl.u32 v3, $0x3  }
0xa8: {  	v4 =	vmul.u32 $0x30, v4  }
0xa9: {  	v3 =	vand.u32 $0x7, v3  }
0xaa: {  	v3 =	vor.u32 v3, v4  }
0xab: {  	v4 =	vperm.xlane v3, v0;
	_ =	sdelay $0x1  }
0xac: {  	v4 =	vadd.s32 v1, v4;
	_ =	sdelay $0x3  }
0xad: {  	v3 =	vperm.xlane v3, v2  }
0xae: {  	[tilespmem:s18], [sflag:$0x2] =	stream.indirect_vreg.gather [hbm4b:s3+s1], $0x80, v4, vm0, $0xb8;
	[tilespmem:$0x1C100] =	vst v63  }
0xaf: {  	v3 =	vadd.s32 v1, v3  }
0xb0: {  	[tilespmem:s19], [sflag:$0x2] =	stream.indirect_vreg.gather [hbm4b:s8+s1], $0x80, v4, vm0, $0xb8;
	[tilespmem:$0x1C100] =	vst v63  }
0xb1: {  	_ = 	snop  }
0xb2: {  	[tilespmem:s20], [sflag:$0x2] =	stream.indirect_vreg.gather [hbm4b:s9+s1], $0x80, v4, vm0, $0xb8;
	[tilespmem:$0x1C100] =	vst v63  }
0xb3: {  	_ = 	snop  }
0xb4: {  	[tilespmem:s21], [sflag:$0x2] =	stream.indirect_vreg.gather [hbm4b:s3+s1], $0x80, v3, vm0, $0xb8;
	[tilespmem:$0x1C100] =	vst v63  }
0xb5: {  	_ = 	snop  }
0xb6: {  	[tilespmem:s22], [sflag:$0x2] =	stream.indirect_vreg.gather [hbm4b:s8+s1], $0x80, v3, vm0, $0xb8;
	[tilespmem:$0x1C100] =	vst v63  }
0xb7: {  	_ = 	snop  }
0xb8: {  	[tilespmem:s23], [sflag:$0x2] =	stream.indirect_vreg.gather [hbm4b:s9+s1], $0x80, v3, vm0, $0xb8;
	[tilespmem:$0x1C100] =	vst v63  }
0xb9: {  	_ =	swait.ge [sflag:s24], $0xC000  }
0xba: {  	[sflag:s24] =	ssyncset.done $0x0  }
0xbb: {  	s13 =	simm.s32 $0x0;
	[sflag:s24] =	ssyncadd.s32 $0xFFFF4000  }
0xbc: {  	s0 =	smul.u32 $0x1800, s13;
	_ =	swait.ge [sflag:s25], $0xC000  }
0xbd: {  	s30 =	sand.u32 $0x380, s1;
	[sflag:s25] =	ssyncset.done $0x0  }
0xbe: {  	s0 =	sor.u32 s30, s0;
	[sflag:s25] =	ssyncadd.s32 $0xFFFF4000  }
0xbf: {  	v4 =	vld [tilespmem:s0+$0x4110]  }
0xc0: {  	v3 =	vld [tilespmem:s0+$0x10110]  }
0xc1: {  	v6 =	vld [tilespmem:s0+$0x4120]  }
0xc2: {  	v5 =	vld [tilespmem:s0+$0x10120]  }
0xc3: {  	v10 =	vld [tilespmem:s0+$0x4130]  }
0xc4: {  	v9 =	vld [tilespmem:s0+$0x10130]  }
0xc5: {  	v12 =	vld [tilespmem:s0+$0x4140]  }
0xc6: {  	v11 =	vld [tilespmem:s0+$0x10140]  }
0xc7: {  	v13 =	vld [tilespmem:s0+$0x4160]  }
0xc8: {  	v14 =	vld [tilespmem:s0+$0x4170]  }
0xc9: {  	v15 =	vld [tilespmem:s0+$0x4500]  }
0xca: {  	v16 =	vld [tilespmem:s0+$0x4510]  }
0xcb: {  	v17 =	vld [tilespmem:s0+$0x4520]  }
0xcc: {  	v18 =	vld [tilespmem:s0+$0x4530]  }
0xcd: {  	v19 =	vld [tilespmem:s0+$0x4540]  }
0xce: {  	v20 =	vld [tilespmem:s0+$0x4550]  }
0xcf: {  	v21 =	vld [tilespmem:s0+$0x4560]  }
0xd0: {  	v22 =	vld [tilespmem:s0+$0x4570]  }
0xd1: {  	v23 =	vld [tilespmem:s0+$0x4900]  }
0xd2: {  	v24 =	vld [tilespmem:s0+$0x4910]  }
0xd3: {  	v25 =	vld [tilespmem:s0+$0x4920]  }
0xd4: {  	v26 =	vld [tilespmem:s0+$0x4930]  }
0xd5: {  	v27 =	vld [tilespmem:s0+$0x4940]  }
0xd6: {  	v28 =	vld [tilespmem:s0+$0x4950]  }
0xd7: {  	v29 =	vld [tilespmem:s0+$0x4960]  }
0xd8: {  	v30 =	vld [tilespmem:s0+$0x4970]  }
0xd9: {  	v31 =	vld [tilespmem:s0+$0x4D00]  }
0xda: {  	v32 =	vld [tilespmem:s0+$0x4D10]  }
0xdb: {  	v33 =	vld [tilespmem:s0+$0x4D20]  }
0xdc: {  	v34 =	vld [tilespmem:s0+$0x4D30]  }
0xdd: {  	v35 =	vld [tilespmem:s0+$0x4D40]  }
0xde: {  	v36 =	vld [tilespmem:s0+$0x4D50]  }
0xdf: {  	v37 =	vld [tilespmem:s0+$0x4D60]  }
0xe0: {  	v38 =	vld [tilespmem:s0+$0x4D70]  }
0xe1: {  	v39 =	vld [tilespmem:s0+$0x5100]  }
0xe2: {  	v40 =	vld [tilespmem:s0+$0x5110]  }
0xe3: {  	v41 =	vld [tilespmem:s0+$0x5120]  }
0xe4: {  	v42 =	vld [tilespmem:s0+$0x5130]  }
0xe5: {  	v43 =	vld [tilespmem:s0+$0x5140]  }
0xe6: {  	v44 =	vld [tilespmem:s0+$0x5150]  }
0xe7: {  	v45 =	vld [tilespmem:s0+$0x5160]  }
0xe8: {  	v46 =	vld [tilespmem:s0+$0x5500]  }
0xe9: {  	v47 =	vld [tilespmem:s0+$0x5510]  }
0xea: {  	v48 =	vld [tilespmem:s0+$0x11510]  }
0xeb: {  	v49 =	vld [tilespmem:s0+$0x11530]  }
0xec: {  	v50 =	vld [tilespmem:s0+$0x5530]  }
0xed: {  	v51 =	vld [tilespmem:s0+$0x5520]  }
0xee: {  	v7 =	vld [tilespmem:s28+$0x0]  }
0xef: {  	v8 =	vld [tilespmem:s29+$0x0]  }
0xf0: {  	v52 =	vld [tilespmem:s0+$0x11520]  }
0xf1: {  	v53 =	vld [tilespmem:s0+$0x11500]  }
0xf2: {  	v54 =	vld [tilespmem:s0+$0x5170]  }
0xf3: {  	v55 =	vld [tilespmem:s0+$0x11170];
	v50 =	vmul.f32 v50, v7  }
0xf4: {  	v56 =	vld [tilespmem:s0+$0x11160];
	v49 =	vmul.f32 v49, v8;
	v51 =	vmul.f32 v51, v7  }
0xf5: {  	v57 =	vld [tilespmem:s0+$0x11150];
	v52 =	vmul.f32 v52, v8;
	v47 =	vmul.f32 v47, v7  }
0xf6: {  	v61 =	vld [tilespmem:s0+$0x11100];
	v48 =	vmul.f32 v48, v8;
	v46 =	vmul.f32 v46, v7  }
0xf7: {  	v58 =	vld [tilespmem:s0+$0x11140];
	v62 =	vmul.f32 v53, v8;
	v63 =	vmul.f32 v54, v7;
	v49 =	vadd.f32 v49, v50  }
0xf8: {  	v53 =	vld [tilespmem:s0+$0x11130];
	v59 =	vmul.f32 v55, v8;
	v45 =	vmul.f32 v45, v7;
	v51 =	vadd.f32 v52, v51  }
0xf9: {  	v60 =	vmul.f32 v56, v8;
	v44 =	vmul.f32 v44, v7;
	v56 =	vld [tilespmem:s0+$0x10D60];
	v47 =	vadd.f32 v48, v47;
	[tilespmem:s0+$0x5530] =	vst v49  }
0xfa: {  	v43 =	vmul.f32 v43, v7;
	v39 =	vmul.f32 v39, v7;
	v55 =	vld [tilespmem:s0+$0x10970];
	v46 =	vadd.f32 v62, v46;
	[tilespmem:s0+$0x5520] =	vst v51  }
0xfb: {  	v61 =	vmul.f32 v61, v8;
	v12 =	vmul.f32 v12, v7;
	v48 =	vld [tilespmem:s0+$0x11120];
	v52 =	vadd.f32 v59, v63;
	[tilespmem:s0+$0x5510] =	vst v47  }
0xfc: {  	v11 =	vmul.f32 v11, v8;
	v63 =	vmul.f32 v58, v8;
	v45 =	vadd.f32 v60, v45;
	v58 =	vld [tilespmem:s0+$0x10D50];
	[tilespmem:s0+$0x5500] =	vst v46  }
0xfd: {  	v42 =	vmul.f32 v42, v7;
	v62 =	vmul.f32 v57, v8;
	v59 =	vld [tilespmem:s0+$0x10D40];
	v39 =	vadd.f32 v61, v39;
	[tilespmem:s0+$0x5170] =	vst v52  }
0xfe: {  	v41 =	vmul.f32 v41, v7;
	v40 =	vmul.f32 v40, v7;
	v60 =	vld [tilespmem:s0+$0x10D30];
	v11 =	vadd.f32 v11, v12;
	[tilespmem:s0+$0x5160] =	vst v45  }
0xff: {  	v38 =	vmul.f32 v38, v7;
	v61 =	vld [tilespmem:s0+$0x10910];
	v44 =	vadd.f32 v62, v44;
	[tilespmem:s0+$0x5100] =	vst v39;
	v57 =	vmul.f32 v53, v8  }
0x100: {  	v37 =	vmul.f32 v37, v7;
	v49 =	vld [tilespmem:s0+$0x11110];
	v43 =	vadd.f32 v63, v43;
	[tilespmem:s0+$0x4140] =	vst v11;
	v46 =	vmul.f32 v56, v8  }
0x101: {  	v36 =	vmul.f32 v36, v7;
	v47 =	vld [tilespmem:s0+$0x10D70];
	[tilespmem:s0+$0x5150] =	vst v44;
	v48 =	vmul.f32 v48, v8;
	v42 =	vadd.f32 v57, v42  }
0x102: {  	v35 =	vmul.f32 v35, v7;
	v62 =	vld [tilespmem:s0+$0x10D20];
	[tilespmem:s0+$0x5140] =	vst v43;
	v54 =	vmul.f32 v58, v8;
	v37 =	vadd.f32 v46, v37  }
0x103: {  	v34 =	vmul.f32 v34, v7;
	v63 =	vld [tilespmem:s0+$0x10D10];
	v45 =	vmul.f32 v59, v8;
	v41 =	vadd.f32 v48, v41;
	[tilespmem:s0+$0x5130] =	vst v42  }
0x104: {  	v33 =	vmul.f32 v33, v7;
	v56 =	vld [tilespmem:s0+$0x10960];
	v44 =	vmul.f32 v60, v8;
	v36 =	vadd.f32 v54, v36;
	[tilespmem:s0+$0x4D60] =	vst v37  }
0x105: {  	v32 =	vmul.f32 v32, v7;
	v53 =	vld [tilespmem:s0+$0x10D00];
	v49 =	vmul.f32 v49, v8;
	v35 =	vadd.f32 v45, v35;
	[tilespmem:s0+$0x5120] =	vst v41  }
0x106: {  	v6 =	vmul.f32 v6, v7;
	v12 =	vld [tilespmem:s0+$0x5560];
	v47 =	vmul.f32 v47, v8;
	v34 =	vadd.f32 v44, v34;
	[tilespmem:s0+$0x4D50] =	vst v36  }
0x107: {  	v5 =	vmul.f32 v5, v8;
	v58 =	vld [tilespmem:s0+$0x10940];
	v43 =	vmul.f32 v62, v8;
	v40 =	vadd.f32 v49, v40;
	[tilespmem:s0+$0x4D40] =	vst v35  }
0x108: {  	v29 =	vmul.f32 v29, v7;
	v59 =	vld [tilespmem:s0+$0x10930];
	v42 =	vmul.f32 v63, v8;
	v38 =	vadd.f32 v47, v38;
	[tilespmem:s0+$0x4D30] =	vst v34  }
0x109: {  	v5 =	vadd.f32 v5, v6;
	v6 =	vld [tilespmem:s0+$0x4100];
	v39 =	vmul.f32 v56, v8;
	v33 =	vadd.f32 v43, v33;
	[tilespmem:s0+$0x5110] =	vst v40  }
0x10a: {  	v31 =	vmul.f32 v31, v7;
	v60 =	vld [tilespmem:s0+$0x10920];
	v41 =	vmul.f32 v53, v8;
	v32 =	vadd.f32 v42, v32;
	[tilespmem:s0+$0x4D70] =	vst v38  }
0x10b: {  	v24 =	vmul.f32 v24, v7;
	v57 =	vld [tilespmem:s0+$0x10950];
	v34 =	vmul.f32 v61, v8;
	v29 =	vadd.f32 v39, v29;
	[tilespmem:s0+$0x4D20] =	vst v33  }
0x10c: {  	v27 =	vmul.f32 v27, v7;
	v62 =	vld [tilespmem:s0+$0x10900];
	v37 =	vmul.f32 v58, v8;
	v31 =	vadd.f32 v41, v31;
	[tilespmem:s0+$0x4D10] =	vst v32  }
0x10d: {  	v26 =	vmul.f32 v26, v7;
	v63 =	vld [tilespmem:s0+$0x10570];
	v36 =	vmul.f32 v59, v8;
	v24 =	vadd.f32 v34, v24;
	[tilespmem:s0+$0x4960] =	vst v29  }
0x10e: {  	v30 =	vmul.f32 v30, v7;
	v40 =	vmul.f32 v55, v8;
	v27 =	vadd.f32 v37, v27;
	v29 =	vld [tilespmem:s0+$0x10540];
	[tilespmem:s0+$0x4D00] =	vst v31  }
0x10f: {  	v25 =	vmul.f32 v25, v7;
	v35 =	vmul.f32 v60, v8;
	v26 =	vadd.f32 v36, v26;
	v31 =	vld [tilespmem:s0+$0x10560];
	[tilespmem:s0+$0x4910] =	vst v24  }
0x110: {  	v28 =	vmul.f32 v28, v7;
	v38 =	vmul.f32 v57, v8;
	v30 =	vadd.f32 v40, v30;
	v24 =	vld [tilespmem:s0+$0x10170];
	[tilespmem:s0+$0x4940] =	vst v27  }
0x111: {  	v23 =	vmul.f32 v23, v7;
	v33 =	vmul.f32 v62, v8;
	v25 =	vadd.f32 v35, v25;
	v27 =	vld [tilespmem:s0+$0x10520];
	[tilespmem:s0+$0x4930] =	vst v26  }
0x112: {  	v22 =	vmul.f32 v22, v7;
	v32 =	vmul.f32 v63, v8;
	v28 =	vadd.f32 v38, v28;
	[tilespmem:s0+$0x4970] =	vst v30;
	v30 =	vld [tilespmem:s0+$0x10550]  }
0x113: {  	v19 =	vmul.f32 v19, v7;
	v23 =	vadd.f32 v33, v23;
	[tilespmem:s0+$0x4920] =	vst v25;
	v25 =	vld [tilespmem:s0+$0x10500];
	v29 =	vmul.f32 v29, v8  }
0x114: {  	v21 =	vmul.f32 v21, v7;
	v22 =	vadd.f32 v32, v22;
	[tilespmem:s0+$0x4950] =	vst v28;
	v28 =	vld [tilespmem:s0+$0x10530];
	v31 =	vmul.f32 v31, v8  }
0x115: {  	v14 =	vmul.f32 v14, v7;
	[tilespmem:s0+$0x4900] =	vst v23;
	v23 =	vld [tilespmem:s0+$0x10160];
	v24 =	vmul.f32 v24, v8;
	v19 =	vadd.f32 v29, v19  }
0x116: {  	v17 =	vmul.f32 v17, v7;
	v26 =	vld [tilespmem:s0+$0x10510];
	[tilespmem:s0+$0x4570] =	vst v22;
	v27 =	vmul.f32 v27, v8;
	v21 =	vadd.f32 v31, v21  }
0x117: {  	v20 =	vmul.f32 v20, v7;
	v22 =	vld [tilespmem:s0+$0x4150];
	v30 =	vmul.f32 v30, v8;
	v14 =	vadd.f32 v24, v14;
	[tilespmem:s0+$0x4540] =	vst v19  }
0x118: {  	v15 =	vmul.f32 v15, v7;
	v25 =	vmul.f32 v25, v8;
	v17 =	vadd.f32 v27, v17;
	v19 =	vld [tilespmem:s0+$0x11550];
	[tilespmem:s0+$0x4560] =	vst v21  }
0x119: {  	v18 =	vmul.f32 v18, v7;
	v28 =	vmul.f32 v28, v8;
	v20 =	vadd.f32 v30, v20;
	v21 =	vld [tilespmem:s0+$0x10150];
	[tilespmem:s0+$0x4170] =	vst v14  }
0x11a: {  	v13 =	vmul.f32 v13, v7;
	v23 =	vmul.f32 v23, v8;
	v15 =	vadd.f32 v25, v15;
	[tilespmem:s0+$0x4520] =	vst v17;
	v17 =	vld [tilespmem:s0+$0x5540]  }
0x11b: {  	v16 =	vmul.f32 v16, v7;
	v26 =	vmul.f32 v26, v8;
	v18 =	vadd.f32 v28, v18;
	[tilespmem:s0+$0x4550] =	vst v20;
	v20 =	vld [tilespmem:s0+$0x11540]  }
0x11c: {  	v10 =	vmul.f32 v10, v7;
	v9 =	vmul.f32 v9, v8;
	v13 =	vadd.f32 v23, v13;
	[tilespmem:s0+$0x4500] =	vst v15;
	v15 =	vld [tilespmem:s0+$0x5550]  }
0x11d: {  	v4 =	vmul.f32 v4, v7;
	v3 =	vmul.f32 v3, v8;
	v16 =	vadd.f32 v26, v16;
	[tilespmem:s0+$0x4530] =	vst v18;
	v18 =	vld [tilespmem:s0+$0x11560]  }
0x11e: {  	v9 =	vadd.f32 v9, v10;
	v10 =	vmul.f32 v22, v7;
	v14 =	vld [tilespmem:s0+$0x5570];
	[tilespmem:s0+$0x4160] =	vst v13;
	v13 =	vmul.f32 v21, v8  }
0x11f: {  	v3 =	vadd.f32 v3, v4;
	[tilespmem:s0+$0x4510] =	vst v16;
	v16 =	vld [tilespmem:s0+$0x11570]  }
0x120: {  	s30 =	simm.s32 $0x0;
	[tilespmem:s0+$0x4130] =	vst v9;
	v9 =	vld [tilespmem:s0+$0x10100];
	v11 =	vmul.f32 v17, v7;
	v17 =	vmul.f32 v20, v8;
	v4 =	vadd.f32 v13, v10  }
0x121: {  	s31 =	simm.s32 $0x80;
	s30 =	smul.u32 $0x1800, s30;
	[tilespmem:s0+$0x4120] =	vst v5;
	v5 =	vmul.f32 v15, v7;
	v10 =	vmul.f32 v19, v8  }
0x122: {  	s2 =	sand.u32 $0x380, s31;
	v11 =	vadd.f32 v17, v11;
	[tilespmem:s0+$0x4150] =	vst v4;
	v4 =	vmul.f32 v12, v7;
	v12 =	vmul.f32 v18, v8  }
0x123: {  	s30 =	sor.u32 s2, s30;
	[tilespmem:s0+$0x4110] =	vst v3;
	v5 =	vadd.f32 v10, v5  }
0x124: {  	v3 =	vld [tilespmem:s30+$0x4110];
	v10 =	vmul.f32 v14, v7;
	[tilespmem:s0+$0x5540] =	vst v11;
	v11 =	vmul.f32 v16, v8;
	v12 =	vadd.f32 v12, v4  }
0x125: {  	v7 =	vmul.f32 v6, v7;
	v8 =	vmul.f32 v9, v8;
	v4 =	vld [tilespmem:s30+$0x10110];
	[tilespmem:s0+$0x5550] =	vst v5  }
0x126: {  	v9 =	vadd.f32 v11, v10;
	v6 =	vld [tilespmem:s30+$0x4120];
	[tilespmem:s0+$0x5560] =	vst v12  }
0x127: {  	v7 =	vadd.f32 v8, v7;
	v5 =	vld [tilespmem:s30+$0x10120]  }
0x128: {  	v8 =	vld [tilespmem:s30+$0x4130];
	[tilespmem:s0+$0x5570] =	vst v9  }
0x129: {  	v18 =	vld [tilespmem:s30+$0x4530];
	[tilespmem:s0+$0x4100] =	vst v7  }
0x12a: {  	v7 =	vld [tilespmem:s30+$0x10130]  }
0x12b: {  	v10 =	vld [tilespmem:s30+$0x4140]  }
0x12c: {  	v9 =	vld [tilespmem:s30+$0x10140]  }
0x12d: {  	v12 =	vld [tilespmem:s30+$0x4150]  }
0x12e: {  	v11 =	vld [tilespmem:s30+$0x10150]  }
0x12f: {  	v13 =	vld [tilespmem:s30+$0x4160]  }
0x130: {  	v14 =	vld [tilespmem:s30+$0x4170]  }
0x131: {  	v15 =	vld [tilespmem:s30+$0x4500]  }
0x132: {  	v16 =	vld [tilespmem:s30+$0x4510]  }
0x133: {  	v17 =	vld [tilespmem:s30+$0x4520]  }
0x134: {  	v19 =	vld [tilespmem:s30+$0x4540]  }
0x135: {  	v20 =	vld [tilespmem:s30+$0x4550]  }
0x136: {  	v21 =	vld [tilespmem:s30+$0x4560]  }
0x137: {  	v22 =	vld [tilespmem:s30+$0x4570]  }
0x138: {  	v23 =	vld [tilespmem:s30+$0x4900]  }
0x139: {  	v24 =	vld [tilespmem:s30+$0x4910]  }
0x13a: {  	v25 =	vld [tilespmem:s30+$0x4920]  }
0x13b: {  	v26 =	vld [tilespmem:s30+$0x4930]  }
0x13c: {  	v27 =	vld [tilespmem:s30+$0x4940]  }
0x13d: {  	v28 =	vld [tilespmem:s30+$0x4950]  }
0x13e: {  	v29 =	vld [tilespmem:s30+$0x4960]  }
0x13f: {  	v30 =	vld [tilespmem:s30+$0x4970]  }
0x140: {  	v31 =	vld [tilespmem:s30+$0x4D00]  }
0x141: {  	v34 =	vld [tilespmem:s30+$0x4D10]  }
0x142: {  	v35 =	vld [tilespmem:s30+$0x4D20]  }
0x143: {  	v36 =	vld [tilespmem:s30+$0x4D30]  }
0x144: {  	v37 =	vld [tilespmem:s30+$0x4D40]  }
0x145: {  	v38 =	vld [tilespmem:s30+$0x4D50]  }
0x146: {  	v39 =	vld [tilespmem:s30+$0x4D60]  }
0x147: {  	v40 =	vld [tilespmem:s30+$0x4D70]  }
0x148: {  	v41 =	vld [tilespmem:s30+$0x5100]  }
0x149: {  	v42 =	vld [tilespmem:s30+$0x5110]  }
0x14a: {  	v43 =	vld [tilespmem:s30+$0x5120]  }
0x14b: {  	v44 =	vld [tilespmem:s30+$0x5130]  }
0x14c: {  	v45 =	vld [tilespmem:s30+$0x5140]  }
0x14d: {  	v46 =	vld [tilespmem:s30+$0x5150]  }
0x14e: {  	v47 =	vld [tilespmem:s30+$0x5160]  }
0x14f: {  	v48 =	vld [tilespmem:s30+$0x5500]  }
0x150: {  	v50 =	vld [tilespmem:s30+$0x5510]  }
0x151: {  	v49 =	vld [tilespmem:s30+$0x11510]  }
0x152: {  	s0 =	simm.s32 $0x2;
	v51 =	vld [tilespmem:s30+$0x11530]  }
.LBB2_2:
0x153: {  	p0 =	sne.s32 s0, $0x3F;
	v52 =	vld [tilespmem:s30+$0x5530]  }
0x154: {  	s28 =	sadd.s32 $0x80, s28;
	v53 =	vld [tilespmem:s30+$0x5520]  }
0x155: {  	s29 =	sadd.s32 $0x80, s29;
	v33 =	vld [tilespmem:s28+$0x0]  }
0x156: {  	v32 =	vld [tilespmem:s29+$0x0]  }
0x157: {  	v54 =	vld [tilespmem:s30+$0x11520]  }
0x158: {  	v55 =	vld [tilespmem:s30+$0x11500]  }
0x159: {  	v56 =	vld [tilespmem:s30+$0x5170]  }
0x15a: {  	v57 =	vld [tilespmem:s30+$0x11170];
	v50 =	vmul.f32 v50, v33;
	v53 =	vmul.f32 v53, v33  }
0x15b: {  	v52 =	vmul.f32 v52, v33;
	v58 =	vld [tilespmem:s30+$0x11160];
	v51 =	vmul.f32 v51, v32  }
0x15c: {  	v49 =	vmul.f32 v49, v32;
	v59 =	vld [tilespmem:s30+$0x11150];
	v54 =	vmul.f32 v54, v32  }
0x15d: {  	v48 =	vmul.f32 v48, v33;
	v60 =	vld [tilespmem:s30+$0x11140];
	v55 =	vmul.f32 v55, v32;
	v51 =	vadd.f32 v51, v52  }
0x15e: {  	v49 =	vadd.f32 v49, v50;
	v52 =	vld [tilespmem:s30+$0x11130];
	v56 =	vmul.f32 v56, v33;
	v50 =	vadd.f32 v54, v53  }
0x15f: {  	v47 =	vmul.f32 v47, v33;
	v53 =	vld [tilespmem:s30+$0x11120];
	v54 =	vmul.f32 v57, v32;
	v48 =	vadd.f32 v55, v48;
	[tilespmem:s30+$0x5530] =	vst v51  }
0x160: {  	v46 =	vmul.f32 v46, v33;
	v51 =	vld [tilespmem:s30+$0x11110];
	v55 =	vmul.f32 v58, v32;
	[tilespmem:s30+$0x5520] =	vst v50  }
0x161: {  	v45 =	vmul.f32 v45, v33;
	v50 =	vld [tilespmem:s30+$0x11100];
	v57 =	vmul.f32 v59, v32;
	v54 =	vadd.f32 v54, v56;
	[tilespmem:s30+$0x5510] =	vst v49  }
0x162: {  	v44 =	vmul.f32 v44, v33;
	v49 =	vld [tilespmem:s30+$0x10D70];
	v56 =	vmul.f32 v60, v32;
	v47 =	vadd.f32 v55, v47;
	[tilespmem:s30+$0x5500] =	vst v48  }
0x163: {  	v43 =	vmul.f32 v43, v33;
	v48 =	vld [tilespmem:s30+$0x10D60];
	v52 =	vmul.f32 v52, v32;
	v46 =	vadd.f32 v57, v46;
	[tilespmem:s30+$0x5170] =	vst v54  }
0x164: {  	v42 =	vmul.f32 v42, v33;
	v54 =	vld [tilespmem:s30+$0x10D50];
	v53 =	vmul.f32 v53, v32;
	v45 =	vadd.f32 v56, v45;
	[tilespmem:s30+$0x5160] =	vst v47  }
0x165: {  	v41 =	vmul.f32 v41, v33;
	v47 =	vld [tilespmem:s30+$0x10D40];
	v51 =	vmul.f32 v51, v32;
	v44 =	vadd.f32 v52, v44;
	[tilespmem:s30+$0x5150] =	vst v46  }
0x166: {  	v40 =	vmul.f32 v40, v33;
	v46 =	vld [tilespmem:s30+$0x10D30];
	v50 =	vmul.f32 v50, v32;
	v43 =	vadd.f32 v53, v43;
	[tilespmem:s30+$0x5140] =	vst v45  }
0x167: {  	v39 =	vmul.f32 v39, v33;
	v45 =	vld [tilespmem:s30+$0x10D20];
	v49 =	vmul.f32 v49, v32;
	v42 =	vadd.f32 v51, v42;
	[tilespmem:s30+$0x5130] =	vst v44  }
0x168: {  	v38 =	vmul.f32 v38, v33;
	v44 =	vld [tilespmem:s30+$0x10D10];
	v48 =	vmul.f32 v48, v32;
	v41 =	vadd.f32 v50, v41;
	[tilespmem:s30+$0x5120] =	vst v43  }
0x169: {  	v37 =	vmul.f32 v37, v33;
	v43 =	vld [tilespmem:s30+$0x10D00];
	v50 =	vmul.f32 v54, v32;
	v40 =	vadd.f32 v49, v40;
	[tilespmem:s30+$0x5110] =	vst v42  }
0x16a: {  	v36 =	vmul.f32 v36, v33;
	v42 =	vld [tilespmem:s30+$0x10970];
	v47 =	vmul.f32 v47, v32;
	v39 =	vadd.f32 v48, v39;
	[tilespmem:s30+$0x5100] =	vst v41  }
0x16b: {  	v35 =	vmul.f32 v35, v33;
	v41 =	vld [tilespmem:s30+$0x10960];
	v46 =	vmul.f32 v46, v32;
	v38 =	vadd.f32 v50, v38;
	[tilespmem:s30+$0x4D70] =	vst v40  }
0x16c: {  	v34 =	vmul.f32 v34, v33;
	v40 =	vld [tilespmem:s30+$0x10950];
	v45 =	vmul.f32 v45, v32;
	v37 =	vadd.f32 v47, v37;
	[tilespmem:s30+$0x4D60] =	vst v39  }
0x16d: {  	v31 =	vmul.f32 v31, v33;
	v39 =	vld [tilespmem:s30+$0x10940];
	v44 =	vmul.f32 v44, v32;
	v36 =	vadd.f32 v46, v36;
	[tilespmem:s30+$0x4D50] =	vst v38  }
0x16e: {  	v30 =	vmul.f32 v30, v33;
	v38 =	vld [tilespmem:s30+$0x10930];
	v43 =	vmul.f32 v43, v32;
	v35 =	vadd.f32 v45, v35;
	[tilespmem:s30+$0x4D40] =	vst v37  }
0x16f: {  	v29 =	vmul.f32 v29, v33;
	v37 =	vld [tilespmem:s30+$0x10920];
	v42 =	vmul.f32 v42, v32;
	v34 =	vadd.f32 v44, v34;
	[tilespmem:s30+$0x4D30] =	vst v36  }
0x170: {  	v28 =	vmul.f32 v28, v33;
	v36 =	vld [tilespmem:s30+$0x10910];
	v41 =	vmul.f32 v41, v32;
	v31 =	vadd.f32 v43, v31;
	[tilespmem:s30+$0x4D20] =	vst v35  }
0x171: {  	v27 =	vmul.f32 v27, v33;
	v35 =	vld [tilespmem:s30+$0x10900];
	v40 =	vmul.f32 v40, v32;
	v30 =	vadd.f32 v42, v30;
	[tilespmem:s30+$0x4D10] =	vst v34  }
0x172: {  	v26 =	vmul.f32 v26, v33;
	v34 =	vld [tilespmem:s30+$0x10570];
	v39 =	vmul.f32 v39, v32;
	v29 =	vadd.f32 v41, v29;
	[tilespmem:s30+$0x4D00] =	vst v31  }
0x173: {  	v25 =	vmul.f32 v25, v33;
	v31 =	vld [tilespmem:s30+$0x10560];
	v38 =	vmul.f32 v38, v32;
	v28 =	vadd.f32 v40, v28;
	[tilespmem:s30+$0x4970] =	vst v30  }
0x174: {  	v24 =	vmul.f32 v24, v33;
	v30 =	vld [tilespmem:s30+$0x10550];
	v37 =	vmul.f32 v37, v32;
	v27 =	vadd.f32 v39, v27;
	[tilespmem:s30+$0x4960] =	vst v29  }
0x175: {  	v23 =	vmul.f32 v23, v33;
	v29 =	vld [tilespmem:s30+$0x10540];
	v36 =	vmul.f32 v36, v32;
	v26 =	vadd.f32 v38, v26;
	[tilespmem:s30+$0x4950] =	vst v28  }
0x176: {  	v22 =	vmul.f32 v22, v33;
	v28 =	vld [tilespmem:s30+$0x10530];
	v35 =	vmul.f32 v35, v32;
	v25 =	vadd.f32 v37, v25;
	[tilespmem:s30+$0x4940] =	vst v27  }
0x177: {  	v21 =	vmul.f32 v21, v33;
	v27 =	vld [tilespmem:s30+$0x10520];
	v34 =	vmul.f32 v34, v32;
	v24 =	vadd.f32 v36, v24;
	[tilespmem:s30+$0x4930] =	vst v26  }
0x178: {  	v20 =	vmul.f32 v20, v33;
	v26 =	vld [tilespmem:s30+$0x10510];
	v31 =	vmul.f32 v31, v32;
	v23 =	vadd.f32 v35, v23;
	[tilespmem:s30+$0x4920] =	vst v25  }
0x179: {  	v19 =	vmul.f32 v19, v33;
	v25 =	vld [tilespmem:s30+$0x10500];
	v30 =	vmul.f32 v30, v32;
	v22 =	vadd.f32 v34, v22;
	[tilespmem:s30+$0x4910] =	vst v24  }
0x17a: {  	v18 =	vmul.f32 v18, v33;
	v24 =	vld [tilespmem:s30+$0x10170];
	v29 =	vmul.f32 v29, v32;
	v21 =	vadd.f32 v31, v21;
	[tilespmem:s30+$0x4900] =	vst v23  }
0x17b: {  	v17 =	vmul.f32 v17, v33;
	v23 =	vld [tilespmem:s30+$0x10160];
	v28 =	vmul.f32 v28, v32;
	v20 =	vadd.f32 v30, v20;
	[tilespmem:s30+$0x4570] =	vst v22  }
0x17c: {  	v16 =	vmul.f32 v16, v33;
	v22 =	vmul.f32 v27, v32;
	v19 =	vadd.f32 v29, v19;
	[tilespmem:s30+$0x4560] =	vst v21;
	v21 =	vld [tilespmem:s30+$0x11540]  }
0x17d: {  	v15 =	vmul.f32 v15, v33;
	v26 =	vmul.f32 v26, v32;
	v18 =	vadd.f32 v28, v18;
	[tilespmem:s30+$0x4550] =	vst v20;
	v20 =	vld [tilespmem:s30+$0x11550]  }
0x17e: {  	v14 =	vmul.f32 v14, v33;
	v25 =	vmul.f32 v25, v32;
	v17 =	vadd.f32 v22, v17;
	[tilespmem:s30+$0x4540] =	vst v19;
	v19 =	vld [tilespmem:s30+$0x11560]  }
0x17f: {  	v13 =	vmul.f32 v13, v33;
	v22 =	vmul.f32 v24, v32;
	v16 =	vadd.f32 v26, v16;
	[tilespmem:s30+$0x4530] =	vst v18;
	v18 =	vld [tilespmem:s30+$0x11570]  }
0x180: {  	v12 =	vmul.f32 v12, v33;
	v23 =	vmul.f32 v23, v32;
	v15 =	vadd.f32 v25, v15;
	[tilespmem:s30+$0x4520] =	vst v17;
	v17 =	vld [tilespmem:s30+$0x5540]  }
0x181: {  	v10 =	vmul.f32 v10, v33;
	v11 =	vmul.f32 v11, v32;
	v14 =	vadd.f32 v22, v14;
	[tilespmem:s30+$0x4510] =	vst v16;
	v16 =	vld [tilespmem:s30+$0x5550]  }
0x182: {  	v8 =	vmul.f32 v8, v33;
	v9 =	vmul.f32 v9, v32;
	v13 =	vadd.f32 v23, v13;
	[tilespmem:s30+$0x4500] =	vst v15;
	v15 =	vld [tilespmem:s30+$0x5560]  }
0x183: {  	v6 =	vmul.f32 v6, v33;
	v7 =	vmul.f32 v7, v32;
	v11 =	vadd.f32 v11, v12;
	[tilespmem:s30+$0x4170] =	vst v14;
	v12 =	vld [tilespmem:s30+$0x5570]  }
0x184: {  	v3 =	vmul.f32 v3, v33;
	v5 =	vmul.f32 v5, v32;
	v9 =	vadd.f32 v9, v10;
	v14 =	vld [tilespmem:s30+$0x4100];
	[tilespmem:s30+$0x4160] =	vst v13  }
0x185: {  	v4 =	vmul.f32 v4, v32;
	v7 =	vadd.f32 v7, v8;
	v10 =	vld [tilespmem:s30+$0x10100];
	[tilespmem:s30+$0x4150] =	vst v11;
	v8 =	vmul.f32 v17, v33  }
0x186: {  	s2 =	sshrl.u32 s0, $0x3;
	v5 =	vadd.f32 v5, v6;
	v6 =	vmul.f32 v21, v32;
	[tilespmem:s30+$0x4140] =	vst v9;
	v9 =	vmul.f32 v16, v33  }
0x187: {  	s31 =	sadd.s32 $0x80, s31;
	s2 =	smul.u32 $0x1800, s2;
	v3 =	vadd.f32 v4, v3;
	v4 =	vmul.f32 v20, v32;
	[tilespmem:s30+$0x4130] =	vst v7;
	v7 =	vmul.f32 v15, v33  }
0x188: {  	s13 =	sand.u32 $0x380, s31;
	[tilespmem:s30+$0x4120] =	vst v5;
	v5 =	vadd.f32 v6, v8;
	v6 =	vmul.f32 v19, v32;
	v8 =	vmul.f32 v12, v33  }
0x189: {  	s2 =	sor.u32 s13, s2;
	v9 =	vadd.f32 v4, v9;
	v12 =	vmul.f32 v18, v32;
	v11 =	vmul.f32 v14, v33;
	[tilespmem:s30+$0x4110] =	vst v3  }
0x18a: {  	v3 =	vld [tilespmem:s2+$0x4110];
	v10 =	vmul.f32 v10, v32;
	[tilespmem:s30+$0x5540] =	vst v5;
	v5 =	vadd.f32 v6, v7  }
0x18b: {  	v7 =	vadd.f32 v12, v8;
	v4 =	vld [tilespmem:s2+$0x10110];
	[tilespmem:s30+$0x5550] =	vst v9  }
0x18c: {  	v6 =	vld [tilespmem:s2+$0x4120];
	v9 =	vadd.f32 v10, v11;
	[tilespmem:s30+$0x5560] =	vst v5  }
0x18d: {  	v5 =	vld [tilespmem:s2+$0x10120];
	[tilespmem:s30+$0x5570] =	vst v7  }
0x18e: {  	v8 =	vld [tilespmem:s2+$0x4130];
	[tilespmem:s30+$0x4100] =	vst v9;
	s30 =	smov.u32 s2  }
0x18f: {  	v7 =	vld [tilespmem:s30+$0x10130]  }
0x190: {  	v10 =	vld [tilespmem:s30+$0x4140]  }
0x191: {  	v9 =	vld [tilespmem:s30+$0x10140]  }
0x192: {  	v12 =	vld [tilespmem:s30+$0x4150]  }
0x193: {  	v11 =	vld [tilespmem:s30+$0x10150]  }
0x194: {  	v13 =	vld [tilespmem:s30+$0x4160]  }
0x195: {  	v14 =	vld [tilespmem:s30+$0x4170]  }
0x196: {  	v15 =	vld [tilespmem:s30+$0x4500]  }
0x197: {  	v16 =	vld [tilespmem:s30+$0x4510]  }
0x198: {  	v17 =	vld [tilespmem:s30+$0x4520]  }
0x199: {  	v18 =	vld [tilespmem:s30+$0x4530]  }
0x19a: {  	v19 =	vld [tilespmem:s30+$0x4540]  }
0x19b: {  	v20 =	vld [tilespmem:s30+$0x4550]  }
0x19c: {  	v21 =	vld [tilespmem:s30+$0x4560]  }
0x19d: {  	v22 =	vld [tilespmem:s30+$0x4570]  }
0x19e: {  	v23 =	vld [tilespmem:s30+$0x4900]  }
0x19f: {  	v24 =	vld [tilespmem:s30+$0x4910]  }
0x1a0: {  	v25 =	vld [tilespmem:s30+$0x4920]  }
0x1a1: {  	v26 =	vld [tilespmem:s30+$0x4930]  }
0x1a2: {  	v27 =	vld [tilespmem:s30+$0x4940]  }
0x1a3: {  	v28 =	vld [tilespmem:s30+$0x4950]  }
0x1a4: {  	v29 =	vld [tilespmem:s30+$0x4960]  }
0x1a5: {  	v30 =	vld [tilespmem:s30+$0x4970]  }
0x1a6: {  	v31 =	vld [tilespmem:s30+$0x4D00]  }
0x1a7: {  	v34 =	vld [tilespmem:s30+$0x4D10]  }
0x1a8: {  	v35 =	vld [tilespmem:s30+$0x4D20]  }
0x1a9: {  	v36 =	vld [tilespmem:s30+$0x4D30]  }
0x1aa: {  	v37 =	vld [tilespmem:s30+$0x4D40]  }
0x1ab: {  	v38 =	vld [tilespmem:s30+$0x4D50]  }
0x1ac: {  	v39 =	vld [tilespmem:s30+$0x4D60]  }
0x1ad: {  	v40 =	vld [tilespmem:s30+$0x4D70]  }
0x1ae: {  	v41 =	vld [tilespmem:s30+$0x5100]  }
0x1af: {  	v42 =	vld [tilespmem:s30+$0x5110]  }
0x1b0: {  	v43 =	vld [tilespmem:s30+$0x5120]  }
0x1b1: {  	v44 =	vld [tilespmem:s30+$0x5130]  }
0x1b2: {  	v45 =	vld [tilespmem:s30+$0x5140]  }
0x1b3: {  	v46 =	vld [tilespmem:s30+$0x5150]  }
.Ltmp0:
0x1b4: {  	v47 =	vld [tilespmem:s30+$0x5160];
	(pc) =	sbr.rel @p0 .LBB2_2-.Ltmp0, $4  }
0x1b5: {  	v48 =	vld [tilespmem:s30+$0x5500]  }
0x1b6: {  	v50 =	vld [tilespmem:s30+$0x5510]  }
0x1b7: {  	v49 =	vld [tilespmem:s30+$0x11510]  }
0x1b8: {  	s0 =	sadd.s32 $0x1, s0;
	v51 =	vld [tilespmem:s30+$0x11530]  }
0x1b9: {  	v52 =	vld [tilespmem:s30+$0x5530]  }
0x1ba: {  	v53 =	vld [tilespmem:s30+$0x5520];
	s0 =	sadd.s32 $0x80, s28  }
0x1bb: {  	s31 =	sadd.s32 $0x80, s29;
	v32 =	vld [tilespmem:s0+$0x0]  }
0x1bc: {  	v33 =	vld [tilespmem:s31+$0x0]  }
0x1bd: {  	v54 =	vld [tilespmem:s30+$0x11520];
	_ =	sdelay $0x1  }
0x1be: {  	v55 =	vld [tilespmem:s30+$0x11500]  }
0x1bf: {  	v56 =	vld [tilespmem:s30+$0x5170]  }
0x1c0: {  	v58 =	vld [tilespmem:s30+$0x11160];
	v52 =	vmul.f32 v52, v32;
	v51 =	vmul.f32 v51, v33  }
0x1c1: {  	v57 =	vld [tilespmem:s30+$0x11170];
	v53 =	vmul.f32 v53, v32;
	v54 =	vmul.f32 v54, v33  }
0x1c2: {  	v59 =	vld [tilespmem:s30+$0x11150];
	v50 =	vmul.f32 v50, v32;
	v49 =	vmul.f32 v49, v33  }
0x1c3: {  	v60 =	vld [tilespmem:s30+$0x11140];
	v48 =	vmul.f32 v48, v32;
	v62 =	vmul.f32 v55, v33;
	v51 =	vadd.f32 v51, v52  }
0x1c4: {  	v61 =	vld [tilespmem:s30+$0x11120];
	v63 =	vmul.f32 v56, v32;
	v47 =	vmul.f32 v47, v32;
	v53 =	vadd.f32 v54, v53  }
0x1c5: {  	v58 =	vmul.f32 v58, v33;
	v55 =	vld [tilespmem:s30+$0x10560];
	v12 =	vmul.f32 v12, v32;
	v49 =	vadd.f32 v49, v50;
	[tilespmem:s30+$0x5530] =	vst v51  }
0x1c6: {  	v56 =	vld [tilespmem:s30+$0x10550];
	v11 =	vmul.f32 v11, v33;
	v10 =	vmul.f32 v10, v32;
	v48 =	vadd.f32 v62, v48;
	[tilespmem:s30+$0x5520] =	vst v53  }
0x1c7: {  	v9 =	vmul.f32 v9, v33;
	v8 =	vmul.f32 v8, v32;
	v52 =	vld [tilespmem:s30+$0x11130];
	v47 =	vadd.f32 v58, v47;
	[tilespmem:s30+$0x5510] =	vst v49  }
0x1c8: {  	v7 =	vmul.f32 v7, v33;
	v6 =	vmul.f32 v6, v32;
	v50 =	vld [tilespmem:s30+$0x11100];
	v11 =	vadd.f32 v11, v12;
	[tilespmem:s30+$0x5500] =	vst v48  }
0x1c9: {  	v5 =	vmul.f32 v5, v33;
	v3 =	vmul.f32 v3, v32;
	v58 =	vld [tilespmem:s30+$0x10D20];
	v9 =	vadd.f32 v9, v10;
	[tilespmem:s30+$0x5160] =	vst v47  }
0x1ca: {  	v4 =	vmul.f32 v4, v33;
	v62 =	vmul.f32 v59, v33;
	v59 =	vld [tilespmem:s30+$0x10D10];
	v7 =	vadd.f32 v7, v8;
	[tilespmem:s30+$0x4150] =	vst v11  }
0x1cb: {  	v57 =	vmul.f32 v57, v33;
	v54 =	vld [tilespmem:s30+$0x10570];
	v5 =	vadd.f32 v5, v6;
	[tilespmem:s30+$0x4140] =	vst v9  }
0x1cc: {  	v46 =	vmul.f32 v46, v32;
	v3 =	vadd.f32 v4, v3;
	v51 =	vld [tilespmem:s30+$0x11110];
	[tilespmem:s30+$0x4130] =	vst v7  }
0x1cd: {  	v45 =	vmul.f32 v45, v32;
	v49 =	vld [tilespmem:s30+$0x10D70];
	v53 =	vadd.f32 v57, v63;
	v63 =	vmul.f32 v60, v33;
	[tilespmem:s30+$0x4120] =	vst v5  }
0x1ce: {  	v43 =	vmul.f32 v43, v32;
	v48 =	vld [tilespmem:s30+$0x10D60];
	v46 =	vadd.f32 v62, v46;
	v57 =	vmul.f32 v61, v33;
	[tilespmem:s30+$0x4110] =	vst v3  }
0x1cf: {  	v44 =	vmul.f32 v44, v32;
	v47 =	vld [tilespmem:s30+$0x10D40];
	[tilespmem:s30+$0x5170] =	vst v53;
	v45 =	vadd.f32 v63, v45;
	v52 =	vmul.f32 v52, v33  }
0x1d0: {  	v41 =	vmul.f32 v41, v32;
	v60 =	vld [tilespmem:s30+$0x10D00];
	[tilespmem:s30+$0x5150] =	vst v46;
	v43 =	vadd.f32 v57, v43;
	v50 =	vmul.f32 v50, v33  }
0x1d1: {  	v35 =	vmul.f32 v35, v32;
	v61 =	vld [tilespmem:s30+$0x10970];
	[tilespmem:s30+$0x5140] =	vst v45;
	v45 =	vmul.f32 v58, v33;
	v44 =	vadd.f32 v52, v44  }
0x1d2: {  	v42 =	vmul.f32 v42, v32;
	v53 =	vld [tilespmem:s30+$0x10D50];
	[tilespmem:s30+$0x5120] =	vst v43;
	v51 =	vmul.f32 v51, v33;
	v41 =	vadd.f32 v50, v41  }
0x1d3: {  	v40 =	vmul.f32 v40, v32;
	v46 =	vld [tilespmem:s30+$0x10D30];
	v49 =	vmul.f32 v49, v33;
	v35 =	vadd.f32 v45, v35;
	[tilespmem:s30+$0x5130] =	vst v44  }
0x1d4: {  	v39 =	vmul.f32 v39, v32;
	v62 =	vld [tilespmem:s30+$0x10960];
	v48 =	vmul.f32 v48, v33;
	v42 =	vadd.f32 v51, v42;
	[tilespmem:s30+$0x5100] =	vst v41  }
0x1d5: {  	v37 =	vmul.f32 v37, v32;
	v57 =	vld [tilespmem:s30+$0x10540];
	v47 =	vmul.f32 v47, v33;
	v40 =	vadd.f32 v49, v40;
	[tilespmem:s30+$0x4D20] =	vst v35  }
0x1d6: {  	v31 =	vmul.f32 v31, v32;
	v58 =	vld [tilespmem:s30+$0x10530];
	v43 =	vmul.f32 v60, v33;
	v39 =	vadd.f32 v48, v39;
	[tilespmem:s30+$0x5110] =	vst v42  }
0x1d7: {  	v38 =	vmul.f32 v38, v32;
	v50 =	vld [tilespmem:s30+$0x10930];
	v63 =	vmul.f32 v53, v33;
	v37 =	vadd.f32 v47, v37;
	[tilespmem:s30+$0x4D70] =	vst v40  }
0x1d8: {  	v36 =	vmul.f32 v36, v32;
	v60 =	vld [tilespmem:s30+$0x10510];
	v46 =	vmul.f32 v46, v33;
	v31 =	vadd.f32 v43, v31;
	[tilespmem:s30+$0x4D60] =	vst v39  }
0x1d9: {  	v34 =	vmul.f32 v34, v32;
	v52 =	vld [tilespmem:s30+$0x10910];
	v44 =	vmul.f32 v59, v33;
	v38 =	vadd.f32 v63, v38;
	[tilespmem:s30+$0x4D40] =	vst v37  }
0x1da: {  	v29 =	vmul.f32 v29, v32;
	v45 =	vld [tilespmem:s30+$0x5540];
	v41 =	vmul.f32 v62, v33;
	v36 =	vadd.f32 v46, v36;
	[tilespmem:s30+$0x4D00] =	vst v31  }
0x1db: {  	v21 =	vmul.f32 v21, v32;
	v48 =	vld [tilespmem:s30+$0x10950];
	v62 =	vmul.f32 v55, v33;
	v34 =	vadd.f32 v44, v34;
	[tilespmem:s30+$0x4D50] =	vst v38  }
0x1dc: {  	v30 =	vmul.f32 v30, v32;
	v49 =	vld [tilespmem:s30+$0x10940];
	v42 =	vmul.f32 v61, v33;
	v29 =	vadd.f32 v41, v29;
	[tilespmem:s30+$0x4D30] =	vst v36  }
0x1dd: {  	v16 =	vmul.f32 v16, v32;
	v51 =	vld [tilespmem:s30+$0x10920];
	v21 =	vadd.f32 v62, v21;
	v41 =	vmul.f32 v60, v33;
	[tilespmem:s30+$0x4D10] =	vst v34  }
0x1de: {  	v26 =	vmul.f32 v26, v32;
	v53 =	vld [tilespmem:s30+$0x10900];
	v30 =	vadd.f32 v42, v30;
	[tilespmem:s30+$0x4960] =	vst v29;
	v38 =	vmul.f32 v50, v33  }
0x1df: {  	v24 =	vmul.f32 v24, v32;
	v59 =	vld [tilespmem:s30+$0x10520];
	v36 =	vmul.f32 v52, v33;
	[tilespmem:s30+$0x4560] =	vst v21;
	v16 =	vadd.f32 v41, v16  }
0x1e0: {  	v22 =	vmul.f32 v22, v32;
	v43 =	vld [tilespmem:s30+$0x11570];
	v34 =	vmul.f32 v54, v33;
	[tilespmem:s30+$0x4970] =	vst v30;
	v26 =	vadd.f32 v38, v26  }
0x1e1: {  	v28 =	vmul.f32 v28, v32;
	v61 =	vld [tilespmem:s30+$0x10500];
	v40 =	vmul.f32 v48, v33;
	v24 =	vadd.f32 v36, v24;
	[tilespmem:s30+$0x4510] =	vst v16  }
0x1e2: {  	v27 =	vmul.f32 v27, v32;
	v63 =	vld [tilespmem:s30+$0x10170];
	v39 =	vmul.f32 v49, v33;
	v22 =	vadd.f32 v34, v22;
	[tilespmem:s30+$0x4930] =	vst v26  }
0x1e3: {  	v25 =	vmul.f32 v25, v32;
	v46 =	vld [tilespmem:s30+$0x5550];
	v37 =	vmul.f32 v51, v33;
	v28 =	vadd.f32 v40, v28;
	[tilespmem:s30+$0x4910] =	vst v24  }
0x1e4: {  	v23 =	vmul.f32 v23, v32;
	v50 =	vld [tilespmem:s30+$0x10100];
	v35 =	vmul.f32 v53, v33;
	v27 =	vadd.f32 v39, v27;
	[tilespmem:s30+$0x4570] =	vst v22  }
0x1e5: {  	v20 =	vmul.f32 v20, v32;
	v48 =	vld [tilespmem:s30+$0x5560];
	v30 =	vmul.f32 v56, v33;
	v25 =	vadd.f32 v37, v25;
	[tilespmem:s30+$0x4950] =	vst v28  }
0x1e6: {  	v19 =	vmul.f32 v19, v32;
	v51 =	vld [tilespmem:s30+$0x4100];
	v23 =	vadd.f32 v35, v23;
	v35 =	vmul.f32 v57, v33;
	[tilespmem:s30+$0x4940] =	vst v27  }
0x1e7: {  	v18 =	vmul.f32 v18, v32;
	v34 =	vld [tilespmem:s30+$0x10160];
	v37 =	vmul.f32 v58, v33;
	v20 =	vadd.f32 v30, v20;
	[tilespmem:s30+$0x4920] =	vst v25  }
0x1e8: {  	v17 =	vmul.f32 v17, v32;
	v36 =	vld [tilespmem:s30+$0x11540];
	v39 =	vmul.f32 v59, v33;
	[tilespmem:s30+$0x4900] =	vst v23;
	v19 =	vadd.f32 v35, v19  }
0x1e9: {  	v15 =	vmul.f32 v15, v32;
	v38 =	vld [tilespmem:s30+$0x11550];
	v42 =	vmul.f32 v61, v33;
	v18 =	vadd.f32 v37, v18;
	[tilespmem:s30+$0x4550] =	vst v20  }
0x1ea: {  	v14 =	vmul.f32 v14, v32;
	v40 =	vld [tilespmem:s30+$0x11560];
	v44 =	vmul.f32 v63, v33;
	v17 =	vadd.f32 v39, v17;
	[tilespmem:s30+$0x4540] =	vst v19  }
0x1eb: {  	v49 =	vld [tilespmem:s30+$0x5570];
	v15 =	vadd.f32 v42, v15;
	v10 =	vmul.f32 v50, v33;
	v61 =	vmul.f32 v51, v32;
	[tilespmem:s30+$0x4530] =	vst v18  }
0x1ec: {  	v13 =	vmul.f32 v13, v32;
	v14 =	vadd.f32 v44, v14;
	[tilespmem:s30+$0x4520] =	vst v17;
	v47 =	vmul.f32 v34, v33  }
0x1ed: {  	v52 =	vmul.f32 v45, v32;
	[tilespmem:s30+$0x4500] =	vst v15;
	v53 =	vmul.f32 v36, v33;
	v63 =	vadd.f32 v10, v61  }
0x1ee: {  	v54 =	vmul.f32 v46, v32;
	[tilespmem:s30+$0x4170] =	vst v14;
	v55 =	vmul.f32 v38, v33;
	v13 =	vadd.f32 v47, v13  }
0x1ef: {  	v56 =	vmul.f32 v48, v32;
	v58 =	vmul.f32 v40, v33;
	v57 =	vadd.f32 v53, v52;
	[tilespmem:s30+$0x4100] =	vst v63  }
0x1f0: {  	v60 =	vmul.f32 v43, v33;
	v59 =	vmul.f32 v49, v32;
	v3 =	vadd.f32 v55, v54;
	[tilespmem:s30+$0x4160] =	vst v13  }
0x1f1: {  	v62 =	vadd.f32 v58, v56;
	[tilespmem:s30+$0x5540] =	vst v57  }
0x1f2: {  	s26 =	sadd.s32 $0x1, s26;
	[tilespmem:s30+$0x5550] =	vst v3;
	v3 =	vadd.f32 v60, v59  }
0x1f3: {  	p0 =	sne.s32 s26, s11;
	[tilespmem:s30+$0x5560] =	vst v62  }
.Ltmp1:
0x1f4: {  	[tilespmem:s30+$0x5570] =	vst v3;
	(pc) =	sbr.rel @p0 .LBB2_1-.Ltmp1, $4  }
0x1f5: {  	[hbm4b:s10+s1] =	stream.linear.scatter [tilespmem:s14], [sflag:$0x3], $0xC000, $0x38;
	[tilespmem:$0x1C100] =	vst v63  }
0x1f6: {  	_ =	swait.ge [sflag:s12], $0xC000  }
0x1f7: {  	[sflag:s12] =	ssyncset.done $0x0  }
0x1f8: {  	[sflag:s12] =	ssyncadd.s32 $0xFFFF4000  }
0x1f9: {  	_ =	sfence.sel $0x180000  }
0x1fa: {  	[bflag:$0x0] =	sbarrier.arrive $0xFFFF  }
0x1fb: {  	_ =	strace $0x9000004A  }
0x1fc: {  	s0 =	stileid.u32;
	[bflag:$0x2] =	sbarrier.arrive $0xFFFF  }
0x1fd: {  	p0 =	sne.s32 s0, $0x0;
	s0 =	rddreg [dreg:$0x2]  }
0x1fe: {  	s0 =	sadd.s32 @!p0 $0x100000, s0  }
0x1ff: {  	[sflag:s0] =	ssyncadd.tile.s32 @!p0 $0x1;
	_ =	shalt  }
.Lfunc_end2:
_tile_overlayer_lowered:
.L_overlay_start_2:
0x200: {  	(tag) =	ssettag $0x2  }
0x201: {  	s0 =	rddreg [dreg:$0x0];
	s2 =	stileid.u32  }
0x202: {  	s1 =	rddreg [dreg:$0x1];
	p0 =	sne.s32 s2, $0x0  }
0x203: {  	s3 =	rddreg [dreg:$0x2];
	[bflag:$0x3] =	sbarrier.arrive $0xFFFF;
	s2 =	simm.s32 @!p0 $0x1C03  }
0x204: {  	[timem:s3], [sflag:s2] =	dma.local @!p0 [hbm:s0], s1  }
0x205: {  	s0 =	simm.s32 @!p0 $0x3  }
0x206: {  	_ =	swait.ge @!p0 [sflag:s0], s1  }
0x207: {  	s1 =	ssub.s32 @!p0 $0x0, s1;
	[sflag:s0] =	ssyncset.done @!p0 $0x0  }
0x208: {  	[sflag:s0] =	ssyncadd.s32 @!p0 s1  }
0x209: {  	[bflag:$0x3] =	sbarrier.arrive $0xFFFF  }
0x20a: {  	_ =	shalt  }

// kernel: kernel.7.cloned.1.call-start
scs
__scs_entry_jumppad:
0x0: {  	(pc) =	sbr.rel $0x88, $3  }
0x1: {  	(tag) =	ssettag $0x0;
	lr =	simm.s32 $0x1  }
0x2: {  	[smem:$0x3F9B] =	sst lr;
	_ =	strace $0xD0000000  }
0x3: {  	_ = 	snop  }
0x4: {  	_ = 	snop  }
0x5: {  	_ = 	snop  }
0x6: {  	_ = 	snop  }
0x7: {  	_ = 	snop  }
__scs_overlays_trampoline_lowered:
0x8: {  	[smem:$0x3FAA] =	sst s0  }
0x9: {  	[smem:$0x3FAB] =	sst s1  }
0xa: {  	[smem:$0x3FAC] =	sst s2  }
0xb: {  	[smem:$0x3FAD] =	sst s3  }
0xc: {  	[smem:$0x3FAE] =	sst s4  }
0xd: {  	[smem:$0x3FAF] =	sst s5  }
0xe: {  	[smem:$0x3FB0] =	sst s6  }
0xf: {  	[smem:$0x3FB1] =	sst s7  }
0x10: {  	[smem:$0x3FB2] =	sst s8  }
0x11: {  	[smem:$0x3FB3] =	sst s9;
	s0 =	simm.s32 @!p0 $0x0  }
0x12: {  	s1 =	sld [smem:$0x3F99];
	s0 =	simm.s32 @p0 $0x1  }
0x13: {  	[smem:$0x3FB4] =	sst s0;
	s0 =	simm.s32 @!p1 $0x0  }
0x14: {  	s2 =	sld [smem:$0x3F98];
	s0 =	simm.s32 @p1 $0x1  }
0x15: {  	[smem:$0x3FB5] =	sst s0;
	s0 =	simm.s32 @!p2 $0x0  }
0x16: {  	s3 =	sld [smem:$0x3FDB];
	s0 =	simm.s32 @p2 $0x1  }
0x17: {  	s4 =	simm.s32 $0x1BF5;
	[smem:$0x3FB7] =	sst s0  }
0x18: {  	s0 =	sld [smem:$0x3F9A];
	_ =	swait.ge [sflag:s4], $0x0  }
0x19: {  	s7 =	sld [smem:$0x3F9B]  }
0x1a: {  	s8 =	sadd.s32 $0xFFFFE003, lr  }
0x1b: {  	s9 =	sadd.s32 $0xFFFFFEF7, lr;
	s5 =	simm.s32 $0xFFFFFFFF;
	p2 =	slt.u32 s8, $0xFFFFF086  }
0x1c: {  	p1 =	slt.u32 s9, $0xF7A;
	s5 =	simm.s32 @!p2 $0x0  }
0x1d: {  	s5 =	simm.s32 @p1 $0x1;
	p0 =	seq.s32 s7, s2  }
0x1e: {  	s7 =	smul.u32 @!p0 $0xF7A, s2;
	p2 =	seq.s32 @!p0 s5, $0x0  }
0x1f: {  	s9 =	smul.u32 $0xF7A, s1;
	s8 =	simm.s32 @!p0 $0x1BF5;
	p2 =	por !p2, p0  }
0x20: {  	[sflag:s8] =	ssyncset.s32 @!p0 $0xFFFFF086;
	s6 =	sadd.s32 @!p0 s3, s7;
	s7 =	simm.s32 @!p0 $0x108  }
0x21: {  	s3 =	sadd.s32 s3, s9;
	s6 =	sadd.s32 @!p0 $0x88, s6;
	s7 =	simm.s32 @p2 $0x1082  }
0x22: {  	[simem:s7], [sflag:s8] =	dma.local @!p0 [hbm:s6], $0xF7A  }
0x23: {  	s9 =	sor.u32 $0xD0000000, s2;
	s6 =	simm.s32 $0x108;
	_ =	swait.ge @!p0 [sflag:s8], $0x0  }
0x24: {  	s3 =	sadd.s32 $0x88, s3;
	s6 =	simm.s32 @!p1 $0x1082;
	[sflag:s4] =	ssyncset.s32 $0xFFFFF086  }
0x25: {  	[simem:s6], [sflag:s4] =	dma.local [hbm:s3], $0xF7A  }
0x26: {  	[smem:$0x3F9B] =	sst s1;
	(tag) =	ssettag s2;
	_ =	strace s9  }
0x27: {  	s1 =	sld [smem:$0x3FAB]  }
0x28: {  	s2 =	sld [smem:$0x3FAC]  }
0x29: {  	s4 =	sld [smem:$0x3FAE]  }
0x2a: {  	p0 =	seq.s32 s5, $0x0;
	s5 =	sld [smem:$0x3FAF]  }
0x2b: {  	s6 =	sld [smem:$0x3FB0]  }
0x2c: {  	s7 =	sld [smem:$0x3FB1]  }
0x2d: {  	s3 =	simm.s32 $0x108;
	s8 =	sld [smem:$0x3FB2]  }
0x2e: {  	s3 =	simm.s32 @!p0 $0x1082;
	s9 =	sld [smem:$0x3FB3]  }
0x2f: {  	lr =	sadd.s32 s0, s3;
	s0 =	sld [smem:$0x3FAA]  }
0x30: {  	s3 =	sld [smem:$0x3FAD]  }
0x31: {  	[smem:$0x3FB6] =	sst s10  }
0x32: {  	s10 =	sld [smem:$0x3FB4];
	_ =	sdelay $0x3  }
0x33: {  	p0 =	seq.s32 s10, $0x1;
	s10 =	sld [smem:$0x3FB6];
	_ =	sdelay $0x3  }
0x34: {  	[smem:$0x3FB6] =	sst s10  }
0x35: {  	s10 =	sld [smem:$0x3FB5];
	_ =	sdelay $0x3  }
0x36: {  	p1 =	seq.s32 s10, $0x1;
	s10 =	sld [smem:$0x3FB6];
	_ =	sdelay $0x3  }
0x37: {  	[smem:$0x3FB6] =	sst s10  }
0x38: {  	s10 =	sld [smem:$0x3FB7]  }
0x39: {  	_ = 	snop;
	(pc) =	sbr.ind lr, $3  }
0x3a: {  	_ = 	snop  }
0x3b: {  	_ = 	snop  }
0x3c: {  	p2 =	seq.s32 s10, $0x1;
	s10 =	sld [smem:$0x3FB6]  }
0x3d: {  	_ =	shalt  }
0x3e: {  	_ =	shalt  }
0x3f: {  	_ =	shalt  }
0x40: {  	_ =	shalt  }
0x41: {  	_ =	shalt  }
0x42: {  	_ =	shalt  }
0x43: {  	_ =	shalt  }
0x44: {  	_ =	shalt  }
0x45: {  	_ =	shalt  }
0x46: {  	_ =	shalt  }
0x47: {  	_ =	shalt  }
0x48: {  	_ =	shalt  }
0x49: {  	_ =	shalt  }
0x4a: {  	_ =	shalt  }
0x4b: {  	_ =	shalt  }
0x4c: {  	_ =	shalt  }
0x4d: {  	_ =	shalt  }
0x4e: {  	_ =	shalt  }
0x4f: {  	_ =	shalt  }
0x50: {  	_ =	shalt  }
0x51: {  	_ =	shalt  }
0x52: {  	_ =	shalt  }
0x53: {  	_ =	shalt  }
0x54: {  	_ =	shalt  }
0x55: {  	_ =	shalt  }
0x56: {  	_ =	shalt  }
0x57: {  	_ =	shalt  }
0x58: {  	_ =	shalt  }
0x59: {  	_ =	shalt  }
0x5a: {  	_ =	shalt  }
0x5b: {  	_ =	shalt  }
0x5c: {  	_ =	shalt  }
0x5d: {  	_ =	shalt  }
0x5e: {  	_ =	shalt  }
0x5f: {  	_ =	shalt  }
0x60: {  	_ =	shalt  }
0x61: {  	_ =	shalt  }
0x62: {  	_ =	shalt  }
0x63: {  	_ =	shalt  }
0x64: {  	_ =	shalt  }
0x65: {  	_ =	shalt  }
0x66: {  	_ =	shalt  }
0x67: {  	_ =	shalt  }
0x68: {  	_ =	shalt  }
0x69: {  	_ =	shalt  }
0x6a: {  	_ =	shalt  }
0x6b: {  	_ =	shalt  }
0x6c: {  	_ =	shalt  }
0x6d: {  	_ =	shalt  }
0x6e: {  	_ =	shalt  }
0x6f: {  	_ =	shalt  }
0x70: {  	_ =	shalt  }
0x71: {  	_ =	shalt  }
0x72: {  	_ =	shalt  }
0x73: {  	_ =	shalt  }
0x74: {  	_ =	shalt  }
0x75: {  	_ =	shalt  }
0x76: {  	_ =	shalt  }
0x77: {  	_ =	shalt  }
0x78: {  	_ =	shalt  }
0x79: {  	_ =	shalt  }
0x7a: {  	_ =	shalt  }
0x7b: {  	_ =	shalt  }
0x7c: {  	_ =	shalt  }
0x7d: {  	_ =	shalt  }
0x7e: {  	_ =	shalt  }
0x7f: {  	_ =	shalt  }
0x80: {  	_ =	shalt  }
0x81: {  	_ =	shalt  }
0x82: {  	_ =	shalt  }
0x83: {  	_ =	shalt  }
0x84: {  	_ =	shalt  }
0x85: {  	_ =	shalt  }
0x86: {  	_ =	shalt  }
0x87: {  	_ =	shalt  }
.Lfunc_end0:
.L_simem_size_0:
called_computation_lowered:
.L_overlay_start_0:
0x88: {  	s2 =	sld [smem:$0x3FD9]  }
0x89: {  	s3 =	sld [smem:$0x3FFE];
	_ =	sdelay $0x1  }
0x8a: {  	s1 =	srdreg.scid  }
0x8b: {  	s0 =	sand.u32 $0x1, s1  }
0x8c: {  	s17 =	sshll.u32 s0, $0xA;
	s2 =	sadd.s32 s3, s2  }
0x8d: {  	s2 =	sadd.s32 s2, s17  }
0x8e: {  	[smem:$0x3FC2] =	sst s2  }
0x8f: {  	_ = 	snop  }
0x90: {  	s2 =	sld [smem:$0x3FD0];
	(tm) =	ssettm $0x1  }
0x91: {  	s18 =	sld [smem:$0x3FFB];
	_ =	sdelay $0x3  }
0x92: {  	_ =	strace s18  }
0x93: {  	s3 =	sld [smem:$0x3FFC];
	_ =	sdelay $0x3  }
0x94: {  	_ =	strace s3  }
0x95: {  	s3 =	sld [smem:$0x3FFD];
	_ =	sdelay $0x3  }
0x96: {  	_ =	strace s3  }
0x97: {  	_ =	strace $0x8FFFFFFF  }
0x98: {  	s19 =	sld [smem:$0x3FDB];
	_ =	sdelay $0x1  }
0x99: {  	s4 =	simm.s32 $_scs_section_size  }
0x9a: {  	s5 =	simm.s32 $_size__tile_overlayer_lowered;
	s6 =	simm.s32 $_tile_overlayer_lowered  }
0x9b: {  	s22 =	simm.s32 $0x1BFF;
	s21 =	sshll.u32 s6, $0x1;
	s3 =	sadd.s32 s4, s19  }
0x9c: {  	s7 =	simm.s32 $0x0;
	s20 =	sshll.u32 s5, $0x1;
	s5 =	sadd.s32 s21, s3  }
0x9d: {  	[timem:s7], [sflag:s22] =	dma.local [hbm:s5], s20  }
0x9e: {  	_ =	swait.ge [sflag:s22], s20  }
0x9f: {  	s4 =	ssub.s32 $0x0, s20;
	[sflag:s22] =	ssyncset.done $0x0  }
0xa0: {  	[sflag:s22] =	ssyncadd.s32 s4;
	_ =	sdelay $0x1  }
0xa1: {  	s23 =	simm.s32 $0x1B8B  }
0xa2: {  	_ =	swait.ge [sflag:s23], $0x1  }
0xa3: {  	[sflag:s23] =	ssyncset.done $0x0  }
0xa4: {  	s25 =	simm.s32 $0x1B8E;
	s24 =	sld [smem:$0x3FFE];
	[sflag:s23] =	ssyncadd.s32 $0xFFFFFFFF  }
0xa5: {  	s26 =	simm.s32 $execute0_lowered;
	[smem:$0x3FD2] =	sst s25  }
0xa6: {  	s5 =	sshll.u32 s26, $0x1;
	_ =	strace $0x80000046;
	[dreg:$0x1] =	wrdreg $0xFFFFFFFF  }
0xa7: {  	s28 =	simm.s32 $_size_execute0_lowered;
	s3 =	sadd.s32 s3, s5;
	[dreg:$0x0] =	wrdreg $0x0  }
0xa8: {  	s5 =	sshll.u32 s28, $0x1;
	[dreg:$0x2] =	wrdreg s3  }
0xa9: {  	[dreg:$0x3] =	wrdreg s5  }
0xaa: {  	[dreg:$0x4] =	wrdreg $0xC0  }
0xab: {  	_ =	task [dreg:s7], $0x5FFFF  }
0xac: {  	[dreg:$0x1] =	wrdreg $0xFFFFFFFF  }
0xad: {  	[dreg:$0x0] =	wrdreg $0x60  }
0xae: {  	[dreg:$0x2] =	wrdreg s2  }
0xaf: {  	[dreg:$0x3] =	wrdreg s24  }
0xb0: {  	[dreg:$0x4] =	wrdreg $0x9  }
0xb1: {  	_ =	task.clear_ibuf [dreg:s7], $0x5FFFF;
	_ =	strace $0x90000046  }
0xb2: {  	s29 =	simm.s32 $0x9;
	_ =	strace $0x80000048  }
0xb3: {  	_ =	swait.ge [sflag:s29], $0x1  }
0xb4: {  	[sflag:s29] =	ssyncadd.s32 $0xFFFFFFFF  }
0xb5: {  	_ =	strace $0x90000048  }
0xb6: {  	_ =	sfence  }
0xb7: {  	s30 =	sld [smem:$0x0];
	_ =	sdelay $0x2  }
0xb8: {  	s31 =	sshll.u32 s1, $0xD;
	s1 =	sshrl.u32 s1, $0x2  }
0xb9: {  	s3 =	sand.u32 $0x4000, s31;
	s1 =	sadd.s32 s1, s30  }
0xba: {  	s0 =	sor.u32 s3, s0;
	s1 =	sshll.u32 s1, $0x11  }
0xbb: {  	s0 =	sor.u32 s1, s0  }
0xbc: {  	s0 =	sadd.s32 $0x8F2B, s0  }
0xbd: {  	[sflag:s0] =	ssyncadd.remote.s32 $0x1  }
0xbe: {  	_ =	sfence.sel $0xFFFF  }
0xbf: {  	[dreg:$0x0] =	wrdreg $0xFFFFFFFF;
	(pc) =	sbr.abs _section_cstart, $3  }
0xc0: {  	[dreg:$0x1] =	wrdreg $0xFFFFFFFF  }
0xc1: {  	_ =	task.clear_ibuf [dreg:s7], $0x2FFFF;
	_ =	strace $0x9FFFFFFF  }
0xc2: {  	(tm) =	ssettm $0x7FFFFFFF  }
0xc3: {  	_ =	shalt  }
tec
execute0_lowered:
.L_overlay_start_1:
0x0: {  	(tag) =	ssettag $0x1  }
0x1: {  	s1 =	srdreg.scid  }
0x2: {  	s0 =	stileid.u32;
	s1 =	sand.u32 $0x1, s1  }
0x3: {  	s3 =	rddreg [dreg:$0x0];
	s2 =	sshll.u32 s0, $0x5;
	s4 =	sshll.u32 s1, $0x4  }
0x4: {  	s5 =	rddreg [dreg:$0x1];
	s4 =	sor.u32 s4, s2;
	s2 =	simm.s32 $0x0  }
0x5: {  	s25 =	simm.s32 $0x880;
	[smem:$0x7FF] =	sst s2  }
0x6: {  	s26 =	simm.s32 $0x1080;
	_ =	strace $0x80000047;
	[dreg:$0x5] =	wrdreg s25  }
0x7: {  	s0 =	simm.s32 $0x1880;
	[dreg:$0x6] =	wrdreg s26  }
0x8: {  	s7 =	simm.s32 $0x3080;
	[dreg:$0x7] =	wrdreg s0  }
0x9: {  	s8 =	simm.s32 $0x3880;
	[dreg:$0xa] =	wrdreg s7  }
0xa: {  	s9 =	simm.s32 $0x4080;
	[dreg:$0xb] =	wrdreg s8  }
0xb: {  	s10 =	simm.s32 $0x4880;
	[dreg:$0xc] =	wrdreg s9  }
0xc: {  	s11 =	simm.s32 $0x5080;
	s12 =	simm.s32 $0x5880;
	[dreg:$0xd] =	wrdreg s10  }
0xd: {  	s13 =	simm.s32 $0x6080;
	s14 =	simm.s32 $0x6880;
	[dreg:$0xe] =	wrdreg s11  }
0xe: {  	s15 =	simm.s32 $0x7080;
	s16 =	simm.s32 $0x7880;
	[dreg:$0xf] =	wrdreg s12  }
0xf: {  	s17 =	simm.s32 $0x8080;
	s18 =	simm.s32 $0x8880;
	[dreg:$0x10] =	wrdreg s13  }
0x10: {  	s19 =	simm.s32 $0x9080;
	s21 =	simm.s32 $0x9880;
	[dreg:$0x11] =	wrdreg s14  }
0x11: {  	s22 =	simm.s32 $0xA080;
	s23 =	simm.s32 $0xA880;
	[dreg:$0x12] =	wrdreg s15  }
0x12: {  	s24 =	simm.s32 $0xB880;
	s28 =	simm.s32 $0x16080;
	[dreg:$0x13] =	wrdreg s16  }
0x13: {  	s29 =	simm.s32 $0x16880;
	s30 =	simm.s32 $0x17080;
	[dreg:$0x14] =	wrdreg s17  }
0x14: {  	s31 =	simm.s32 $0x17880;
	s1 =	ssub.s32 $0x2, s1;
	[dreg:$0x15] =	wrdreg s18  }
0x15: {  	s20 =	sshrl.u32 s1, $0x1;
	s6 =	sand.u32 $0xF0, s4;
	[dreg:$0x16] =	wrdreg s19  }
0x16: {  	s4 =	sadd.s32 s4, s5;
	s1 =	ssub.s32 s1, s20;
	[dreg:$0x17] =	wrdreg s21  }
0x17: {  	s20 =	simm.s32 $0x12880;
	s6 =	smul.u32 $0x300, s6;
	[dreg:$0x18] =	wrdreg s22  }
0x18: {  	s4 =	sadd.s32 $0x1C00, s4;
	[dreg:$0x19] =	wrdreg s23;
	s7 =	simm.s32 $0xB080  }
0x19: {  	[dreg:$0x1b] =	wrdreg s24;
	s25 =	simm.s32 $0xC080;
	s8 =	simm.s32 $0x80  }
0x1a: {  	s26 =	simm.s32 $0xC880;
	s10 =	simm.s32 $0xD880;
	s11 =	simm.s32 $0xE080  }
0x1b: {  	s12 =	simm.s32 $0xE880;
	s13 =	simm.s32 $0xF080;
	s14 =	simm.s32 $0xF880  }
0x1c: {  	s15 =	simm.s32 $0x10080;
	s16 =	simm.s32 $0x10880;
	s17 =	simm.s32 $0x11080  }
0x1d: {  	s18 =	simm.s32 $0x11880;
	s19 =	simm.s32 $0x12080;
	[dreg:$0x3] =	wrdreg s4  }
0x1e: {  	s21 =	simm.s32 $0x13080;
	s22 =	simm.s32 $0x13880;
	[dreg:$0x1a] =	wrdreg s7  }
0x1f: {  	s23 =	simm.s32 $0x14080;
	s24 =	simm.s32 $0x14880;
	[dreg:$0x1c] =	wrdreg s25  }
0x20: {  	s4 =	simm.s32 $0x2080;
	s7 =	simm.s32 $0x2;
	[dreg:$0x1d] =	wrdreg s26  }
0x21: {  	s25 =	simm.s32 $0x15080;
	s3 =	sadd.s32 s3, s6;
	[dreg:$0x8] =	wrdreg s4  }
0x22: {  	v2 =	vlaneseq.u32;
	s26 =	simm.s32 $0x15880;
	s6 =	simm.s32 $0x2880;
	[dreg:$0x4] =	wrdreg s3  }
0x23: {  	vm0 =	vmmov $0xffff;
	v1 =	vshrl.u32 v2, $0x3;
	s4 =	sadd.s32 $0x2100, s5;
	[dreg:$0x9] =	wrdreg s6;
	s3 =	sadd.s32 $0x2000, s5  }
0x24: {  	v0 =	vand.u32 $0x7, v2;
	v2 =	vor.u32 $0x8, v2;
	v1 =	vmul.u32 $0x8, v1;
	s5 =	sadd.s32 $0x2200, s5;
	s6 =	smax.u32 s1, $0x1;
	s1 =	simm.s32 $0x1  }
.LBB2_1:
0x25: {  	s0 =	rddreg [dreg:$0x3]  }
0x26: {  	[tilespmem:s2], [sflag:$0x2] =	stream.linear.gather [hbm4b:s0+s2], $0x80, $0x38;
	[tilespmem:$0x18080] =	vst v63  }
0x27: {  	_ =	swait.ge [sflag:s7], $0x80  }
0x28: {  	[sflag:s7] =	ssyncset.done $0x0  }
0x29: {  	s9 =	rddreg [dreg:$0x4];
	[sflag:s7] =	ssyncadd.s32 $0xFFFFFF80  }
0x2a: {  	[tilespmem:s8], [sflag:$0x2] =	stream.linear.gather [hbm4b:s9+s2], $0x18000, $0x38;
	[tilespmem:$0x18080] =	vst v63  }
0x2b: {  	_ =	swait.ge [sflag:s7], $0x18000  }
0x2c: {  	[sflag:s7] =	ssyncset.done $0x0  }
0x2d: {  	[sflag:s7] =	ssyncadd.s32 $0xFFFE8000  }
0x2e: {  	v3 =	vld [tilespmem:$0x0];
	_ =	sdelay $0x4  }
0x2f: {  	v4 =	vshrl.u32 v3, $0x3  }
0x30: {  	v4 =	vmul.u32 $0x30, v4  }
0x31: {  	v3 =	vand.u32 $0x7, v3  }
0x32: {  	v3 =	vor.u32 v3, v4  }
0x33: {  	v4 =	vperm.xlane v3, v0;
	_ =	sdelay $0x1  }
0x34: {  	v4 =	vadd.s32 v1, v4;
	_ =	sdelay $0x3  }
0x35: {  	v3 =	vperm.xlane v3, v2  }
0x36: {  	[hbm4b:s3+s2] =	stream.indirect_vreg.scatter [tilespmem:s8], [sflag:$0x1], $0x80, v4, vm0, $0xb8;
	[tilespmem:$0x18080] =	vst v63  }
0x37: {  	s0 =	rddreg [dreg:$0x5];
	v3 =	vadd.s32 v1, v3  }
0x38: {  	[hbm4b:s4+s2] =	stream.indirect_vreg.scatter [tilespmem:s0], [sflag:$0x1], $0x80, v4, vm0, $0xb8;
	[tilespmem:$0x18080] =	vst v63  }
0x39: {  	s9 =	rddreg [dreg:$0x6]  }
0x3a: {  	[hbm4b:s5+s2] =	stream.indirect_vreg.scatter [tilespmem:s9], [sflag:$0x1], $0x80, v4, vm0, $0xb8;
	[tilespmem:$0x18080] =	vst v63  }
0x3b: {  	s0 =	rddreg [dreg:$0x7]  }
0x3c: {  	[hbm4b:s3+s2] =	stream.indirect_vreg.scatter [tilespmem:s0], [sflag:$0x1], $0x80, v3, vm0, $0xb8;
	[tilespmem:$0x18080] =	vst v63  }
0x3d: {  	s9 =	rddreg [dreg:$0x8]  }
0x3e: {  	[hbm4b:s4+s2] =	stream.indirect_vreg.scatter [tilespmem:s9], [sflag:$0x1], $0x80, v3, vm0, $0xb8;
	[tilespmem:$0x18080] =	vst v63  }
0x3f: {  	s0 =	rddreg [dreg:$0x9]  }
0x40: {  	[hbm4b:s5+s2] =	stream.indirect_vreg.scatter [tilespmem:s0], [sflag:$0x1], $0x80, v3, vm0, $0xb8;
	[tilespmem:$0x18080] =	vst v63  }
0x41: {  	v3 =	vld [tilespmem:$0x10];
	_ =	sdelay $0x4  }
0x42: {  	v57 =	vshrl.u32 v3, $0x3  }
0x43: {  	v4 =	vmul.u32 $0x30, v57  }
0x44: {  	v3 =	vand.u32 $0x7, v3  }
0x45: {  	v3 =	vor.u32 v3, v4  }
0x46: {  	v4 =	vperm.xlane v3, v0;
	_ =	sdelay $0x1  }
0x47: {  	v4 =	vadd.s32 v1, v4;
	_ =	sdelay $0x3  }
0x48: {  	s0 =	rddreg [dreg:$0xa];
	v3 =	vperm.xlane v3, v2  }
0x49: {  	[hbm4b:s3+s2] =	stream.indirect_vreg.scatter [tilespmem:s0], [sflag:$0x1], $0x80, v4, vm0, $0xb8;
	[tilespmem:$0x18080] =	vst v63  }
0x4a: {  	s9 =	rddreg [dreg:$0xb];
	v3 =	vadd.s32 v1, v3  }
0x4b: {  	[hbm4b:s4+s2] =	stream.indirect_vreg.scatter [tilespmem:s9], [sflag:$0x1], $0x80, v4, vm0, $0xb8;
	[tilespmem:$0x18080] =	vst v63  }
0x4c: {  	s0 =	rddreg [dreg:$0xc]  }
0x4d: {  	[hbm4b:s5+s2] =	stream.indirect_vreg.scatter [tilespmem:s0], [sflag:$0x1], $0x80, v4, vm0, $0xb8;
	[tilespmem:$0x18080] =	vst v63  }
0x4e: {  	s9 =	rddreg [dreg:$0xd]  }
0x4f: {  	[hbm4b:s3+s2] =	stream.indirect_vreg.scatter [tilespmem:s9], [sflag:$0x1], $0x80, v3, vm0, $0xb8;
	[tilespmem:$0x18080] =	vst v63  }
0x50: {  	s0 =	rddreg [dreg:$0xe]  }
0x51: {  	[hbm4b:s4+s2] =	stream.indirect_vreg.scatter [tilespmem:s0], [sflag:$0x1], $0x80, v3, vm0, $0xb8;
	[tilespmem:$0x18080] =	vst v63  }
0x52: {  	s9 =	rddreg [dreg:$0xf]  }
0x53: {  	[hbm4b:s5+s2] =	stream.indirect_vreg.scatter [tilespmem:s9], [sflag:$0x1], $0x80, v3, vm0, $0xb8;
	[tilespmem:$0x18080] =	vst v63  }
0x54: {  	v3 =	vld [tilespmem:$0x20];
	_ =	sdelay $0x4  }
0x55: {  	v58 =	vshrl.u32 v3, $0x3  }
0x56: {  	v4 =	vmul.u32 $0x30, v58  }
0x57: {  	v3 =	vand.u32 $0x7, v3  }
0x58: {  	v3 =	vor.u32 v3, v4  }
0x59: {  	v4 =	vperm.xlane v3, v0;
	_ =	sdelay $0x1  }
0x5a: {  	v4 =	vadd.s32 v1, v4;
	_ =	sdelay $0x3  }
0x5b: {  	s0 =	rddreg [dreg:$0x10];
	v3 =	vperm.xlane v3, v2  }
0x5c: {  	[hbm4b:s3+s2] =	stream.indirect_vreg.scatter [tilespmem:s0], [sflag:$0x1], $0x80, v4, vm0, $0xb8;
	[tilespmem:$0x18080] =	vst v63  }
0x5d: {  	s9 =	rddreg [dreg:$0x11];
	v3 =	vadd.s32 v1, v3  }
0x5e: {  	[hbm4b:s4+s2] =	stream.indirect_vreg.scatter [tilespmem:s9], [sflag:$0x1], $0x80, v4, vm0, $0xb8;
	[tilespmem:$0x18080] =	vst v63  }
0x5f: {  	s0 =	rddreg [dreg:$0x12]  }
0x60: {  	[hbm4b:s5+s2] =	stream.indirect_vreg.scatter [tilespmem:s0], [sflag:$0x1], $0x80, v4, vm0, $0xb8;
	[tilespmem:$0x18080] =	vst v63  }
0x61: {  	s9 =	rddreg [dreg:$0x13]  }
0x62: {  	[hbm4b:s3+s2] =	stream.indirect_vreg.scatter [tilespmem:s9], [sflag:$0x1], $0x80, v3, vm0, $0xb8;
	[tilespmem:$0x18080] =	vst v63  }
0x63: {  	s0 =	rddreg [dreg:$0x14]  }
0x64: {  	[hbm4b:s4+s2] =	stream.indirect_vreg.scatter [tilespmem:s0], [sflag:$0x1], $0x80, v3, vm0, $0xb8;
	[tilespmem:$0x18080] =	vst v63  }
0x65: {  	s9 =	rddreg [dreg:$0x15]  }
0x66: {  	[hbm4b:s5+s2] =	stream.indirect_vreg.scatter [tilespmem:s9], [sflag:$0x1], $0x80, v3, vm0, $0xb8;
	[tilespmem:$0x18080] =	vst v63  }
0x67: {  	v3 =	vld [tilespmem:$0x30];
	_ =	sdelay $0x4  }
0x68: {  	v59 =	vshrl.u32 v3, $0x3  }
0x69: {  	v4 =	vmul.u32 $0x30, v59  }
0x6a: {  	v3 =	vand.u32 $0x7, v3  }
0x6b: {  	v3 =	vor.u32 v3, v4  }
0x6c: {  	v4 =	vperm.xlane v3, v0;
	_ =	sdelay $0x1  }
0x6d: {  	v4 =	vadd.s32 v1, v4;
	_ =	sdelay $0x3  }
0x6e: {  	s0 =	rddreg [dreg:$0x16];
	v3 =	vperm.xlane v3, v2  }
0x6f: {  	[hbm4b:s3+s2] =	stream.indirect_vreg.scatter [tilespmem:s0], [sflag:$0x1], $0x80, v4, vm0, $0xb8;
	[tilespmem:$0x18080] =	vst v63  }
0x70: {  	s9 =	rddreg [dreg:$0x17];
	v3 =	vadd.s32 v1, v3  }
0x71: {  	[hbm4b:s4+s2] =	stream.indirect_vreg.scatter [tilespmem:s9], [sflag:$0x1], $0x80, v4, vm0, $0xb8;
	[tilespmem:$0x18080] =	vst v63  }
0x72: {  	s0 =	rddreg [dreg:$0x18]  }
0x73: {  	[hbm4b:s5+s2] =	stream.indirect_vreg.scatter [tilespmem:s0], [sflag:$0x1], $0x80, v4, vm0, $0xb8;
	[tilespmem:$0x18080] =	vst v63  }
0x74: {  	s9 =	rddreg [dreg:$0x19]  }
0x75: {  	[hbm4b:s3+s2] =	stream.indirect_vreg.scatter [tilespmem:s9], [sflag:$0x1], $0x80, v3, vm0, $0xb8;
	[tilespmem:$0x18080] =	vst v63  }
0x76: {  	s0 =	rddreg [dreg:$0x1a]  }
0x77: {  	[hbm4b:s4+s2] =	stream.indirect_vreg.scatter [tilespmem:s0], [sflag:$0x1], $0x80, v3, vm0, $0xb8;
	[tilespmem:$0x18080] =	vst v63  }
0x78: {  	s9 =	rddreg [dreg:$0x1b]  }
0x79: {  	[hbm4b:s5+s2] =	stream.indirect_vreg.scatter [tilespmem:s9], [sflag:$0x1], $0x80, v3, vm0, $0xb8;
	[tilespmem:$0x18080] =	vst v63  }
0x7a: {  	v3 =	vld [tilespmem:$0x40];
	_ =	sdelay $0x4  }
0x7b: {  	v60 =	vshrl.u32 v3, $0x3  }
0x7c: {  	v4 =	vmul.u32 $0x30, v60  }
0x7d: {  	v3 =	vand.u32 $0x7, v3  }
0x7e: {  	v3 =	vor.u32 v3, v4  }
0x7f: {  	v4 =	vperm.xlane v3, v0;
	_ =	sdelay $0x1  }
0x80: {  	v4 =	vadd.s32 v1, v4;
	_ =	sdelay $0x3  }
0x81: {  	s0 =	rddreg [dreg:$0x1c];
	v3 =	vperm.xlane v3, v2  }
0x82: {  	[hbm4b:s3+s2] =	stream.indirect_vreg.scatter [tilespmem:s0], [sflag:$0x1], $0x80, v4, vm0, $0xb8;
	[tilespmem:$0x18080] =	vst v63  }
0x83: {  	s9 =	rddreg [dreg:$0x1d];
	v3 =	vadd.s32 v1, v3  }
0x84: {  	[hbm4b:s4+s2] =	stream.indirect_vreg.scatter [tilespmem:s9], [sflag:$0x1], $0x80, v4, vm0, $0xb8;
	[tilespmem:$0x18080] =	vst v63  }
0x85: {  	s9 =	simm.s32 $0xD080  }
0x86: {  	[hbm4b:s5+s2] =	stream.indirect_vreg.scatter [tilespmem:s9], [sflag:$0x1], $0x80, v4, vm0, $0xb8;
	[tilespmem:$0x18080] =	vst v63  }
0x87: {  	_ = 	snop  }
0x88: {  	[hbm4b:s3+s2] =	stream.indirect_vreg.scatter [tilespmem:s10], [sflag:$0x1], $0x80, v3, vm0, $0xb8;
	[tilespmem:$0x18080] =	vst v63  }
0x89: {  	_ = 	snop  }
0x8a: {  	[hbm4b:s4+s2] =	stream.indirect_vreg.scatter [tilespmem:s11], [sflag:$0x1], $0x80, v3, vm0, $0xb8;
	[tilespmem:$0x18080] =	vst v63  }
0x8b: {  	_ = 	snop  }
0x8c: {  	[hbm4b:s5+s2] =	stream.indirect_vreg.scatter [tilespmem:s12], [sflag:$0x1], $0x80, v3, vm0, $0xb8;
	[tilespmem:$0x18080] =	vst v63  }
0x8d: {  	v3 =	vld [tilespmem:$0x50];
	_ =	sdelay $0x4  }
0x8e: {  	v61 =	vshrl.u32 v3, $0x3  }
0x8f: {  	v4 =	vmul.u32 $0x30, v61  }
0x90: {  	v3 =	vand.u32 $0x7, v3  }
0x91: {  	v3 =	vor.u32 v3, v4  }
0x92: {  	v4 =	vperm.xlane v3, v0;
	_ =	sdelay $0x1  }
0x93: {  	v4 =	vadd.s32 v1, v4;
	_ =	sdelay $0x3  }
0x94: {  	v3 =	vperm.xlane v3, v2  }
0x95: {  	[hbm4b:s3+s2] =	stream.indirect_vreg.scatter [tilespmem:s13], [sflag:$0x1], $0x80, v4, vm0, $0xb8;
	[tilespmem:$0x18080] =	vst v63  }
0x96: {  	v3 =	vadd.s32 v1, v3  }
0x97: {  	[hbm4b:s4+s2] =	stream.indirect_vreg.scatter [tilespmem:s14], [sflag:$0x1], $0x80, v4, vm0, $0xb8;
	[tilespmem:$0x18080] =	vst v63  }
0x98: {  	_ = 	snop  }
0x99: {  	[hbm4b:s5+s2] =	stream.indirect_vreg.scatter [tilespmem:s15], [sflag:$0x1], $0x80, v4, vm0, $0xb8;
	[tilespmem:$0x18080] =	vst v63  }
0x9a: {  	_ = 	snop  }
0x9b: {  	[hbm4b:s3+s2] =	stream.indirect_vreg.scatter [tilespmem:s16], [sflag:$0x1], $0x80, v3, vm0, $0xb8;
	[tilespmem:$0x18080] =	vst v63  }
0x9c: {  	_ = 	snop  }
0x9d: {  	[hbm4b:s4+s2] =	stream.indirect_vreg.scatter [tilespmem:s17], [sflag:$0x1], $0x80, v3, vm0, $0xb8;
	[tilespmem:$0x18080] =	vst v63  }
0x9e: {  	_ = 	snop  }
0x9f: {  	[hbm4b:s5+s2] =	stream.indirect_vreg.scatter [tilespmem:s18], [sflag:$0x1], $0x80, v3, vm0, $0xb8;
	[tilespmem:$0x18080] =	vst v63  }
0xa0: {  	v3 =	vld [tilespmem:$0x60];
	_ =	sdelay $0x4  }
0xa1: {  	v62 =	vshrl.u32 v3, $0x3  }
0xa2: {  	v4 =	vmul.u32 $0x30, v62  }
0xa3: {  	v3 =	vand.u32 $0x7, v3  }
0xa4: {  	v3 =	vor.u32 v3, v4  }
0xa5: {  	v4 =	vperm.xlane v3, v0;
	_ =	sdelay $0x1  }
0xa6: {  	v4 =	vadd.s32 v1, v4;
	_ =	sdelay $0x3  }
0xa7: {  	v3 =	vperm.xlane v3, v2  }
0xa8: {  	[hbm4b:s3+s2] =	stream.indirect_vreg.scatter [tilespmem:s19], [sflag:$0x1], $0x80, v4, vm0, $0xb8;
	[tilespmem:$0x18080] =	vst v63  }
0xa9: {  	v3 =	vadd.s32 v1, v3  }
0xaa: {  	[hbm4b:s4+s2] =	stream.indirect_vreg.scatter [tilespmem:s20], [sflag:$0x1], $0x80, v4, vm0, $0xb8;
	[tilespmem:$0x18080] =	vst v63  }
0xab: {  	_ = 	snop  }
0xac: {  	[hbm4b:s5+s2] =	stream.indirect_vreg.scatter [tilespmem:s21], [sflag:$0x1], $0x80, v4, vm0, $0xb8;
	[tilespmem:$0x18080] =	vst v63  }
0xad: {  	_ = 	snop  }
0xae: {  	[hbm4b:s3+s2] =	stream.indirect_vreg.scatter [tilespmem:s22], [sflag:$0x1], $0x80, v3, vm0, $0xb8;
	[tilespmem:$0x18080] =	vst v63  }
0xaf: {  	_ = 	snop  }
0xb0: {  	[hbm4b:s4+s2] =	stream.indirect_vreg.scatter [tilespmem:s23], [sflag:$0x1], $0x80, v3, vm0, $0xb8;
	[tilespmem:$0x18080] =	vst v63  }
0xb1: {  	_ = 	snop  }
0xb2: {  	[hbm4b:s5+s2] =	stream.indirect_vreg.scatter [tilespmem:s24], [sflag:$0x1], $0x80, v3, vm0, $0xb8;
	[tilespmem:$0x18080] =	vst v63  }
0xb3: {  	v3 =	vld [tilespmem:$0x70];
	_ =	sdelay $0x4  }
0xb4: {  	v63 =	vshrl.u32 v3, $0x3  }
0xb5: {  	v4 =	vmul.u32 $0x30, v63  }
0xb6: {  	v3 =	vand.u32 $0x7, v3  }
0xb7: {  	v3 =	vor.u32 v3, v4  }
0xb8: {  	v4 =	vperm.xlane v3, v0;
	_ =	sdelay $0x1  }
0xb9: {  	v4 =	vadd.s32 v1, v4;
	_ =	sdelay $0x3  }
0xba: {  	v3 =	vperm.xlane v3, v2  }
0xbb: {  	[hbm4b:s3+s2] =	stream.indirect_vreg.scatter [tilespmem:s25], [sflag:$0x1], $0x80, v4, vm0, $0xb8;
	[tilespmem:$0x18080] =	vst v63  }
0xbc: {  	v3 =	vadd.s32 v1, v3  }
0xbd: {  	[hbm4b:s4+s2] =	stream.indirect_vreg.scatter [tilespmem:s26], [sflag:$0x1], $0x80, v4, vm0, $0xb8;
	[tilespmem:$0x18080] =	vst v63  }
0xbe: {  	_ = 	snop  }
0xbf: {  	[hbm4b:s5+s2] =	stream.indirect_vreg.scatter [tilespmem:s28], [sflag:$0x1], $0x80, v4, vm0, $0xb8;
	[tilespmem:$0x18080] =	vst v63  }
0xc0: {  	_ = 	snop  }
0xc1: {  	[hbm4b:s3+s2] =	stream.indirect_vreg.scatter [tilespmem:s29], [sflag:$0x1], $0x80, v3, vm0, $0xb8;
	[tilespmem:$0x18080] =	vst v63  }
0xc2: {  	p0 =	sne.s32 s6, $0x1  }
0xc3: {  	[hbm4b:s4+s2] =	stream.indirect_vreg.scatter [tilespmem:s30], [sflag:$0x1], $0x80, v3, vm0, $0xb8;
	[tilespmem:$0x18080] =	vst v63  }
.Ltmp0:
0xc4: {  	_ = 	snop;
	(pc) =	sbr.rel @p0 .LBB2_1-.Ltmp0, $4  }
0xc5: {  	[hbm4b:s5+s2] =	stream.indirect_vreg.scatter [tilespmem:s31], [sflag:$0x1], $0x80, v3, vm0, $0xb8;
	[tilespmem:$0x18080] =	vst v63  }
0xc6: {  	_ =	swait.ge [sflag:s1], $0x18000  }
0xc7: {  	[sflag:s1] =	ssyncset.done $0x0  }
0xc8: {  	s6 =	sadd.s32 $0xFFFFFFFF, s6;
	[sflag:s1] =	ssyncadd.s32 $0xFFFE8000  }
0xc9: {  	_ =	sfence.sel $0x180000  }
0xca: {  	[bflag:$0x0] =	sbarrier.arrive $0xFFFF  }
0xcb: {  	_ =	strace $0x90000047  }
0xcc: {  	s0 =	stileid.u32;
	[bflag:$0x2] =	sbarrier.arrive $0xFFFF  }
0xcd: {  	p0 =	sne.s32 s0, $0x0;
	s0 =	rddreg [dreg:$0x2]  }
0xce: {  	s0 =	sadd.s32 @!p0 $0x100000, s0  }
0xcf: {  	[sflag:s0] =	ssyncadd.tile.s32 @!p0 $0x1;
	_ =	shalt  }
.Lfunc_end2:
_tile_overlayer_lowered:
.L_overlay_start_2:
0xd0: {  	(tag) =	ssettag $0x2  }
0xd1: {  	s0 =	rddreg [dreg:$0x0];
	s2 =	stileid.u32  }
0xd2: {  	s1 =	rddreg [dreg:$0x1];
	p0 =	sne.s32 s2, $0x0  }
0xd3: {  	s3 =	rddreg [dreg:$0x2];
	[bflag:$0x3] =	sbarrier.arrive $0xFFFF;
	s2 =	simm.s32 @!p0 $0x1C02  }
0xd4: {  	[timem:s3], [sflag:s2] =	dma.local @!p0 [hbm:s0], s1  }
0xd5: {  	s0 =	simm.s32 @!p0 $0x2  }
0xd6: {  	_ =	swait.ge @!p0 [sflag:s0], s1  }
0xd7: {  	s1 =	ssub.s32 @!p0 $0x0, s1;
	[sflag:s0] =	ssyncset.done @!p0 $0x0  }
0xd8: {  	[sflag:s0] =	ssyncadd.s32 @!p0 s1  }
0xd9: {  	[bflag:$0x3] =	sbarrier.arrive $0xFFFF  }
0xda: {  	_ =	shalt  }

</sc_bundles>
